<compile_context>
chip_gen: v7x
topology: tpu7x:2x2x1
jax: 0.10.2.dev20260603
libtpu: 0.0.44.dev20260713+nightly
codegen_flags: <defaults>
</compile_context>

<pallas_src>
import functools

import jax
import jax.numpy as jnp
from jax import lax
from jax.experimental import pallas as pl
from jax.experimental.pallas import tpu as pltpu
from jax.experimental.pallas import tpu_sc as plsc

N = 50000
E = 800000
H = 64

N_PAD = 50176
E_PAD = 802816
SENTINEL = N

NUM_SC = 2
NUM_SUBCORES = 16
NW = NUM_SC * NUM_SUBCORES
CH = 128
NB_PAD = 53248

BE = 2048
SUB = 128
BN = 1024

_mesh = plsc.VectorSubcoreMesh(core_axis_name="c", subcore_axis_name="s")



def _dot(a, b):
    return jnp.dot(a, b, preferred_element_type=jnp.float32)


def _mlp3(feats, p3, block_rows):
    (W1, b1), (W2, b2), (W3, b3) = p3
    R, Fin = feats.shape
    F1, F2, F3 = W1.shape[1], W2.shape[1], W3.shape[1]

    def body(f, w1, b1r, w2, b2r, w3, b3r, o):
        h = jnp.maximum(_dot(f[...], w1[...]) + b1r[...], 0.0)
        h = jnp.maximum(_dot(h, w2[...]) + b2r[...], 0.0)
        o[...] = _dot(h, w3[...]) + b3r[...]

    return pl.pallas_call(
        body,
        grid=(R // block_rows,),
        in_specs=[
            pl.BlockSpec((block_rows, Fin), lambda i: (i, 0)),
            pl.BlockSpec((Fin, F1), lambda i: (0, 0)),
            pl.BlockSpec((1, F1), lambda i: (0, 0)),
            pl.BlockSpec((F1, F2), lambda i: (0, 0)),
            pl.BlockSpec((1, F2), lambda i: (0, 0)),
            pl.BlockSpec((F2, F3), lambda i: (0, 0)),
            pl.BlockSpec((1, F3), lambda i: (0, 0)),
        ],
        out_specs=pl.BlockSpec((block_rows, F3), lambda i: (i, 0)),
        out_shape=jax.ShapeDtypeStruct((R, F3), jnp.float32),
    )(feats, W1, b1.reshape(1, -1), W2, b2.reshape(1, -1), W3,
      b3.reshape(1, -1))


def _proj_pair(x, Ws, Wd):

    def body(xr, ws, wd, o):
        o[:, :H] = _dot(xr[...], ws[...])
        o[:, H:] = _dot(xr[...], wd[...])

    rows = pl.BlockSpec((BN, H), lambda i: (i, 0))
    wspec = pl.BlockSpec((H, H), lambda i: (0, 0))
    return pl.pallas_call(
        body,
        grid=(N_PAD // BN,),
        in_specs=[rows, wspec, wspec],
        out_specs=pl.BlockSpec((BN, 2 * H), lambda i: (i, 0)),
        out_shape=jax.ShapeDtypeStruct((N_PAD, 2 * H), jnp.float32),
    )(x, Ws, Wd)


def _edge_block(e, S, D, p3):
    (W1, b1), (W2, b2), (W3, b3) = p3
    W1e = W1[:H]

    def body(er, sr, dr, w1e, b1r, w2, b2r, w3, b3r, oe, ot, carry):
        @pl.when(pl.program_id(0) == 0)
        def _():
            carry[...] = jnp.zeros_like(carry)

        h = jnp.maximum(
            _dot(er[...], w1e[...]) + sr[:, :H] + dr[:, H:] + b1r[...], 0.0)
        h = jnp.maximum(_dot(h, w2[...]) + b2r[...], 0.0)
        e_new = er[...] + _dot(h, w3[...]) + b3r[...]
        oe[...] = e_new

        s = e_new
        k = 1
        while k < BE:
            s = s + jnp.concatenate(
                [jnp.zeros((k, H), jnp.float32), s[:-k]], axis=0)
            k *= 2
        ot[:, :H] = s - e_new
        ot[:, H:] = jnp.broadcast_to(carry[...], (BE, H))
        carry[...] = carry[...] + s[BE - 1:BE, :]

    rows = pl.BlockSpec((BE, H), lambda i: (i, 0))
    prows = pl.BlockSpec((BE, 2 * H), lambda i: (i, 0))
    wspec = pl.BlockSpec((H, H), lambda i: (0, 0))
    bspec = pl.BlockSpec((1, H), lambda i: (0, 0))
    return pl.pallas_call(
        body,
        grid=(E_PAD // BE,),
        in_specs=[rows, prows, prows, wspec, bspec, wspec, bspec,
                  wspec, bspec],
        out_specs=[rows, prows],
        out_shape=[jax.ShapeDtypeStruct((E_PAD, H), jnp.float32),
                   jax.ShapeDtypeStruct((E_PAD, 2 * H), jnp.float32)],
        scratch_shapes=[pltpu.VMEM((1, H), jnp.float32)],
    )(e, S, D, W1e, b1.reshape(1, -1), W2, b2.reshape(1, -1),
      W3, b3.reshape(1, -1))


def _node_block(x, A0, A1, p3):
    (W1, b1), (W2, b2), (W3, b3) = p3
    W1x, W1a = W1[:H], W1[H:]

    def body(xr, a0r, a1r, w1x, w1a, b1r, w2, b2r, w3, b3r, o):
        agg = (a1r[:, :H] - a0r[:, :H]) + (a1r[:, H:] - a0r[:, H:])
        h = jnp.maximum(
            _dot(xr[...], w1x[...]) + _dot(agg, w1a[...]) + b1r[...], 0.0)
        h = jnp.maximum(_dot(h, w2[...]) + b2r[...], 0.0)
        o[...] = xr[...] + _dot(h, w3[...]) + b3r[...]

    rows = pl.BlockSpec((BN, H), lambda i: (i, 0))
    arows = pl.BlockSpec((BN, 2 * H), lambda i: (i, 0))
    wspec = pl.BlockSpec((H, H), lambda i: (0, 0))
    bspec = pl.BlockSpec((1, H), lambda i: (0, 0))
    return pl.pallas_call(
        body,
        grid=(N_PAD // BN,),
        in_specs=[rows, arows, arows, wspec, wspec, bspec, wspec, bspec,
                  wspec, bspec],
        out_specs=rows,
        out_shape=jax.ShapeDtypeStruct((N_PAD, H), jnp.float32),
    )(x, A0, A1, W1x, W1a, b1.reshape(1, -1), W2, b2.reshape(1, -1), W3,
      b3.reshape(1, -1))



@functools.lru_cache(maxsize=None)
def _make_gather(n_idx, table_rows):
    per_tile = n_idx // NW
    n_chunks = per_tile // CH

    @functools.partial(
        pl.kernel,
        mesh=_mesh,
        out_type=[jax.ShapeDtypeStruct((n_idx, 2 * H), jnp.float32),
                  jax.ShapeDtypeStruct((n_idx, 2 * H), jnp.float32)],
        scratch_types=[
            pltpu.VMEM((CH,), jnp.int32),
            pltpu.VMEM((CH,), jnp.int32),
            pltpu.VMEM((CH, 2 * H), jnp.float32),
            pltpu.VMEM((CH, 2 * H), jnp.float32),
            pltpu.SemaphoreType.DMA,
            pltpu.SemaphoreType.DMA,
        ],
    )
    def gather2(pk_hbm, ia_hbm, ib_hbm, a_hbm, b_hbm,
                ai_v, bi_v, ar_v, br_v, sem_a, sem_b):
        wid = lax.axis_index("s") * NUM_SC + lax.axis_index("c")
        base = wid * per_tile

        @pl.loop(0, n_chunks)
        def _(j):
            off = base + j * CH
            pltpu.sync_copy(ia_hbm.at[pl.ds(off, CH)], ai_v)
            pltpu.sync_copy(ib_hbm.at[pl.ds(off, CH)], bi_v)
            ca = pltpu.async_copy(pk_hbm.at[ai_v], ar_v, sem_a)
            cb = pltpu.async_copy(pk_hbm.at[bi_v], br_v, sem_b)
            ca.wait()
            cb.wait()
            pltpu.sync_copy(ar_v, a_hbm.at[pl.ds(off, CH)])
            pltpu.sync_copy(br_v, b_hbm.at[pl.ds(off, CH)])

    return gather2



def kernel(node_features, edge_features, edge_index, params):
    nf = jnp.pad(node_features, ((0, N_PAD - N), (0, 0)))
    ef = jnp.pad(edge_features, ((0, E_PAD - E), (0, 0)))
    src = jnp.pad(edge_index[0], (0, E_PAD - E))
    dst = jnp.pad(edge_index[1], (0, E_PAD - E), constant_values=SENTINEL)

    order = jnp.argsort(dst)
    src = src[order]
    dst = dst[order]
    ef = ef[order]

    rs = jnp.searchsorted(dst, jnp.arange(N_PAD + 1, dtype=jnp.int32))
    rs = jnp.minimum(rs, E_PAD - 1).astype(jnp.int32)
    rs0 = jnp.pad(rs[:N_PAD], (0, NB_PAD - N_PAD))
    rs1 = jnp.pad(rs[1:N_PAD + 1], (0, NB_PAD - N_PAD))

    gather_e = _make_gather(E_PAD, N_PAD)
    gather_n = _make_gather(NB_PAD, E_PAD)

    x = _mlp3(nf, params["node_enc"], BN)
    e = _mlp3(ef, params["edge_enc"], BE)
    for blk in params["blocks"]:
        W1 = blk["edge"][0][0]
        pk = _proj_pair(x, W1[H:2 * H], W1[2 * H:])
        S, D = gather_e(pk, src, dst)
        e, tab = _edge_block(e, S, D, blk["edge"])
        A0, A1 = gather_n(tab, rs0, rs1)
        x = _node_block(x, A0, A1, blk["node"])
    out = _mlp3(x, params["decoder"], BN)
    return out[:N]

# --- scband reference (transcript-rebuilt; emitter-appended) ---
"""Pipeline reference for scband-mesh-graph-net-68504728371499 (READ-ONLY COPY).

The authoritative reference and input builder live on the scoring server;
editing this copy changes nothing except your own understanding.
"""

import jax, jax.numpy as jnp
import numpy as np

N = 50000
E = 800000
H = 64
P = 2  # processor_size


def _init_mlp(key, dims):
    params = []
    for i in range(len(dims) - 1):
        key, k1 = jax.random.split(key)
        W = jax.random.normal(k1, (dims[i], dims[i + 1]), jnp.float32) * (1.0 / np.sqrt(dims[i]))
        b = jnp.zeros((dims[i + 1],), jnp.float32)
        params.append((W, b))
    return params


def _apply_mlp(params, x):
    for (W, b) in params[:-1]:
        x = jax.nn.relu(x @ W + b)
    W, b = params[-1]
    return x @ W + b


def setup_inputs(seed: int = 0) -> dict:
    key = jax.random.key(seed)
    ks = jax.random.split(key, 8)
    node_features = jax.random.normal(ks[0], (N, 4), jnp.float32)
    edge_features = jax.random.normal(ks[1], (E, 3), jnp.float32)
    edge_index = jax.random.randint(ks[2], (2, E), 0, N, dtype=jnp.int32)
    params = {
        "node_enc": _init_mlp(ks[3], [4, H, H, H]),
        "edge_enc": _init_mlp(ks[4], [3, H, H, H]),
        "blocks": [
            {
                "edge": _init_mlp(jax.random.fold_in(ks[5], i), [3 * H, H, H, H]),
                "node": _init_mlp(jax.random.fold_in(ks[6], i), [2 * H, H, H, H]),
            }
            for i in range(P)
        ],
        "decoder": _init_mlp(ks[7], [H, H, H, 2]),
    }
    return {
        "node_features": node_features,
        "edge_features": edge_features,
        "edge_index": edge_index,
        "params": params,
    }


def reference(node_features, edge_features, edge_index, params):
    # Encoders (MeshGraphMLP with hidden_layers=2 -> 3 linear layers, ReLU between)
    x = _apply_mlp(params["node_enc"], node_features)
    e = _apply_mlp(params["edge_enc"], edge_features)
    src = edge_index[0]
    dst = edge_index[1]
    # Processor: alternating MeshEdgeBlock / MeshNodeBlock with residuals and
    # sum aggregation (canonical MeshGraphNet message passing)
    for blk in params["blocks"]:
        x_src = jnp.take(x, src, axis=0)
        x_dst = jnp.take(x, dst, axis=0)
        e = e + _apply_mlp(blk["edge"], jnp.concatenate([e, x_src, x_dst], axis=-1))
        agg = jax.ops.segment_sum(e, dst, num_segments=N)
        x = x + _apply_mlp(blk["node"], jnp.concatenate([x, agg], axis=-1))
    # Decoder
    return _apply_mlp(params["decoder"], x)

if __name__ == "__main__":
    import jax
    _d = setup_inputs()
    print(jax.jit(kernel)(*tuple(_d.values())))

</pallas_src>

<mosaic_0001>
#map = affine_map<(d0, d1) -> (0, 0)>
#map1 = affine_map<(d0, d1) -> (0)>
module attributes {stable_mosaic.version = 14 : i64} {
  func.func @gather2(%arg0: i32, %arg1: i32, %arg2: memref<50176x128xf32, #tpu.memory_space<hbm>>, %arg3: memref<802816xi32, #tpu.memory_space<hbm>>, %arg4: memref<802816xi32, #tpu.memory_space<hbm>>, %arg5: memref<802816x128xf32, #tpu.memory_space<hbm>>, %arg6: memref<802816x128xf32, #tpu.memory_space<hbm>>, %arg7: memref<128xi32, #tpu.memory_space<vmem>>, %arg8: memref<128xi32, #tpu.memory_space<vmem>>, %arg9: memref<128x128xf32, #tpu.memory_space<vmem>>, %arg10: memref<128x128xf32, #tpu.memory_space<vmem>>, %arg11: memref<!tpu.dma_semaphore, #tpu.memory_space<semaphore_mem>>, %arg12: memref<!tpu.dma_semaphore, #tpu.memory_space<semaphore_mem>>) attributes {dimension_semantics = [#tpu.dimension_semantics<core_parallel>, #tpu.dimension_semantics<subcore_parallel>], iteration_bounds = array<i64: 2, 16>, scalar_prefetch = 0 : i64, scratch_operands = 6 : i64, tpu.core_type = #tpu.core_type<sc_vector_subcore>, window_params = [{transform_indices = #map}, {transform_indices = #map1}, {transform_indices = #map1}, {transform_indices = #map}, {transform_indices = #map}]} {
    %mul3A = arith.constant 2 : i32
    %mul3A_0 = arith.muli %arg1, %mul3A : i32
    %add3A = arith.addi %mul3A_0, %arg0 : i32
    %mul3A_1 = arith.constant 25088 : i32
    %mul3A_2 = arith.muli %add3A, %mul3A_1 : i32
    %scan3A = arith.constant 0 : i32
    %scan3A_3 = arith.constant 196 : i32
    %scan3A_4 = arith.addi %scan3A, %scan3A_3 : i32
    %scan3A_5 = arith.constant 1 : i32
    scf.for %scan3A_7 = %scan3A to %scan3A_4 step %scan3A_5  : i32 {
      %mul3A_8 = arith.constant 1 : i32
      %mul3A_9 = arith.muli %scan3A_7, %mul3A_8 : i32
      %add3A_10 = arith.constant 0 : i32
      %add3A_11 = arith.addi %add3A_10, %mul3A_9 : i32
      %mul3A_12 = arith.constant 128 : i32
      %mul3A_13 = arith.muli %add3A_11, %mul3A_12 : i32
      %add3A_14 = arith.addi %mul3A_2, %mul3A_13 : i32
      "tpu.region"() ({
        %run_scoped3A = tpu.sem_alloc : memref<!tpu.dma_semaphore, #tpu.memory_space<semaphore_mem>>
        %dma_start3A_25 = tpu.memref_slice %arg3[%add3A_14] : memref<802816xi32, #tpu.memory_space<hbm>> -> memref<128xi32, #tpu.memory_space<hbm>>
        %dma_start3A_26 = tpu.memref_slice %arg3[%add3A_14] : memref<802816xi32, #tpu.memory_space<hbm>> -> memref<128xi32, #tpu.memory_space<hbm>>
        tpu.enqueue_dma source(%dma_start3A_26 : memref<128xi32, #tpu.memory_space<hbm>>) target(%arg7 : memref<128xi32, #tpu.memory_space<vmem>>) target_semaphore(%run_scoped3A : memref<!tpu.dma_semaphore, #tpu.memory_space<semaphore_mem>>)
        %dma_wait3A_27 = tpu.memref_slice %arg3[%add3A_14] : memref<802816xi32, #tpu.memory_space<hbm>> -> memref<128xi32, #tpu.memory_space<hbm>>
        %dma_wait3A_28 = tpu.memref_slice %arg3[%add3A_14] : memref<802816xi32, #tpu.memory_space<hbm>> -> memref<128xi32, #tpu.memory_space<hbm>>
        tpu.wait_dma2 semaphore(%run_scoped3A : memref<!tpu.dma_semaphore, #tpu.memory_space<semaphore_mem>>) src(%dma_wait3A_28 : memref<128xi32, #tpu.memory_space<hbm>>) dst(%arg7 : memref<128xi32, #tpu.memory_space<vmem>>)
        tpu.yield
      }) : () -> ()
      "tpu.region"() ({
        %run_scoped3A = tpu.sem_alloc : memref<!tpu.dma_semaphore, #tpu.memory_space<semaphore_mem>>
        %dma_start3A_25 = tpu.memref_slice %arg4[%add3A_14] : memref<802816xi32, #tpu.memory_space<hbm>> -> memref<128xi32, #tpu.memory_space<hbm>>
        %dma_start3A_26 = tpu.memref_slice %arg4[%add3A_14] : memref<802816xi32, #tpu.memory_space<hbm>> -> memref<128xi32, #tpu.memory_space<hbm>>
        tpu.enqueue_dma source(%dma_start3A_26 : memref<128xi32, #tpu.memory_space<hbm>>) target(%arg8 : memref<128xi32, #tpu.memory_space<vmem>>) target_semaphore(%run_scoped3A : memref<!tpu.dma_semaphore, #tpu.memory_space<semaphore_mem>>)
        %dma_wait3A_27 = tpu.memref_slice %arg4[%add3A_14] : memref<802816xi32, #tpu.memory_space<hbm>> -> memref<128xi32, #tpu.memory_space<hbm>>
        %dma_wait3A_28 = tpu.memref_slice %arg4[%add3A_14] : memref<802816xi32, #tpu.memory_space<hbm>> -> memref<128xi32, #tpu.memory_space<hbm>>
        tpu.wait_dma2 semaphore(%run_scoped3A : memref<!tpu.dma_semaphore, #tpu.memory_space<semaphore_mem>>) src(%dma_wait3A_28 : memref<128xi32, #tpu.memory_space<hbm>>) dst(%arg8 : memref<128xi32, #tpu.memory_space<vmem>>)
        tpu.yield
      }) : () -> ()
      %dma_start3A = arith.constant 0 : i32
      %dma_start3A_15 = arith.constant 0 : i32
      %dma_start3A_16 = tpu.memref_slice %arg2[%dma_start3A, %dma_start3A_15] : memref<50176x128xf32, #tpu.memory_space<hbm>> -> memref<50176x128xf32, #tpu.memory_space<hbm>>
      tpu.enqueue_indirect_dma source(%dma_start3A_16 : memref<50176x128xf32, #tpu.memory_space<hbm>>) target(%arg9 : memref<128x128xf32, #tpu.memory_space<vmem>>) offsets(%arg7 : memref<128xi32, #tpu.memory_space<vmem>>) semaphore(%arg11 : memref<!tpu.dma_semaphore, #tpu.memory_space<semaphore_mem>>)
      %dma_start3A_17 = arith.constant 0 : i32
      %dma_start3A_18 = arith.constant 0 : i32
      %dma_start3A_19 = tpu.memref_slice %arg2[%dma_start3A_17, %dma_start3A_18] : memref<50176x128xf32, #tpu.memory_space<hbm>> -> memref<50176x128xf32, #tpu.memory_space<hbm>>
      tpu.enqueue_indirect_dma source(%dma_start3A_19 : memref<50176x128xf32, #tpu.memory_space<hbm>>) target(%arg10 : memref<128x128xf32, #tpu.memory_space<vmem>>) offsets(%arg8 : memref<128xi32, #tpu.memory_space<vmem>>) semaphore(%arg12 : memref<!tpu.dma_semaphore, #tpu.memory_space<semaphore_mem>>)
      %dma_wait3A = arith.constant 0 : i32
      %dma_wait3A_20 = arith.constant 0 : i32
      %dma_wait3A_21 = tpu.memref_slice %arg2[%dma_wait3A, %dma_wait3A_20] : memref<50176x128xf32, #tpu.memory_space<hbm>> -> memref<50176x128xf32, #tpu.memory_space<hbm>>
      tpu.wait_indirect_dma semaphore(%arg11 : memref<!tpu.dma_semaphore, #tpu.memory_space<semaphore_mem>>) src(%dma_wait3A_21 : memref<50176x128xf32, #tpu.memory_space<hbm>>) dst(%arg9 : memref<128x128xf32, #tpu.memory_space<vmem>>)
      %dma_wait3A_22 = arith.constant 0 : i32
      %dma_wait3A_23 = arith.constant 0 : i32
      %dma_wait3A_24 = tpu.memref_slice %arg2[%dma_wait3A_22, %dma_wait3A_23] : memref<50176x128xf32, #tpu.memory_space<hbm>> -> memref<50176x128xf32, #tpu.memory_space<hbm>>
      tpu.wait_indirect_dma semaphore(%arg12 : memref<!tpu.dma_semaphore, #tpu.memory_space<semaphore_mem>>) src(%dma_wait3A_24 : memref<50176x128xf32, #tpu.memory_space<hbm>>) dst(%arg10 : memref<128x128xf32, #tpu.memory_space<vmem>>)
      "tpu.region"() ({
        %run_scoped3A = tpu.sem_alloc : memref<!tpu.dma_semaphore, #tpu.memory_space<semaphore_mem>>
        %dma_start3A_25 = arith.constant 0 : i32
        %dma_start3A_26 = tpu.memref_slice %arg5[%add3A_14, %dma_start3A_25] : memref<802816x128xf32, #tpu.memory_space<hbm>> -> memref<128x128xf32, #tpu.memory_space<hbm>>
        %dma_start3A_27 = arith.constant 0 : i32
        %dma_start3A_28 = tpu.memref_slice %arg5[%add3A_14, %dma_start3A_27] : memref<802816x128xf32, #tpu.memory_space<hbm>> -> memref<128x128xf32, #tpu.memory_space<hbm>>
        tpu.enqueue_dma source(%arg9 : memref<128x128xf32, #tpu.memory_space<vmem>>) target(%dma_start3A_28 : memref<128x128xf32, #tpu.memory_space<hbm>>) target_semaphore(%run_scoped3A : memref<!tpu.dma_semaphore, #tpu.memory_space<semaphore_mem>>)
        %dma_wait3A_29 = arith.constant 0 : i32
        %dma_wait3A_30 = tpu.memref_slice %arg5[%add3A_14, %dma_wait3A_29] : memref<802816x128xf32, #tpu.memory_space<hbm>> -> memref<128x128xf32, #tpu.memory_space<hbm>>
        %dma_wait3A_31 = arith.constant 0 : i32
        %dma_wait3A_32 = tpu.memref_slice %arg5[%add3A_14, %dma_wait3A_31] : memref<802816x128xf32, #tpu.memory_space<hbm>> -> memref<128x128xf32, #tpu.memory_space<hbm>>
        tpu.wait_dma2 semaphore(%run_scoped3A : memref<!tpu.dma_semaphore, #tpu.memory_space<semaphore_mem>>) src(%arg9 : memref<128x128xf32, #tpu.memory_space<vmem>>) dst(%dma_wait3A_32 : memref<128x128xf32, #tpu.memory_space<hbm>>)
        tpu.yield
      }) : () -> ()
      "tpu.region"() ({
        %run_scoped3A = tpu.sem_alloc : memref<!tpu.dma_semaphore, #tpu.memory_space<semaphore_mem>>
        %dma_start3A_25 = arith.constant 0 : i32
        %dma_start3A_26 = tpu.memref_slice %arg6[%add3A_14, %dma_start3A_25] : memref<802816x128xf32, #tpu.memory_space<hbm>> -> memref<128x128xf32, #tpu.memory_space<hbm>>
        %dma_start3A_27 = arith.constant 0 : i32
        %dma_start3A_28 = tpu.memref_slice %arg6[%add3A_14, %dma_start3A_27] : memref<802816x128xf32, #tpu.memory_space<hbm>> -> memref<128x128xf32, #tpu.memory_space<hbm>>
        tpu.enqueue_dma source(%arg10 : memref<128x128xf32, #tpu.memory_space<vmem>>) target(%dma_start3A_28 : memref<128x128xf32, #tpu.memory_space<hbm>>) target_semaphore(%run_scoped3A : memref<!tpu.dma_semaphore, #tpu.memory_space<semaphore_mem>>)
        %dma_wait3A_29 = arith.constant 0 : i32
        %dma_wait3A_30 = tpu.memref_slice %arg6[%add3A_14, %dma_wait3A_29] : memref<802816x128xf32, #tpu.memory_space<hbm>> -> memref<128x128xf32, #tpu.memory_space<hbm>>
        %dma_wait3A_31 = arith.constant 0 : i32
        %dma_wait3A_32 = tpu.memref_slice %arg6[%add3A_14, %dma_wait3A_31] : memref<802816x128xf32, #tpu.memory_space<hbm>> -> memref<128x128xf32, #tpu.memory_space<hbm>>
        tpu.wait_dma2 semaphore(%run_scoped3A : memref<!tpu.dma_semaphore, #tpu.memory_space<semaphore_mem>>) src(%arg10 : memref<128x128xf32, #tpu.memory_space<vmem>>) dst(%dma_wait3A_32 : memref<128x128xf32, #tpu.memory_space<hbm>>)
        tpu.yield
      }) : () -> ()
    }
    %scan3A_6 = arith.constant 196 : i32
    return
  }
}

#map = affine_map<(d0, d1) -> (0, 0)>
#map1 = affine_map<(d0, d1) -> (0)>
module attributes {stable_mosaic.version = 14 : i64} {
  func.func @gather2(%arg0: i32, %arg1: i32, %arg2: memref<802816x128xf32, #tpu.memory_space<hbm>>, %arg3: memref<53248xi32, #tpu.memory_space<hbm>>, %arg4: memref<53248xi32, #tpu.memory_space<hbm>>, %arg5: memref<53248x128xf32, #tpu.memory_space<hbm>>, %arg6: memref<53248x128xf32, #tpu.memory_space<hbm>>, %arg7: memref<128xi32, #tpu.memory_space<vmem>>, %arg8: memref<128xi32, #tpu.memory_space<vmem>>, %arg9: memref<128x128xf32, #tpu.memory_space<vmem>>, %arg10: memref<128x128xf32, #tpu.memory_space<vmem>>, %arg11: memref<!tpu.dma_semaphore, #tpu.memory_space<semaphore_mem>>, %arg12: memref<!tpu.dma_semaphore, #tpu.memory_space<semaphore_mem>>) attributes {dimension_semantics = [#tpu.dimension_semantics<core_parallel>, #tpu.dimension_semantics<subcore_parallel>], iteration_bounds = array<i64: 2, 16>, scalar_prefetch = 0 : i64, scratch_operands = 6 : i64, tpu.core_type = #tpu.core_type<sc_vector_subcore>, window_params = [{transform_indices = #map}, {transform_indices = #map1}, {transform_indices = #map1}, {transform_indices = #map}, {transform_indices = #map}]} {
    %mul3A = arith.constant 2 : i32
    %mul3A_0 = arith.muli %arg1, %mul3A : i32
    %add3A = arith.addi %mul3A_0, %arg0 : i32
    %mul3A_1 = arith.constant 1664 : i32
    %mul3A_2 = arith.muli %add3A, %mul3A_1 : i32
    %scan3A = arith.constant 0 : i32
    %scan3A_3 = arith.constant 13 : i32
    %scan3A_4 = arith.addi %scan3A, %scan3A_3 : i32
    %scan3A_5 = arith.constant 1 : i32
    scf.for %scan3A_7 = %scan3A to %scan3A_4 step %scan3A_5  : i32 {
      %mul3A_8 = arith.constant 1 : i32
      %mul3A_9 = arith.muli %scan3A_7, %mul3A_8 : i32
      %add3A_10 = arith.constant 0 : i32
      %add3A_11 = arith.addi %add3A_10, %mul3A_9 : i32
      %mul3A_12 = arith.constant 128 : i32
      %mul3A_13 = arith.muli %add3A_11, %mul3A_12 : i32
      %add3A_14 = arith.addi %mul3A_2, %mul3A_13 : i32
      "tpu.region"() ({
        %run_scoped3A = tpu.sem_alloc : memref<!tpu.dma_semaphore, #tpu.memory_space<semaphore_mem>>
        %dma_start3A_25 = tpu.memref_slice %arg3[%add3A_14] : memref<53248xi32, #tpu.memory_space<hbm>> -> memref<128xi32, #tpu.memory_space<hbm>>
        %dma_start3A_26 = tpu.memref_slice %arg3[%add3A_14] : memref<53248xi32, #tpu.memory_space<hbm>> -> memref<128xi32, #tpu.memory_space<hbm>>
        tpu.enqueue_dma source(%dma_start3A_26 : memref<128xi32, #tpu.memory_space<hbm>>) target(%arg7 : memref<128xi32, #tpu.memory_space<vmem>>) target_semaphore(%run_scoped3A : memref<!tpu.dma_semaphore, #tpu.memory_space<semaphore_mem>>)
        %dma_wait3A_27 = tpu.memref_slice %arg3[%add3A_14] : memref<53248xi32, #tpu.memory_space<hbm>> -> memref<128xi32, #tpu.memory_space<hbm>>
        %dma_wait3A_28 = tpu.memref_slice %arg3[%add3A_14] : memref<53248xi32, #tpu.memory_space<hbm>> -> memref<128xi32, #tpu.memory_space<hbm>>
        tpu.wait_dma2 semaphore(%run_scoped3A : memref<!tpu.dma_semaphore, #tpu.memory_space<semaphore_mem>>) src(%dma_wait3A_28 : memref<128xi32, #tpu.memory_space<hbm>>) dst(%arg7 : memref<128xi32, #tpu.memory_space<vmem>>)
        tpu.yield
      }) : () -> ()
      "tpu.region"() ({
        %run_scoped3A = tpu.sem_alloc : memref<!tpu.dma_semaphore, #tpu.memory_space<semaphore_mem>>
        %dma_start3A_25 = tpu.memref_slice %arg4[%add3A_14] : memref<53248xi32, #tpu.memory_space<hbm>> -> memref<128xi32, #tpu.memory_space<hbm>>
        %dma_start3A_26 = tpu.memref_slice %arg4[%add3A_14] : memref<53248xi32, #tpu.memory_space<hbm>> -> memref<128xi32, #tpu.memory_space<hbm>>
        tpu.enqueue_dma source(%dma_start3A_26 : memref<128xi32, #tpu.memory_space<hbm>>) target(%arg8 : memref<128xi32, #tpu.memory_space<vmem>>) target_semaphore(%run_scoped3A : memref<!tpu.dma_semaphore, #tpu.memory_space<semaphore_mem>>)
        %dma_wait3A_27 = tpu.memref_slice %arg4[%add3A_14] : memref<53248xi32, #tpu.memory_space<hbm>> -> memref<128xi32, #tpu.memory_space<hbm>>
        %dma_wait3A_28 = tpu.memref_slice %arg4[%add3A_14] : memref<53248xi32, #tpu.memory_space<hbm>> -> memref<128xi32, #tpu.memory_space<hbm>>
        tpu.wait_dma2 semaphore(%run_scoped3A : memref<!tpu.dma_semaphore, #tpu.memory_space<semaphore_mem>>) src(%dma_wait3A_28 : memref<128xi32, #tpu.memory_space<hbm>>) dst(%arg8 : memref<128xi32, #tpu.memory_space<vmem>>)
        tpu.yield
      }) : () -> ()
      %dma_start3A = arith.constant 0 : i32
      %dma_start3A_15 = arith.constant 0 : i32
      %dma_start3A_16 = tpu.memref_slice %arg2[%dma_start3A, %dma_start3A_15] : memref<802816x128xf32, #tpu.memory_space<hbm>> -> memref<802816x128xf32, #tpu.memory_space<hbm>>
      tpu.enqueue_indirect_dma source(%dma_start3A_16 : memref<802816x128xf32, #tpu.memory_space<hbm>>) target(%arg9 : memref<128x128xf32, #tpu.memory_space<vmem>>) offsets(%arg7 : memref<128xi32, #tpu.memory_space<vmem>>) semaphore(%arg11 : memref<!tpu.dma_semaphore, #tpu.memory_space<semaphore_mem>>)
      %dma_start3A_17 = arith.constant 0 : i32
      %dma_start3A_18 = arith.constant 0 : i32
      %dma_start3A_19 = tpu.memref_slice %arg2[%dma_start3A_17, %dma_start3A_18] : memref<802816x128xf32, #tpu.memory_space<hbm>> -> memref<802816x128xf32, #tpu.memory_space<hbm>>
      tpu.enqueue_indirect_dma source(%dma_start3A_19 : memref<802816x128xf32, #tpu.memory_space<hbm>>) target(%arg10 : memref<128x128xf32, #tpu.memory_space<vmem>>) offsets(%arg8 : memref<128xi32, #tpu.memory_space<vmem>>) semaphore(%arg12 : memref<!tpu.dma_semaphore, #tpu.memory_space<semaphore_mem>>)
      %dma_wait3A = arith.constant 0 : i32
      %dma_wait3A_20 = arith.constant 0 : i32
      %dma_wait3A_21 = tpu.memref_slice %arg2[%dma_wait3A, %dma_wait3A_20] : memref<802816x128xf32, #tpu.memory_space<hbm>> -> memref<802816x128xf32, #tpu.memory_space<hbm>>
      tpu.wait_indirect_dma semaphore(%arg11 : memref<!tpu.dma_semaphore, #tpu.memory_space<semaphore_mem>>) src(%dma_wait3A_21 : memref<802816x128xf32, #tpu.memory_space<hbm>>) dst(%arg9 : memref<128x128xf32, #tpu.memory_space<vmem>>)
      %dma_wait3A_22 = arith.constant 0 : i32
      %dma_wait3A_23 = arith.constant 0 : i32
      %dma_wait3A_24 = tpu.memref_slice %arg2[%dma_wait3A_22, %dma_wait3A_23] : memref<802816x128xf32, #tpu.memory_space<hbm>> -> memref<802816x128xf32, #tpu.memory_space<hbm>>
      tpu.wait_indirect_dma semaphore(%arg12 : memref<!tpu.dma_semaphore, #tpu.memory_space<semaphore_mem>>) src(%dma_wait3A_24 : memref<802816x128xf32, #tpu.memory_space<hbm>>) dst(%arg10 : memref<128x128xf32, #tpu.memory_space<vmem>>)
      "tpu.region"() ({
        %run_scoped3A = tpu.sem_alloc : memref<!tpu.dma_semaphore, #tpu.memory_space<semaphore_mem>>
        %dma_start3A_25 = arith.constant 0 : i32
        %dma_start3A_26 = tpu.memref_slice %arg5[%add3A_14, %dma_start3A_25] : memref<53248x128xf32, #tpu.memory_space<hbm>> -> memref<128x128xf32, #tpu.memory_space<hbm>>
        %dma_start3A_27 = arith.constant 0 : i32
        %dma_start3A_28 = tpu.memref_slice %arg5[%add3A_14, %dma_start3A_27] : memref<53248x128xf32, #tpu.memory_space<hbm>> -> memref<128x128xf32, #tpu.memory_space<hbm>>
        tpu.enqueue_dma source(%arg9 : memref<128x128xf32, #tpu.memory_space<vmem>>) target(%dma_start3A_28 : memref<128x128xf32, #tpu.memory_space<hbm>>) target_semaphore(%run_scoped3A : memref<!tpu.dma_semaphore, #tpu.memory_space<semaphore_mem>>)
        %dma_wait3A_29 = arith.constant 0 : i32
        %dma_wait3A_30 = tpu.memref_slice %arg5[%add3A_14, %dma_wait3A_29] : memref<53248x128xf32, #tpu.memory_space<hbm>> -> memref<128x128xf32, #tpu.memory_space<hbm>>
        %dma_wait3A_31 = arith.constant 0 : i32
        %dma_wait3A_32 = tpu.memref_slice %arg5[%add3A_14, %dma_wait3A_31] : memref<53248x128xf32, #tpu.memory_space<hbm>> -> memref<128x128xf32, #tpu.memory_space<hbm>>
        tpu.wait_dma2 semaphore(%run_scoped3A : memref<!tpu.dma_semaphore, #tpu.memory_space<semaphore_mem>>) src(%arg9 : memref<128x128xf32, #tpu.memory_space<vmem>>) dst(%dma_wait3A_32 : memref<128x128xf32, #tpu.memory_space<hbm>>)
        tpu.yield
      }) : () -> ()
      "tpu.region"() ({
        %run_scoped3A = tpu.sem_alloc : memref<!tpu.dma_semaphore, #tpu.memory_space<semaphore_mem>>
        %dma_start3A_25 = arith.constant 0 : i32
        %dma_start3A_26 = tpu.memref_slice %arg6[%add3A_14, %dma_start3A_25] : memref<53248x128xf32, #tpu.memory_space<hbm>> -> memref<128x128xf32, #tpu.memory_space<hbm>>
        %dma_start3A_27 = arith.constant 0 : i32
        %dma_start3A_28 = tpu.memref_slice %arg6[%add3A_14, %dma_start3A_27] : memref<53248x128xf32, #tpu.memory_space<hbm>> -> memref<128x128xf32, #tpu.memory_space<hbm>>
        tpu.enqueue_dma source(%arg10 : memref<128x128xf32, #tpu.memory_space<vmem>>) target(%dma_start3A_28 : memref<128x128xf32, #tpu.memory_space<hbm>>) target_semaphore(%run_scoped3A : memref<!tpu.dma_semaphore, #tpu.memory_space<semaphore_mem>>)
        %dma_wait3A_29 = arith.constant 0 : i32
        %dma_wait3A_30 = tpu.memref_slice %arg6[%add3A_14, %dma_wait3A_29] : memref<53248x128xf32, #tpu.memory_space<hbm>> -> memref<128x128xf32, #tpu.memory_space<hbm>>
        %dma_wait3A_31 = arith.constant 0 : i32
        %dma_wait3A_32 = tpu.memref_slice %arg6[%add3A_14, %dma_wait3A_31] : memref<53248x128xf32, #tpu.memory_space<hbm>> -> memref<128x128xf32, #tpu.memory_space<hbm>>
        tpu.wait_dma2 semaphore(%run_scoped3A : memref<!tpu.dma_semaphore, #tpu.memory_space<semaphore_mem>>) src(%arg10 : memref<128x128xf32, #tpu.memory_space<vmem>>) dst(%dma_wait3A_32 : memref<128x128xf32, #tpu.memory_space<hbm>>)
        tpu.yield
      }) : () -> ()
    }
    %scan3A_6 = arith.constant 13 : i32
    return
  }
}

#map = affine_map<(d0, d1) -> (0, 0)>
#map1 = affine_map<(d0, d1) -> (0)>
module attributes {stable_mosaic.version = 14 : i64} {
  func.func @gather2(%arg0: i32, %arg1: i32, %arg2: memref<802816x128xf32, #tpu.memory_space<hbm>>, %arg3: memref<53248xi32, #tpu.memory_space<hbm>>, %arg4: memref<53248xi32, #tpu.memory_space<hbm>>, %arg5: memref<53248x128xf32, #tpu.memory_space<hbm>>, %arg6: memref<53248x128xf32, #tpu.memory_space<hbm>>, %arg7: memref<128xi32, #tpu.memory_space<vmem>>, %arg8: memref<128xi32, #tpu.memory_space<vmem>>, %arg9: memref<128x128xf32, #tpu.memory_space<vmem>>, %arg10: memref<128x128xf32, #tpu.memory_space<vmem>>, %arg11: memref<!tpu.dma_semaphore, #tpu.memory_space<semaphore_mem>>, %arg12: memref<!tpu.dma_semaphore, #tpu.memory_space<semaphore_mem>>) attributes {dimension_semantics = [#tpu.dimension_semantics<core_parallel>, #tpu.dimension_semantics<subcore_parallel>], iteration_bounds = array<i64: 2, 16>, scalar_prefetch = 0 : i64, scratch_operands = 6 : i64, tpu.core_type = #tpu.core_type<sc_vector_subcore>, window_params = [{transform_indices = #map}, {transform_indices = #map1}, {transform_indices = #map1}, {transform_indices = #map}, {transform_indices = #map}]} {
    %mul3A = arith.constant 2 : i32
    %mul3A_0 = arith.muli %arg1, %mul3A : i32
    %add3A = arith.addi %mul3A_0, %arg0 : i32
    %mul3A_1 = arith.constant 1664 : i32
    %mul3A_2 = arith.muli %add3A, %mul3A_1 : i32
    %scan3A = arith.constant 0 : i32
    %scan3A_3 = arith.constant 13 : i32
    %scan3A_4 = arith.addi %scan3A, %scan3A_3 : i32
    %scan3A_5 = arith.constant 1 : i32
    scf.for %scan3A_7 = %scan3A to %scan3A_4 step %scan3A_5  : i32 {
      %mul3A_8 = arith.constant 1 : i32
      %mul3A_9 = arith.muli %scan3A_7, %mul3A_8 : i32
      %add3A_10 = arith.constant 0 : i32
      %add3A_11 = arith.addi %add3A_10, %mul3A_9 : i32
      %mul3A_12 = arith.constant 128 : i32
      %mul3A_13 = arith.muli %add3A_11, %mul3A_12 : i32
      %add3A_14 = arith.addi %mul3A_2, %mul3A_13 : i32
      "tpu.region"() ({
        %run_scoped3A = tpu.sem_alloc : memref<!tpu.dma_semaphore, #tpu.memory_space<semaphore_mem>>
        %dma_start3A_25 = tpu.memref_slice %arg3[%add3A_14] : memref<53248xi32, #tpu.memory_space<hbm>> -> memref<128xi32, #tpu.memory_space<hbm>>
        %dma_start3A_26 = tpu.memref_slice %arg3[%add3A_14] : memref<53248xi32, #tpu.memory_space<hbm>> -> memref<128xi32, #tpu.memory_space<hbm>>
        tpu.enqueue_dma source(%dma_start3A_26 : memref<128xi32, #tpu.memory_space<hbm>>) target(%arg7 : memref<128xi32, #tpu.memory_space<vmem>>) target_semaphore(%run_scoped3A : memref<!tpu.dma_semaphore, #tpu.memory_space<semaphore_mem>>)
        %dma_wait3A_27 = tpu.memref_slice %arg3[%add3A_14] : memref<53248xi32, #tpu.memory_space<hbm>> -> memref<128xi32, #tpu.memory_space<hbm>>
        %dma_wait3A_28 = tpu.memref_slice %arg3[%add3A_14] : memref<53248xi32, #tpu.memory_space<hbm>> -> memref<128xi32, #tpu.memory_space<hbm>>
        tpu.wait_dma2 semaphore(%run_scoped3A : memref<!tpu.dma_semaphore, #tpu.memory_space<semaphore_mem>>) src(%dma_wait3A_28 : memref<128xi32, #tpu.memory_space<hbm>>) dst(%arg7 : memref<128xi32, #tpu.memory_space<vmem>>)
        tpu.yield
      }) : () -> ()
      "tpu.region"() ({
        %run_scoped3A = tpu.sem_alloc : memref<!tpu.dma_semaphore, #tpu.memory_space<semaphore_mem>>
        %dma_start3A_25 = tpu.memref_slice %arg4[%add3A_14] : memref<53248xi32, #tpu.memory_space<hbm>> -> memref<128xi32, #tpu.memory_space<hbm>>
        %dma_start3A_26 = tpu.memref_slice %arg4[%add3A_14] : memref<53248xi32, #tpu.memory_space<hbm>> -> memref<128xi32, #tpu.memory_space<hbm>>
        tpu.enqueue_dma source(%dma_start3A_26 : memref<128xi32, #tpu.memory_space<hbm>>) target(%arg8 : memref<128xi32, #tpu.memory_space<vmem>>) target_semaphore(%run_scoped3A : memref<!tpu.dma_semaphore, #tpu.memory_space<semaphore_mem>>)
        %dma_wait3A_27 = tpu.memref_slice %arg4[%add3A_14] : memref<53248xi32, #tpu.memory_space<hbm>> -> memref<128xi32, #tpu.memory_space<hbm>>
        %dma_wait3A_28 = tpu.memref_slice %arg4[%add3A_14] : memref<53248xi32, #tpu.memory_space<hbm>> -> memref<128xi32, #tpu.memory_space<hbm>>
        tpu.wait_dma2 semaphore(%run_scoped3A : memref<!tpu.dma_semaphore, #tpu.memory_space<semaphore_mem>>) src(%dma_wait3A_28 : memref<128xi32, #tpu.memory_space<hbm>>) dst(%arg8 : memref<128xi32, #tpu.memory_space<vmem>>)
        tpu.yield
      }) : () -> ()
      %dma_start3A = arith.constant 0 : i32
      %dma_start3A_15 = arith.constant 0 : i32
      %dma_start3A_16 = tpu.memref_slice %arg2[%dma_start3A, %dma_start3A_15] : memref<802816x128xf32, #tpu.memory_space<hbm>> -> memref<802816x128xf32, #tpu.memory_space<hbm>>
      tpu.enqueue_indirect_dma source(%dma_start3A_16 : memref<802816x128xf32, #tpu.memory_space<hbm>>) target(%arg9 : memref<128x128xf32, #tpu.memory_space<vmem>>) offsets(%arg7 : memref<128xi32, #tpu.memory_space<vmem>>) semaphore(%arg11 : memref<!tpu.dma_semaphore, #tpu.memory_space<semaphore_mem>>)
      %dma_start3A_17 = arith.constant 0 : i32
      %dma_start3A_18 = arith.constant 0 : i32
      %dma_start3A_19 = tpu.memref_slice %arg2[%dma_start3A_17, %dma_start3A_18] : memref<802816x128xf32, #tpu.memory_space<hbm>> -> memref<802816x128xf32, #tpu.memory_space<hbm>>
      tpu.enqueue_indirect_dma source(%dma_start3A_19 : memref<802816x128xf32, #tpu.memory_space<hbm>>) target(%arg10 : memref<128x128xf32, #tpu.memory_space<vmem>>) offsets(%arg8 : memref<128xi32, #tpu.memory_space<vmem>>) semaphore(%arg12 : memref<!tpu.dma_semaphore, #tpu.memory_space<semaphore_mem>>)
      %dma_wait3A = arith.constant 0 : i32
      %dma_wait3A_20 = arith.constant 0 : i32
      %dma_wait3A_21 = tpu.memref_slice %arg2[%dma_wait3A, %dma_wait3A_20] : memref<802816x128xf32, #tpu.memory_space<hbm>> -> memref<802816x128xf32, #tpu.memory_space<hbm>>
      tpu.wait_indirect_dma semaphore(%arg11 : memref<!tpu.dma_semaphore, #tpu.memory_space<semaphore_mem>>) src(%dma_wait3A_21 : memref<802816x128xf32, #tpu.memory_space<hbm>>) dst(%arg9 : memref<128x128xf32, #tpu.memory_space<vmem>>)
      %dma_wait3A_22 = arith.constant 0 : i32
      %dma_wait3A_23 = arith.constant 0 : i32
      %dma_wait3A_24 = tpu.memref_slice %arg2[%dma_wait3A_22, %dma_wait3A_23] : memref<802816x128xf32, #tpu.memory_space<hbm>> -> memref<802816x128xf32, #tpu.memory_space<hbm>>
      tpu.wait_indirect_dma semaphore(%arg12 : memref<!tpu.dma_semaphore, #tpu.memory_space<semaphore_mem>>) src(%dma_wait3A_24 : memref<802816x128xf32, #tpu.memory_space<hbm>>) dst(%arg10 : memref<128x128xf32, #tpu.memory_space<vmem>>)
      "tpu.region"() ({
        %run_scoped3A = tpu.sem_alloc : memref<!tpu.dma_semaphore, #tpu.memory_space<semaphore_mem>>
        %dma_start3A_25 = arith.constant 0 : i32
        %dma_start3A_26 = tpu.memref_slice %arg5[%add3A_14, %dma_start3A_25] : memref<53248x128xf32, #tpu.memory_space<hbm>> -> memref<128x128xf32, #tpu.memory_space<hbm>>
        %dma_start3A_27 = arith.constant 0 : i32
        %dma_start3A_28 = tpu.memref_slice %arg5[%add3A_14, %dma_start3A_27] : memref<53248x128xf32, #tpu.memory_space<hbm>> -> memref<128x128xf32, #tpu.memory_space<hbm>>
        tpu.enqueue_dma source(%arg9 : memref<128x128xf32, #tpu.memory_space<vmem>>) target(%dma_start3A_28 : memref<128x128xf32, #tpu.memory_space<hbm>>) target_semaphore(%run_scoped3A : memref<!tpu.dma_semaphore, #tpu.memory_space<semaphore_mem>>)
        %dma_wait3A_29 = arith.constant 0 : i32
        %dma_wait3A_30 = tpu.memref_slice %arg5[%add3A_14, %dma_wait3A_29] : memref<53248x128xf32, #tpu.memory_space<hbm>> -> memref<128x128xf32, #tpu.memory_space<hbm>>
        %dma_wait3A_31 = arith.constant 0 : i32
        %dma_wait3A_32 = tpu.memref_slice %arg5[%add3A_14, %dma_wait3A_31] : memref<53248x128xf32, #tpu.memory_space<hbm>> -> memref<128x128xf32, #tpu.memory_space<hbm>>
        tpu.wait_dma2 semaphore(%run_scoped3A : memref<!tpu.dma_semaphore, #tpu.memory_space<semaphore_mem>>) src(%arg9 : memref<128x128xf32, #tpu.memory_space<vmem>>) dst(%dma_wait3A_32 : memref<128x128xf32, #tpu.memory_space<hbm>>)
        tpu.yield
      }) : () -> ()
      "tpu.region"() ({
        %run_scoped3A = tpu.sem_alloc : memref<!tpu.dma_semaphore, #tpu.memory_space<semaphore_mem>>
        %dma_start3A_25 = arith.constant 0 : i32
        %dma_start3A_26 = tpu.memref_slice %arg6[%add3A_14, %dma_start3A_25] : memref<53248x128xf32, #tpu.memory_space<hbm>> -> memref<128x128xf32, #tpu.memory_space<hbm>>
        %dma_start3A_27 = arith.constant 0 : i32
        %dma_start3A_28 = tpu.memref_slice %arg6[%add3A_14, %dma_start3A_27] : memref<53248x128xf32, #tpu.memory_space<hbm>> -> memref<128x128xf32, #tpu.memory_space<hbm>>
        tpu.enqueue_dma source(%arg10 : memref<128x128xf32, #tpu.memory_space<vmem>>) target(%dma_start3A_28 : memref<128x128xf32, #tpu.memory_space<hbm>>) target_semaphore(%run_scoped3A : memref<!tpu.dma_semaphore, #tpu.memory_space<semaphore_mem>>)
        %dma_wait3A_29 = arith.constant 0 : i32
        %dma_wait3A_30 = tpu.memref_slice %arg6[%add3A_14, %dma_wait3A_29] : memref<53248x128xf32, #tpu.memory_space<hbm>> -> memref<128x128xf32, #tpu.memory_space<hbm>>
        %dma_wait3A_31 = arith.constant 0 : i32
        %dma_wait3A_32 = tpu.memref_slice %arg6[%add3A_14, %dma_wait3A_31] : memref<53248x128xf32, #tpu.memory_space<hbm>> -> memref<128x128xf32, #tpu.memory_space<hbm>>
        tpu.wait_dma2 semaphore(%run_scoped3A : memref<!tpu.dma_semaphore, #tpu.memory_space<semaphore_mem>>) src(%arg10 : memref<128x128xf32, #tpu.memory_space<vmem>>) dst(%dma_wait3A_32 : memref<128x128xf32, #tpu.memory_space<hbm>>)
        tpu.yield
      }) : () -> ()
    }
    %scan3A_6 = arith.constant 13 : i32
    return
  }
}

#map = affine_map<(d0, d1) -> (0, 0)>
#map1 = affine_map<(d0, d1) -> (0)>
module attributes {stable_mosaic.version = 14 : i64} {
  func.func @gather2(%arg0: i32, %arg1: i32, %arg2: memref<50176x128xf32, #tpu.memory_space<hbm>>, %arg3: memref<802816xi32, #tpu.memory_space<hbm>>, %arg4: memref<802816xi32, #tpu.memory_space<hbm>>, %arg5: memref<802816x128xf32, #tpu.memory_space<hbm>>, %arg6: memref<802816x128xf32, #tpu.memory_space<hbm>>, %arg7: memref<128xi32, #tpu.memory_space<vmem>>, %arg8: memref<128xi32, #tpu.memory_space<vmem>>, %arg9: memref<128x128xf32, #tpu.memory_space<vmem>>, %arg10: memref<128x128xf32, #tpu.memory_space<vmem>>, %arg11: memref<!tpu.dma_semaphore, #tpu.memory_space<semaphore_mem>>, %arg12: memref<!tpu.dma_semaphore, #tpu.memory_space<semaphore_mem>>) attributes {dimension_semantics = [#tpu.dimension_semantics<core_parallel>, #tpu.dimension_semantics<subcore_parallel>], iteration_bounds = array<i64: 2, 16>, scalar_prefetch = 0 : i64, scratch_operands = 6 : i64, tpu.core_type = #tpu.core_type<sc_vector_subcore>, window_params = [{transform_indices = #map}, {transform_indices = #map1}, {transform_indices = #map1}, {transform_indices = #map}, {transform_indices = #map}]} {
    %mul3A = arith.constant 2 : i32
    %mul3A_0 = arith.muli %arg1, %mul3A : i32
    %add3A = arith.addi %mul3A_0, %arg0 : i32
    %mul3A_1 = arith.constant 25088 : i32
    %mul3A_2 = arith.muli %add3A, %mul3A_1 : i32
    %scan3A = arith.constant 0 : i32
    %scan3A_3 = arith.constant 196 : i32
    %scan3A_4 = arith.addi %scan3A, %scan3A_3 : i32
    %scan3A_5 = arith.constant 1 : i32
    scf.for %scan3A_7 = %scan3A to %scan3A_4 step %scan3A_5  : i32 {
      %mul3A_8 = arith.constant 1 : i32
      %mul3A_9 = arith.muli %scan3A_7, %mul3A_8 : i32
      %add3A_10 = arith.constant 0 : i32
      %add3A_11 = arith.addi %add3A_10, %mul3A_9 : i32
      %mul3A_12 = arith.constant 128 : i32
      %mul3A_13 = arith.muli %add3A_11, %mul3A_12 : i32
      %add3A_14 = arith.addi %mul3A_2, %mul3A_13 : i32
      "tpu.region"() ({
        %run_scoped3A = tpu.sem_alloc : memref<!tpu.dma_semaphore, #tpu.memory_space<semaphore_mem>>
        %dma_start3A_25 = tpu.memref_slice %arg3[%add3A_14] : memref<802816xi32, #tpu.memory_space<hbm>> -> memref<128xi32, #tpu.memory_space<hbm>>
        %dma_start3A_26 = tpu.memref_slice %arg3[%add3A_14] : memref<802816xi32, #tpu.memory_space<hbm>> -> memref<128xi32, #tpu.memory_space<hbm>>
        tpu.enqueue_dma source(%dma_start3A_26 : memref<128xi32, #tpu.memory_space<hbm>>) target(%arg7 : memref<128xi32, #tpu.memory_space<vmem>>) target_semaphore(%run_scoped3A : memref<!tpu.dma_semaphore, #tpu.memory_space<semaphore_mem>>)
        %dma_wait3A_27 = tpu.memref_slice %arg3[%add3A_14] : memref<802816xi32, #tpu.memory_space<hbm>> -> memref<128xi32, #tpu.memory_space<hbm>>
        %dma_wait3A_28 = tpu.memref_slice %arg3[%add3A_14] : memref<802816xi32, #tpu.memory_space<hbm>> -> memref<128xi32, #tpu.memory_space<hbm>>
        tpu.wait_dma2 semaphore(%run_scoped3A : memref<!tpu.dma_semaphore, #tpu.memory_space<semaphore_mem>>) src(%dma_wait3A_28 : memref<128xi32, #tpu.memory_space<hbm>>) dst(%arg7 : memref<128xi32, #tpu.memory_space<vmem>>)
        tpu.yield
      }) : () -> ()
      "tpu.region"() ({
        %run_scoped3A = tpu.sem_alloc : memref<!tpu.dma_semaphore, #tpu.memory_space<semaphore_mem>>
        %dma_start3A_25 = tpu.memref_slice %arg4[%add3A_14] : memref<802816xi32, #tpu.memory_space<hbm>> -> memref<128xi32, #tpu.memory_space<hbm>>
        %dma_start3A_26 = tpu.memref_slice %arg4[%add3A_14] : memref<802816xi32, #tpu.memory_space<hbm>> -> memref<128xi32, #tpu.memory_space<hbm>>
        tpu.enqueue_dma source(%dma_start3A_26 : memref<128xi32, #tpu.memory_space<hbm>>) target(%arg8 : memref<128xi32, #tpu.memory_space<vmem>>) target_semaphore(%run_scoped3A : memref<!tpu.dma_semaphore, #tpu.memory_space<semaphore_mem>>)
        %dma_wait3A_27 = tpu.memref_slice %arg4[%add3A_14] : memref<802816xi32, #tpu.memory_space<hbm>> -> memref<128xi32, #tpu.memory_space<hbm>>
        %dma_wait3A_28 = tpu.memref_slice %arg4[%add3A_14] : memref<802816xi32, #tpu.memory_space<hbm>> -> memref<128xi32, #tpu.memory_space<hbm>>
        tpu.wait_dma2 semaphore(%run_scoped3A : memref<!tpu.dma_semaphore, #tpu.memory_space<semaphore_mem>>) src(%dma_wait3A_28 : memref<128xi32, #tpu.memory_space<hbm>>) dst(%arg8 : memref<128xi32, #tpu.memory_space<vmem>>)
        tpu.yield
      }) : () -> ()
      %dma_start3A = arith.constant 0 : i32
      %dma_start3A_15 = arith.constant 0 : i32
      %dma_start3A_16 = tpu.memref_slice %arg2[%dma_start3A, %dma_start3A_15] : memref<50176x128xf32, #tpu.memory_space<hbm>> -> memref<50176x128xf32, #tpu.memory_space<hbm>>
      tpu.enqueue_indirect_dma source(%dma_start3A_16 : memref<50176x128xf32, #tpu.memory_space<hbm>>) target(%arg9 : memref<128x128xf32, #tpu.memory_space<vmem>>) offsets(%arg7 : memref<128xi32, #tpu.memory_space<vmem>>) semaphore(%arg11 : memref<!tpu.dma_semaphore, #tpu.memory_space<semaphore_mem>>)
      %dma_start3A_17 = arith.constant 0 : i32
      %dma_start3A_18 = arith.constant 0 : i32
      %dma_start3A_19 = tpu.memref_slice %arg2[%dma_start3A_17, %dma_start3A_18] : memref<50176x128xf32, #tpu.memory_space<hbm>> -> memref<50176x128xf32, #tpu.memory_space<hbm>>
      tpu.enqueue_indirect_dma source(%dma_start3A_19 : memref<50176x128xf32, #tpu.memory_space<hbm>>) target(%arg10 : memref<128x128xf32, #tpu.memory_space<vmem>>) offsets(%arg8 : memref<128xi32, #tpu.memory_space<vmem>>) semaphore(%arg12 : memref<!tpu.dma_semaphore, #tpu.memory_space<semaphore_mem>>)
      %dma_wait3A = arith.constant 0 : i32
      %dma_wait3A_20 = arith.constant 0 : i32
      %dma_wait3A_21 = tpu.memref_slice %arg2[%dma_wait3A, %dma_wait3A_20] : memref<50176x128xf32, #tpu.memory_space<hbm>> -> memref<50176x128xf32, #tpu.memory_space<hbm>>
      tpu.wait_indirect_dma semaphore(%arg11 : memref<!tpu.dma_semaphore, #tpu.memory_space<semaphore_mem>>) src(%dma_wait3A_21 : memref<50176x128xf32, #tpu.memory_space<hbm>>) dst(%arg9 : memref<128x128xf32, #tpu.memory_space<vmem>>)
      %dma_wait3A_22 = arith.constant 0 : i32
      %dma_wait3A_23 = arith.constant 0 : i32
      %dma_wait3A_24 = tpu.memref_slice %arg2[%dma_wait3A_22, %dma_wait3A_23] : memref<50176x128xf32, #tpu.memory_space<hbm>> -> memref<50176x128xf32, #tpu.memory_space<hbm>>
      tpu.wait_indirect_dma semaphore(%arg12 : memref<!tpu.dma_semaphore, #tpu.memory_space<semaphore_mem>>) src(%dma_wait3A_24 : memref<50176x128xf32, #tpu.memory_space<hbm>>) dst(%arg10 : memref<128x128xf32, #tpu.memory_space<vmem>>)
      "tpu.region"() ({
        %run_scoped3A = tpu.sem_alloc : memref<!tpu.dma_semaphore, #tpu.memory_space<semaphore_mem>>
        %dma_start3A_25 = arith.constant 0 : i32
        %dma_start3A_26 = tpu.memref_slice %arg5[%add3A_14, %dma_start3A_25] : memref<802816x128xf32, #tpu.memory_space<hbm>> -> memref<128x128xf32, #tpu.memory_space<hbm>>
        %dma_start3A_27 = arith.constant 0 : i32
        %dma_start3A_28 = tpu.memref_slice %arg5[%add3A_14, %dma_start3A_27] : memref<802816x128xf32, #tpu.memory_space<hbm>> -> memref<128x128xf32, #tpu.memory_space<hbm>>
        tpu.enqueue_dma source(%arg9 : memref<128x128xf32, #tpu.memory_space<vmem>>) target(%dma_start3A_28 : memref<128x128xf32, #tpu.memory_space<hbm>>) target_semaphore(%run_scoped3A : memref<!tpu.dma_semaphore, #tpu.memory_space<semaphore_mem>>)
        %dma_wait3A_29 = arith.constant 0 : i32
        %dma_wait3A_30 = tpu.memref_slice %arg5[%add3A_14, %dma_wait3A_29] : memref<802816x128xf32, #tpu.memory_space<hbm>> -> memref<128x128xf32, #tpu.memory_space<hbm>>
        %dma_wait3A_31 = arith.constant 0 : i32
        %dma_wait3A_32 = tpu.memref_slice %arg5[%add3A_14, %dma_wait3A_31] : memref<802816x128xf32, #tpu.memory_space<hbm>> -> memref<128x128xf32, #tpu.memory_space<hbm>>
        tpu.wait_dma2 semaphore(%run_scoped3A : memref<!tpu.dma_semaphore, #tpu.memory_space<semaphore_mem>>) src(%arg9 : memref<128x128xf32, #tpu.memory_space<vmem>>) dst(%dma_wait3A_32 : memref<128x128xf32, #tpu.memory_space<hbm>>)
        tpu.yield
      }) : () -> ()
      "tpu.region"() ({
        %run_scoped3A = tpu.sem_alloc : memref<!tpu.dma_semaphore, #tpu.memory_space<semaphore_mem>>
        %dma_start3A_25 = arith.constant 0 : i32
        %dma_start3A_26 = tpu.memref_slice %arg6[%add3A_14, %dma_start3A_25] : memref<802816x128xf32, #tpu.memory_space<hbm>> -> memref<128x128xf32, #tpu.memory_space<hbm>>
        %dma_start3A_27 = arith.constant 0 : i32
        %dma_start3A_28 = tpu.memref_slice %arg6[%add3A_14, %dma_start3A_27] : memref<802816x128xf32, #tpu.memory_space<hbm>> -> memref<128x128xf32, #tpu.memory_space<hbm>>
        tpu.enqueue_dma source(%arg10 : memref<128x128xf32, #tpu.memory_space<vmem>>) target(%dma_start3A_28 : memref<128x128xf32, #tpu.memory_space<hbm>>) target_semaphore(%run_scoped3A : memref<!tpu.dma_semaphore, #tpu.memory_space<semaphore_mem>>)
        %dma_wait3A_29 = arith.constant 0 : i32
        %dma_wait3A_30 = tpu.memref_slice %arg6[%add3A_14, %dma_wait3A_29] : memref<802816x128xf32, #tpu.memory_space<hbm>> -> memref<128x128xf32, #tpu.memory_space<hbm>>
        %dma_wait3A_31 = arith.constant 0 : i32
        %dma_wait3A_32 = tpu.memref_slice %arg6[%add3A_14, %dma_wait3A_31] : memref<802816x128xf32, #tpu.memory_space<hbm>> -> memref<128x128xf32, #tpu.memory_space<hbm>>
        tpu.wait_dma2 semaphore(%run_scoped3A : memref<!tpu.dma_semaphore, #tpu.memory_space<semaphore_mem>>) src(%arg10 : memref<128x128xf32, #tpu.memory_space<vmem>>) dst(%dma_wait3A_32 : memref<128x128xf32, #tpu.memory_space<hbm>>)
        tpu.yield
      }) : () -> ()
    }
    %scan3A_6 = arith.constant 196 : i32
    return
  }
}

module attributes {stable_mosaic.version = 14 : i64} {
  func.func @body(%arg0: i32, %arg1: memref<1024x4xf32, #tpu.memory_space<vmem>>, %arg2: memref<4x64xf32, #tpu.memory_space<vmem>>, %arg3: memref<1x64xf32, #tpu.memory_space<vmem>>, %arg4: memref<64x64xf32, #tpu.memory_space<vmem>>, %arg5: memref<1x64xf32, #tpu.memory_space<vmem>>, %arg6: memref<64x64xf32, #tpu.memory_space<vmem>>, %arg7: memref<1x64xf32, #tpu.memory_space<vmem>>, %arg8: memref<1024x64xf32, #tpu.memory_space<vmem>>) attributes {dimension_semantics = [#tpu.dimension_semantics<arbitrary>], iteration_bounds = array<i64: 49>, scalar_prefetch = 0 : i64, scratch_operands = 0 : i64, tpu.core_type = #tpu.core_type<tc>, window_params = [{transform_indices = @transform_0, window_bounds = array<i64: 1024, 4>}, {pipeline_mode = #tpu.pipeline_mode<synchronous>, transform_indices = @transform_1, window_bounds = array<i64: 4, 64>}, {pipeline_mode = #tpu.pipeline_mode<synchronous>, transform_indices = @transform_2, window_bounds = array<i64: 1, 64>}, {pipeline_mode = #tpu.pipeline_mode<synchronous>, transform_indices = @transform_3, window_bounds = array<i64: 64, 64>}, {pipeline_mode = #tpu.pipeline_mode<synchronous>, transform_indices = @transform_4, window_bounds = array<i64: 1, 64>}, {pipeline_mode = #tpu.pipeline_mode<synchronous>, transform_indices = @transform_5, window_bounds = array<i64: 64, 64>}, {pipeline_mode = #tpu.pipeline_mode<synchronous>, transform_indices = @transform_6, window_bounds = array<i64: 1, 64>}, {transform_indices = @transform_7, window_bounds = array<i64: 1024, 64>}]} {
    %get3A = arith.constant 0 : index
    %get3A_0 = arith.constant 0 : index
    %get3A_1 = vector.load %arg1[%get3A, %get3A_0] : memref<1024x4xf32, #tpu.memory_space<vmem>>, vector<1024x4xf32>
    %get3A_2 = arith.constant 0 : index
    %get3A_3 = arith.constant 0 : index
    %get3A_4 = vector.load %arg2[%get3A_2, %get3A_3] : memref<4x64xf32, #tpu.memory_space<vmem>>, vector<4x64xf32>
    %dot_general3A = arith.constant dense<0.000000e+00> : vector<1024x64xf32>
    %dot_general3A_5 = tpu.matmul %get3A_1, %get3A_4, %dot_general3A {dimension_numbers = #tpu.dot_dimension_numbers<[1], [0], [0], [1], [0, 0, 1, 1], [], []>, transpose_lhs_hint = false} : vector<1024x4xf32>, vector<4x64xf32>, vector<1024x64xf32> -> vector<1024x64xf32>
    %get3A_6 = arith.constant 0 : index
    %get3A_7 = arith.constant 0 : index
    %get3A_8 = vector.load %arg3[%get3A_6, %get3A_7] : memref<1x64xf32, #tpu.memory_space<vmem>>, vector<1x64xf32>
    %add3A = vector.broadcast %get3A_8 : vector<1x64xf32> to vector<1024x64xf32>
    %add3A_9 = arith.addf %dot_general3A_5, %add3A : vector<1024x64xf32>
    %max3A = arith.constant 0.000000e+00 : f32
    %max3A_10 = vector.broadcast %max3A : f32 to vector<1024x64xf32>
    %max3A_11 = arith.maximumf %add3A_9, %max3A_10 : vector<1024x64xf32>
    %get3A_12 = arith.constant 0 : index
    %get3A_13 = arith.constant 0 : index
    %get3A_14 = vector.load %arg4[%get3A_12, %get3A_13] : memref<64x64xf32, #tpu.memory_space<vmem>>, vector<64x64xf32>
    %dot_general3A_15 = arith.constant dense<0.000000e+00> : vector<1024x64xf32>
    %dot_general3A_16 = tpu.matmul %max3A_11, %get3A_14, %dot_general3A_15 {dimension_numbers = #tpu.dot_dimension_numbers<[1], [0], [0], [1], [0, 0, 1, 1], [], []>, transpose_lhs_hint = false} : vector<1024x64xf32>, vector<64x64xf32>, vector<1024x64xf32> -> vector<1024x64xf32>
    %get3A_17 = arith.constant 0 : index
    %get3A_18 = arith.constant 0 : index
    %get3A_19 = vector.load %arg5[%get3A_17, %get3A_18] : memref<1x64xf32, #tpu.memory_space<vmem>>, vector<1x64xf32>
    %add3A_20 = vector.broadcast %get3A_19 : vector<1x64xf32> to vector<1024x64xf32>
    %add3A_21 = arith.addf %dot_general3A_16, %add3A_20 : vector<1024x64xf32>
    %max3A_22 = arith.constant 0.000000e+00 : f32
    %max3A_23 = vector.broadcast %max3A_22 : f32 to vector<1024x64xf32>
    %max3A_24 = arith.maximumf %add3A_21, %max3A_23 : vector<1024x64xf32>
    %get3A_25 = arith.constant 0 : index
    %get3A_26 = arith.constant 0 : index
    %get3A_27 = vector.load %arg6[%get3A_25, %get3A_26] : memref<64x64xf32, #tpu.memory_space<vmem>>, vector<64x64xf32>
    %dot_general3A_28 = arith.constant dense<0.000000e+00> : vector<1024x64xf32>
    %dot_general3A_29 = tpu.matmul %max3A_24, %get3A_27, %dot_general3A_28 {dimension_numbers = #tpu.dot_dimension_numbers<[1], [0], [0], [1], [0, 0, 1, 1], [], []>, transpose_lhs_hint = false} : vector<1024x64xf32>, vector<64x64xf32>, vector<1024x64xf32> -> vector<1024x64xf32>
    %get3A_30 = arith.constant 0 : index
    %get3A_31 = arith.constant 0 : index
    %get3A_32 = vector.load %arg7[%get3A_30, %get3A_31] : memref<1x64xf32, #tpu.memory_space<vmem>>, vector<1x64xf32>
    %add3A_33 = vector.broadcast %get3A_32 : vector<1x64xf32> to vector<1024x64xf32>
    %add3A_34 = arith.addf %dot_general3A_29, %add3A_33 : vector<1024x64xf32>
    %swap3A = arith.constant 0 : index
    %swap3A_35 = arith.constant 0 : index
    %swap3A_36 = vector.load %arg8[%swap3A, %swap3A_35] : memref<1024x64xf32, #tpu.memory_space<vmem>>, vector<1024x64xf32>
    tpu.vector_store %arg8[%swap3A, %swap3A_35], %add3A_34 {strides = array<i32>} : memref<1024x64xf32, #tpu.memory_space<vmem>>, vector<1024x64xf32>,
    return
  }
  func.func @transform_0(%arg0: i32) -> (i32, i32) {
    %c0_i32 = arith.constant 0 : i32
    %c0_i32_0 = arith.constant 0 : i32
    return %arg0, %c0_i32 : i32, i32
  }
  func.func @transform_1(%arg0: i32) -> (i32, i32) {
    %c0_i32 = arith.constant 0 : i32
    %c0_i32_0 = arith.constant 0 : i32
    %c0_i32_1 = arith.constant 0 : i32
    return %c0_i32, %c0_i32_0 : i32, i32
  }
  func.func @transform_2(%arg0: i32) -> (i32, i32) {
    %c0_i32 = arith.constant 0 : i32
    %c0_i32_0 = arith.constant 0 : i32
    %c0_i32_1 = arith.constant 0 : i32
    return %c0_i32, %c0_i32_0 : i32, i32
  }
  func.func @transform_3(%arg0: i32) -> (i32, i32) {
    %c0_i32 = arith.constant 0 : i32
    %c0_i32_0 = arith.constant 0 : i32
    %c0_i32_1 = arith.constant 0 : i32
    return %c0_i32, %c0_i32_0 : i32, i32
  }
  func.func @transform_4(%arg0: i32) -> (i32, i32) {
    %c0_i32 = arith.constant 0 : i32
    %c0_i32_0 = arith.constant 0 : i32
    %c0_i32_1 = arith.constant 0 : i32
    return %c0_i32, %c0_i32_0 : i32, i32
  }
  func.func @transform_5(%arg0: i32) -> (i32, i32) {
    %c0_i32 = arith.constant 0 : i32
    %c0_i32_0 = arith.constant 0 : i32
    %c0_i32_1 = arith.constant 0 : i32
    return %c0_i32, %c0_i32_0 : i32, i32
  }
  func.func @transform_6(%arg0: i32) -> (i32, i32) {
    %c0_i32 = arith.constant 0 : i32
    %c0_i32_0 = arith.constant 0 : i32
    %c0_i32_1 = arith.constant 0 : i32
    return %c0_i32, %c0_i32_0 : i32, i32
  }
  func.func @transform_7(%arg0: i32) -> (i32, i32) {
    %c0_i32 = arith.constant 0 : i32
    %c0_i32_0 = arith.constant 0 : i32
    return %arg0, %c0_i32 : i32, i32
  }
}

module attributes {stable_mosaic.version = 14 : i64} {
  func.func @body(%arg0: i32, %arg1: memref<1024x64xf32, #tpu.memory_space<vmem>>, %arg2: memref<64x64xf32, #tpu.memory_space<vmem>>, %arg3: memref<64x64xf32, #tpu.memory_space<vmem>>, %arg4: memref<1024x128xf32, #tpu.memory_space<vmem>>) attributes {dimension_semantics = [#tpu.dimension_semantics<arbitrary>], iteration_bounds = array<i64: 49>, scalar_prefetch = 0 : i64, scratch_operands = 0 : i64, tpu.core_type = #tpu.core_type<tc>, window_params = [{transform_indices = @transform_0, window_bounds = array<i64: 1024, 64>}, {pipeline_mode = #tpu.pipeline_mode<synchronous>, transform_indices = @transform_1, window_bounds = array<i64: 64, 64>}, {pipeline_mode = #tpu.pipeline_mode<synchronous>, transform_indices = @transform_2, window_bounds = array<i64: 64, 64>}, {transform_indices = @transform_3, window_bounds = array<i64: 1024, 128>}]} {
    %get3A = arith.constant 0 : index
    %get3A_0 = arith.constant 0 : index
    %get3A_1 = vector.load %arg1[%get3A, %get3A_0] : memref<1024x64xf32, #tpu.memory_space<vmem>>, vector<1024x64xf32>
    %get3A_2 = arith.constant 0 : index
    %get3A_3 = arith.constant 0 : index
    %get3A_4 = vector.load %arg2[%get3A_2, %get3A_3] : memref<64x64xf32, #tpu.memory_space<vmem>>, vector<64x64xf32>
    %dot_general3A = arith.constant dense<0.000000e+00> : vector<1024x64xf32>
    %dot_general3A_5 = tpu.matmul %get3A_1, %get3A_4, %dot_general3A {dimension_numbers = #tpu.dot_dimension_numbers<[1], [0], [0], [1], [0, 0, 1, 1], [], []>, transpose_lhs_hint = false} : vector<1024x64xf32>, vector<64x64xf32>, vector<1024x64xf32> -> vector<1024x64xf32>
    %swap3A = arith.constant 0 : index
    %swap3A_6 = arith.constant 0 : index
    %swap3A_7 = vector.load %arg4[%swap3A, %swap3A_6] : memref<1024x128xf32, #tpu.memory_space<vmem>>, vector<1024x64xf32>
    tpu.vector_store %arg4[%swap3A, %swap3A_6], %dot_general3A_5 {strides = array<i32>} : memref<1024x128xf32, #tpu.memory_space<vmem>>, vector<1024x64xf32>,
    %get3A_8 = arith.constant 0 : index
    %get3A_9 = arith.constant 0 : index
    %get3A_10 = vector.load %arg1[%get3A_8, %get3A_9] : memref<1024x64xf32, #tpu.memory_space<vmem>>, vector<1024x64xf32>
    %get3A_11 = arith.constant 0 : index
    %get3A_12 = arith.constant 0 : index
    %get3A_13 = vector.load %arg3[%get3A_11, %get3A_12] : memref<64x64xf32, #tpu.memory_space<vmem>>, vector<64x64xf32>
    %dot_general3A_14 = arith.constant dense<0.000000e+00> : vector<1024x64xf32>
    %dot_general3A_15 = tpu.matmul %get3A_10, %get3A_13, %dot_general3A_14 {dimension_numbers = #tpu.dot_dimension_numbers<[1], [0], [0], [1], [0, 0, 1, 1], [], []>, transpose_lhs_hint = false} : vector<1024x64xf32>, vector<64x64xf32>, vector<1024x64xf32> -> vector<1024x64xf32>
    %swap3A_16 = arith.constant 0 : index
    %swap3A_17 = arith.constant 64 : index
    %swap3A_18 = vector.load %arg4[%swap3A_16, %swap3A_17] : memref<1024x128xf32, #tpu.memory_space<vmem>>, vector<1024x64xf32>
    tpu.vector_store %arg4[%swap3A_16, %swap3A_17], %dot_general3A_15 {strides = array<i32>} : memref<1024x128xf32, #tpu.memory_space<vmem>>, vector<1024x64xf32>,
    return
  }
  func.func @transform_0(%arg0: i32) -> (i32, i32) {
    %c0_i32 = arith.constant 0 : i32
    %c0_i32_0 = arith.constant 0 : i32
    return %arg0, %c0_i32 : i32, i32
  }
  func.func @transform_1(%arg0: i32) -> (i32, i32) {
    %c0_i32 = arith.constant 0 : i32
    %c0_i32_0 = arith.constant 0 : i32
    %c0_i32_1 = arith.constant 0 : i32
    return %c0_i32, %c0_i32_0 : i32, i32
  }
  func.func @transform_2(%arg0: i32) -> (i32, i32) {
    %c0_i32 = arith.constant 0 : i32
    %c0_i32_0 = arith.constant 0 : i32
    %c0_i32_1 = arith.constant 0 : i32
    return %c0_i32, %c0_i32_0 : i32, i32
  }
  func.func @transform_3(%arg0: i32) -> (i32, i32) {
    %c0_i32 = arith.constant 0 : i32
    %c0_i32_0 = arith.constant 0 : i32
    return %arg0, %c0_i32 : i32, i32
  }
}

module attributes {stable_mosaic.version = 14 : i64} {
  func.func @body(%arg0: i32, %arg1: memref<2048x3xf32, #tpu.memory_space<vmem>>, %arg2: memref<3x64xf32, #tpu.memory_space<vmem>>, %arg3: memref<1x64xf32, #tpu.memory_space<vmem>>, %arg4: memref<64x64xf32, #tpu.memory_space<vmem>>, %arg5: memref<1x64xf32, #tpu.memory_space<vmem>>, %arg6: memref<64x64xf32, #tpu.memory_space<vmem>>, %arg7: memref<1x64xf32, #tpu.memory_space<vmem>>, %arg8: memref<2048x64xf32, #tpu.memory_space<vmem>>) attributes {dimension_semantics = [#tpu.dimension_semantics<arbitrary>], iteration_bounds = array<i64: 392>, scalar_prefetch = 0 : i64, scratch_operands = 0 : i64, tpu.core_type = #tpu.core_type<tc>, window_params = [{transform_indices = @transform_0, window_bounds = array<i64: 2048, 3>}, {pipeline_mode = #tpu.pipeline_mode<synchronous>, transform_indices = @transform_1, window_bounds = array<i64: 3, 64>}, {pipeline_mode = #tpu.pipeline_mode<synchronous>, transform_indices = @transform_2, window_bounds = array<i64: 1, 64>}, {pipeline_mode = #tpu.pipeline_mode<synchronous>, transform_indices = @transform_3, window_bounds = array<i64: 64, 64>}, {pipeline_mode = #tpu.pipeline_mode<synchronous>, transform_indices = @transform_4, window_bounds = array<i64: 1, 64>}, {pipeline_mode = #tpu.pipeline_mode<synchronous>, transform_indices = @transform_5, window_bounds = array<i64: 64, 64>}, {pipeline_mode = #tpu.pipeline_mode<synchronous>, transform_indices = @transform_6, window_bounds = array<i64: 1, 64>}, {transform_indices = @transform_7, window_bounds = array<i64: 2048, 64>}]} {
    %get3A = arith.constant 0 : index
    %get3A_0 = arith.constant 0 : index
    %get3A_1 = vector.load %arg1[%get3A, %get3A_0] : memref<2048x3xf32, #tpu.memory_space<vmem>>, vector<2048x3xf32>
    %get3A_2 = arith.constant 0 : index
    %get3A_3 = arith.constant 0 : index
    %get3A_4 = vector.load %arg2[%get3A_2, %get3A_3] : memref<3x64xf32, #tpu.memory_space<vmem>>, vector<3x64xf32>
    %dot_general3A = arith.constant dense<0.000000e+00> : vector<2048x64xf32>
    %dot_general3A_5 = tpu.matmul %get3A_1, %get3A_4, %dot_general3A {dimension_numbers = #tpu.dot_dimension_numbers<[1], [0], [0], [1], [0, 0, 1, 1], [], []>, transpose_lhs_hint = false} : vector<2048x3xf32>, vector<3x64xf32>, vector<2048x64xf32> -> vector<2048x64xf32>
    %get3A_6 = arith.constant 0 : index
    %get3A_7 = arith.constant 0 : index
    %get3A_8 = vector.load %arg3[%get3A_6, %get3A_7] : memref<1x64xf32, #tpu.memory_space<vmem>>, vector<1x64xf32>
    %add3A = vector.broadcast %get3A_8 : vector<1x64xf32> to vector<2048x64xf32>
    %add3A_9 = arith.addf %dot_general3A_5, %add3A : vector<2048x64xf32>
    %max3A = arith.constant 0.000000e+00 : f32
    %max3A_10 = vector.broadcast %max3A : f32 to vector<2048x64xf32>
    %max3A_11 = arith.maximumf %add3A_9, %max3A_10 : vector<2048x64xf32>
    %get3A_12 = arith.constant 0 : index
    %get3A_13 = arith.constant 0 : index
    %get3A_14 = vector.load %arg4[%get3A_12, %get3A_13] : memref<64x64xf32, #tpu.memory_space<vmem>>, vector<64x64xf32>
    %dot_general3A_15 = arith.constant dense<0.000000e+00> : vector<2048x64xf32>
    %dot_general3A_16 = tpu.matmul %max3A_11, %get3A_14, %dot_general3A_15 {dimension_numbers = #tpu.dot_dimension_numbers<[1], [0], [0], [1], [0, 0, 1, 1], [], []>, transpose_lhs_hint = false} : vector<2048x64xf32>, vector<64x64xf32>, vector<2048x64xf32> -> vector<2048x64xf32>
    %get3A_17 = arith.constant 0 : index
    %get3A_18 = arith.constant 0 : index
    %get3A_19 = vector.load %arg5[%get3A_17, %get3A_18] : memref<1x64xf32, #tpu.memory_space<vmem>>, vector<1x64xf32>
    %add3A_20 = vector.broadcast %get3A_19 : vector<1x64xf32> to vector<2048x64xf32>
    %add3A_21 = arith.addf %dot_general3A_16, %add3A_20 : vector<2048x64xf32>
    %max3A_22 = arith.constant 0.000000e+00 : f32
    %max3A_23 = vector.broadcast %max3A_22 : f32 to vector<2048x64xf32>
    %max3A_24 = arith.maximumf %add3A_21, %max3A_23 : vector<2048x64xf32>
    %get3A_25 = arith.constant 0 : index
    %get3A_26 = arith.constant 0 : index
    %get3A_27 = vector.load %arg6[%get3A_25, %get3A_26] : memref<64x64xf32, #tpu.memory_space<vmem>>, vector<64x64xf32>
    %dot_general3A_28 = arith.constant dense<0.000000e+00> : vector<2048x64xf32>
    %dot_general3A_29 = tpu.matmul %max3A_24, %get3A_27, %dot_general3A_28 {dimension_numbers = #tpu.dot_dimension_numbers<[1], [0], [0], [1], [0, 0, 1, 1], [], []>, transpose_lhs_hint = false} : vector<2048x64xf32>, vector<64x64xf32>, vector<2048x64xf32> -> vector<2048x64xf32>
    %get3A_30 = arith.constant 0 : index
    %get3A_31 = arith.constant 0 : index
    %get3A_32 = vector.load %arg7[%get3A_30, %get3A_31] : memref<1x64xf32, #tpu.memory_space<vmem>>, vector<1x64xf32>
    %add3A_33 = vector.broadcast %get3A_32 : vector<1x64xf32> to vector<2048x64xf32>
    %add3A_34 = arith.addf %dot_general3A_29, %add3A_33 : vector<2048x64xf32>
    %swap3A = arith.constant 0 : index
    %swap3A_35 = arith.constant 0 : index
    %swap3A_36 = vector.load %arg8[%swap3A, %swap3A_35] : memref<2048x64xf32, #tpu.memory_space<vmem>>, vector<2048x64xf32>
    tpu.vector_store %arg8[%swap3A, %swap3A_35], %add3A_34 {strides = array<i32>} : memref<2048x64xf32, #tpu.memory_space<vmem>>, vector<2048x64xf32>,
    return
  }
  func.func @transform_0(%arg0: i32) -> (i32, i32) {
    %c0_i32 = arith.constant 0 : i32
    %c0_i32_0 = arith.constant 0 : i32
    return %arg0, %c0_i32 : i32, i32
  }
  func.func @transform_1(%arg0: i32) -> (i32, i32) {
    %c0_i32 = arith.constant 0 : i32
    %c0_i32_0 = arith.constant 0 : i32
    %c0_i32_1 = arith.constant 0 : i32
    return %c0_i32, %c0_i32_0 : i32, i32
  }
  func.func @transform_2(%arg0: i32) -> (i32, i32) {
    %c0_i32 = arith.constant 0 : i32
    %c0_i32_0 = arith.constant 0 : i32
    %c0_i32_1 = arith.constant 0 : i32
    return %c0_i32, %c0_i32_0 : i32, i32
  }
  func.func @transform_3(%arg0: i32) -> (i32, i32) {
    %c0_i32 = arith.constant 0 : i32
    %c0_i32_0 = arith.constant 0 : i32
    %c0_i32_1 = arith.constant 0 : i32
    return %c0_i32, %c0_i32_0 : i32, i32
  }
  func.func @transform_4(%arg0: i32) -> (i32, i32) {
    %c0_i32 = arith.constant 0 : i32
    %c0_i32_0 = arith.constant 0 : i32
    %c0_i32_1 = arith.constant 0 : i32
    return %c0_i32, %c0_i32_0 : i32, i32
  }
  func.func @transform_5(%arg0: i32) -> (i32, i32) {
    %c0_i32 = arith.constant 0 : i32
    %c0_i32_0 = arith.constant 0 : i32
    %c0_i32_1 = arith.constant 0 : i32
    return %c0_i32, %c0_i32_0 : i32, i32
  }
  func.func @transform_6(%arg0: i32) -> (i32, i32) {
    %c0_i32 = arith.constant 0 : i32
    %c0_i32_0 = arith.constant 0 : i32
    %c0_i32_1 = arith.constant 0 : i32
    return %c0_i32, %c0_i32_0 : i32, i32
  }
  func.func @transform_7(%arg0: i32) -> (i32, i32) {
    %c0_i32 = arith.constant 0 : i32
    %c0_i32_0 = arith.constant 0 : i32
    return %arg0, %c0_i32 : i32, i32
  }
}

module attributes {stable_mosaic.version = 14 : i64} {
  func.func @body(%arg0: i32, %arg1: memref<2048x64xf32, #tpu.memory_space<vmem>>, %arg2: memref<2048x128xf32, #tpu.memory_space<vmem>>, %arg3: memref<2048x128xf32, #tpu.memory_space<vmem>>, %arg4: memref<64x64xf32, #tpu.memory_space<vmem>>, %arg5: memref<1x64xf32, #tpu.memory_space<vmem>>, %arg6: memref<64x64xf32, #tpu.memory_space<vmem>>, %arg7: memref<1x64xf32, #tpu.memory_space<vmem>>, %arg8: memref<64x64xf32, #tpu.memory_space<vmem>>, %arg9: memref<1x64xf32, #tpu.memory_space<vmem>>, %arg10: memref<2048x64xf32, #tpu.memory_space<vmem>>, %arg11: memref<2048x128xf32, #tpu.memory_space<vmem>>, %arg12: memref<1x64xf32, #tpu.memory_space<vmem>>) attributes {dimension_semantics = [#tpu.dimension_semantics<arbitrary>], iteration_bounds = array<i64: 392>, scalar_prefetch = 0 : i64, scratch_operands = 1 : i64, tpu.core_type = #tpu.core_type<tc>, window_params = [{transform_indices = @transform_0, window_bounds = array<i64: 2048, 64>}, {transform_indices = @transform_1, window_bounds = array<i64: 2048, 128>}, {transform_indices = @transform_2, window_bounds = array<i64: 2048, 128>}, {pipeline_mode = #tpu.pipeline_mode<synchronous>, transform_indices = @transform_3, window_bounds = array<i64: 64, 64>}, {pipeline_mode = #tpu.pipeline_mode<synchronous>, transform_indices = @transform_4, window_bounds = array<i64: 1, 64>}, {pipeline_mode = #tpu.pipeline_mode<synchronous>, transform_indices = @transform_5, window_bounds = array<i64: 64, 64>}, {pipeline_mode = #tpu.pipeline_mode<synchronous>, transform_indices = @transform_6, window_bounds = array<i64: 1, 64>}, {pipeline_mode = #tpu.pipeline_mode<synchronous>, transform_indices = @transform_7, window_bounds = array<i64: 64, 64>}, {pipeline_mode = #tpu.pipeline_mode<synchronous>, transform_indices = @transform_8, window_bounds = array<i64: 1, 64>}, {transform_indices = @transform_9, window_bounds = array<i64: 2048, 64>}, {transform_indices = @transform_10, window_bounds = array<i64: 2048, 128>}]} {
    %eq3A = arith.constant 0 : i32
    %eq3A_0 = arith.cmpi eq, %arg0, %eq3A : i32
    %convert_element_type3A = arith.extui %eq3A_0 : i1 to i32
    %cond3A = arith.constant 0 : i32
    %cond3A_1 = arith.cmpi ne, %convert_element_type3A, %cond3A : i32
    scf.if %cond3A_1 {
      %broadcast_in_dim3A_122 = arith.constant 0.000000e+00 : f32
      %broadcast_in_dim3A_123 = vector.broadcast %broadcast_in_dim3A_122 : f32 to vector<1x64xf32>
      %swap3A_124 = arith.constant 0 : index
      %swap3A_125 = arith.constant 0 : index
      %swap3A_126 = vector.load %arg12[%swap3A_124, %swap3A_125] : memref<1x64xf32, #tpu.memory_space<vmem>>, vector<1x64xf32>
      tpu.vector_store %arg12[%swap3A_124, %swap3A_125], %broadcast_in_dim3A_123 {strides = array<i32>} : memref<1x64xf32, #tpu.memory_space<vmem>>, vector<1x64xf32>,
    } else {
    }
    %get3A = arith.constant 0 : index
    %get3A_2 = arith.constant 0 : index
    %get3A_3 = vector.load %arg1[%get3A, %get3A_2] : memref<2048x64xf32, #tpu.memory_space<vmem>>, vector<2048x64xf32>
    %get3A_4 = arith.constant 0 : index
    %get3A_5 = arith.constant 0 : index
    %get3A_6 = vector.load %arg4[%get3A_4, %get3A_5] : memref<64x64xf32, #tpu.memory_space<vmem>>, vector<64x64xf32>
    %dot_general3A = arith.constant dense<0.000000e+00> : vector<2048x64xf32>
    %dot_general3A_7 = tpu.matmul %get3A_3, %get3A_6, %dot_general3A {dimension_numbers = #tpu.dot_dimension_numbers<[1], [0], [0], [1], [0, 0, 1, 1], [], []>, transpose_lhs_hint = false} : vector<2048x64xf32>, vector<64x64xf32>, vector<2048x64xf32> -> vector<2048x64xf32>
    %get3A_8 = arith.constant 0 : index
    %get3A_9 = arith.constant 0 : index
    %get3A_10 = vector.load %arg2[%get3A_8, %get3A_9] : memref<2048x128xf32, #tpu.memory_space<vmem>>, vector<2048x64xf32>
    %add3A = arith.addf %dot_general3A_7, %get3A_10 : vector<2048x64xf32>
    %get3A_11 = arith.constant 0 : index
    %get3A_12 = arith.constant 64 : index
    %get3A_13 = vector.load %arg3[%get3A_11, %get3A_12] : memref<2048x128xf32, #tpu.memory_space<vmem>>, vector<2048x64xf32>
    %add3A_14 = arith.addf %add3A, %get3A_13 : vector<2048x64xf32>
    %get3A_15 = arith.constant 0 : index
    %get3A_16 = arith.constant 0 : index
    %get3A_17 = vector.load %arg5[%get3A_15, %get3A_16] : memref<1x64xf32, #tpu.memory_space<vmem>>, vector<1x64xf32>
    %add3A_18 = vector.broadcast %get3A_17 : vector<1x64xf32> to vector<2048x64xf32>
    %add3A_19 = arith.addf %add3A_14, %add3A_18 : vector<2048x64xf32>
    %max3A = arith.constant 0.000000e+00 : f32
    %max3A_20 = vector.broadcast %max3A : f32 to vector<2048x64xf32>
    %max3A_21 = arith.maximumf %add3A_19, %max3A_20 : vector<2048x64xf32>
    %get3A_22 = arith.constant 0 : index
    %get3A_23 = arith.constant 0 : index
    %get3A_24 = vector.load %arg6[%get3A_22, %get3A_23] : memref<64x64xf32, #tpu.memory_space<vmem>>, vector<64x64xf32>
    %dot_general3A_25 = arith.constant dense<0.000000e+00> : vector<2048x64xf32>
    %dot_general3A_26 = tpu.matmul %max3A_21, %get3A_24, %dot_general3A_25 {dimension_numbers = #tpu.dot_dimension_numbers<[1], [0], [0], [1], [0, 0, 1, 1], [], []>, transpose_lhs_hint = false} : vector<2048x64xf32>, vector<64x64xf32>, vector<2048x64xf32> -> vector<2048x64xf32>
    %get3A_27 = arith.constant 0 : index
    %get3A_28 = arith.constant 0 : index
    %get3A_29 = vector.load %arg7[%get3A_27, %get3A_28] : memref<1x64xf32, #tpu.memory_space<vmem>>, vector<1x64xf32>
    %add3A_30 = vector.broadcast %get3A_29 : vector<1x64xf32> to vector<2048x64xf32>
    %add3A_31 = arith.addf %dot_general3A_26, %add3A_30 : vector<2048x64xf32>
    %max3A_32 = arith.constant 0.000000e+00 : f32
    %max3A_33 = vector.broadcast %max3A_32 : f32 to vector<2048x64xf32>
    %max3A_34 = arith.maximumf %add3A_31, %max3A_33 : vector<2048x64xf32>
    %get3A_35 = arith.constant 0 : index
    %get3A_36 = arith.constant 0 : index
    %get3A_37 = vector.load %arg1[%get3A_35, %get3A_36] : memref<2048x64xf32, #tpu.memory_space<vmem>>, vector<2048x64xf32>
    %get3A_38 = arith.constant 0 : index
    %get3A_39 = arith.constant 0 : index
    %get3A_40 = vector.load %arg8[%get3A_38, %get3A_39] : memref<64x64xf32, #tpu.memory_space<vmem>>, vector<64x64xf32>
    %dot_general3A_41 = arith.constant dense<0.000000e+00> : vector<2048x64xf32>
    %dot_general3A_42 = tpu.matmul %max3A_34, %get3A_40, %dot_general3A_41 {dimension_numbers = #tpu.dot_dimension_numbers<[1], [0], [0], [1], [0, 0, 1, 1], [], []>, transpose_lhs_hint = false} : vector<2048x64xf32>, vector<64x64xf32>, vector<2048x64xf32> -> vector<2048x64xf32>
    %add3A_43 = arith.addf %get3A_37, %dot_general3A_42 : vector<2048x64xf32>
    %get3A_44 = arith.constant 0 : index
    %get3A_45 = arith.constant 0 : index
    %get3A_46 = vector.load %arg9[%get3A_44, %get3A_45] : memref<1x64xf32, #tpu.memory_space<vmem>>, vector<1x64xf32>
    %add3A_47 = vector.broadcast %get3A_46 : vector<1x64xf32> to vector<2048x64xf32>
    %add3A_48 = arith.addf %add3A_43, %add3A_47 : vector<2048x64xf32>
    %swap3A = arith.constant 0 : index
    %swap3A_49 = arith.constant 0 : index
    %swap3A_50 = vector.load %arg10[%swap3A, %swap3A_49] : memref<2048x64xf32, #tpu.memory_space<vmem>>, vector<2048x64xf32>
    tpu.vector_store %arg10[%swap3A, %swap3A_49], %add3A_48 {strides = array<i32>} : memref<2048x64xf32, #tpu.memory_space<vmem>>, vector<2048x64xf32>,
    %broadcast_in_dim3A = arith.constant 0.000000e+00 : f32
    %broadcast_in_dim3A_51 = vector.broadcast %broadcast_in_dim3A : f32 to vector<1x64xf32>
    %slice3A = vector.extract_strided_slice %add3A_48 {offsets = [0, 0], sizes = [2047, 64], strides = [1, 1]} : vector<2048x64xf32> to vector<2047x64xf32>
    %concatenate3A = tpu.concatenate %broadcast_in_dim3A_51, %slice3A in 0 : vector<1x64xf32>, vector<2047x64xf32> -> vector<2048x64xf32>
    %add3A_52 = arith.addf %add3A_48, %concatenate3A : vector<2048x64xf32>
    %broadcast_in_dim3A_53 = arith.constant 0.000000e+00 : f32
    %broadcast_in_dim3A_54 = vector.broadcast %broadcast_in_dim3A_53 : f32 to vector<2x64xf32>
    %slice3A_55 = vector.extract_strided_slice %add3A_52 {offsets = [0, 0], sizes = [2046, 64], strides = [1, 1]} : vector<2048x64xf32> to vector<2046x64xf32>
    %concatenate3A_56 = tpu.concatenate %broadcast_in_dim3A_54, %slice3A_55 in 0 : vector<2x64xf32>, vector<2046x64xf32> -> vector<2048x64xf32>
    %add3A_57 = arith.addf %add3A_52, %concatenate3A_56 : vector<2048x64xf32>
    %broadcast_in_dim3A_58 = arith.constant 0.000000e+00 : f32
    %broadcast_in_dim3A_59 = vector.broadcast %broadcast_in_dim3A_58 : f32 to vector<4x64xf32>
    %slice3A_60 = vector.extract_strided_slice %add3A_57 {offsets = [0, 0], sizes = [2044, 64], strides = [1, 1]} : vector<2048x64xf32> to vector<2044x64xf32>
    %concatenate3A_61 = tpu.concatenate %broadcast_in_dim3A_59, %slice3A_60 in 0 : vector<4x64xf32>, vector<2044x64xf32> -> vector<2048x64xf32>
    %add3A_62 = arith.addf %add3A_57, %concatenate3A_61 : vector<2048x64xf32>
    %broadcast_in_dim3A_63 = arith.constant 0.000000e+00 : f32
    %broadcast_in_dim3A_64 = vector.broadcast %broadcast_in_dim3A_63 : f32 to vector<8x64xf32>
    %slice3A_65 = vector.extract_strided_slice %add3A_62 {offsets = [0, 0], sizes = [2040, 64], strides = [1, 1]} : vector<2048x64xf32> to vector<2040x64xf32>
    %concatenate3A_66 = tpu.concatenate %broadcast_in_dim3A_64, %slice3A_65 in 0 : vector<8x64xf32>, vector<2040x64xf32> -> vector<2048x64xf32>
    %add3A_67 = arith.addf %add3A_62, %concatenate3A_66 : vector<2048x64xf32>
    %broadcast_in_dim3A_68 = arith.constant 0.000000e+00 : f32
    %broadcast_in_dim3A_69 = vector.broadcast %broadcast_in_dim3A_68 : f32 to vector<16x64xf32>
    %slice3A_70 = vector.extract_strided_slice %add3A_67 {offsets = [0, 0], sizes = [2032, 64], strides = [1, 1]} : vector<2048x64xf32> to vector<2032x64xf32>
    %concatenate3A_71 = tpu.concatenate %broadcast_in_dim3A_69, %slice3A_70 in 0 : vector<16x64xf32>, vector<2032x64xf32> -> vector<2048x64xf32>
    %add3A_72 = arith.addf %add3A_67, %concatenate3A_71 : vector<2048x64xf32>
    %broadcast_in_dim3A_73 = arith.constant 0.000000e+00 : f32
    %broadcast_in_dim3A_74 = vector.broadcast %broadcast_in_dim3A_73 : f32 to vector<32x64xf32>
    %slice3A_75 = vector.extract_strided_slice %add3A_72 {offsets = [0, 0], sizes = [2016, 64], strides = [1, 1]} : vector<2048x64xf32> to vector<2016x64xf32>
    %concatenate3A_76 = tpu.concatenate %broadcast_in_dim3A_74, %slice3A_75 in 0 : vector<32x64xf32>, vector<2016x64xf32> -> vector<2048x64xf32>
    %add3A_77 = arith.addf %add3A_72, %concatenate3A_76 : vector<2048x64xf32>
    %broadcast_in_dim3A_78 = arith.constant 0.000000e+00 : f32
    %broadcast_in_dim3A_79 = vector.broadcast %broadcast_in_dim3A_78 : f32 to vector<64x64xf32>
    %slice3A_80 = vector.extract_strided_slice %add3A_77 {offsets = [0, 0], sizes = [1984, 64], strides = [1, 1]} : vector<2048x64xf32> to vector<1984x64xf32>
    %concatenate3A_81 = tpu.concatenate %broadcast_in_dim3A_79, %slice3A_80 in 0 : vector<64x64xf32>, vector<1984x64xf32> -> vector<2048x64xf32>
    %add3A_82 = arith.addf %add3A_77, %concatenate3A_81 : vector<2048x64xf32>
    %broadcast_in_dim3A_83 = arith.constant 0.000000e+00 : f32
    %broadcast_in_dim3A_84 = vector.broadcast %broadcast_in_dim3A_83 : f32 to vector<128x64xf32>
    %slice3A_85 = vector.extract_strided_slice %add3A_82 {offsets = [0, 0], sizes = [1920, 64], strides = [1, 1]} : vector<2048x64xf32> to vector<1920x64xf32>
    %concatenate3A_86 = tpu.concatenate %broadcast_in_dim3A_84, %slice3A_85 in 0 : vector<128x64xf32>, vector<1920x64xf32> -> vector<2048x64xf32>
    %add3A_87 = arith.addf %add3A_82, %concatenate3A_86 : vector<2048x64xf32>
    %broadcast_in_dim3A_88 = arith.constant 0.000000e+00 : f32
    %broadcast_in_dim3A_89 = vector.broadcast %broadcast_in_dim3A_88 : f32 to vector<256x64xf32>
    %slice3A_90 = vector.extract_strided_slice %add3A_87 {offsets = [0, 0], sizes = [1792, 64], strides = [1, 1]} : vector<2048x64xf32> to vector<1792x64xf32>
    %concatenate3A_91 = tpu.concatenate %broadcast_in_dim3A_89, %slice3A_90 in 0 : vector<256x64xf32>, vector<1792x64xf32> -> vector<2048x64xf32>
    %add3A_92 = arith.addf %add3A_87, %concatenate3A_91 : vector<2048x64xf32>
    %broadcast_in_dim3A_93 = arith.constant 0.000000e+00 : f32
    %broadcast_in_dim3A_94 = vector.broadcast %broadcast_in_dim3A_93 : f32 to vector<512x64xf32>
    %slice3A_95 = vector.extract_strided_slice %add3A_92 {offsets = [0, 0], sizes = [1536, 64], strides = [1, 1]} : vector<2048x64xf32> to vector<1536x64xf32>
    %concatenate3A_96 = tpu.concatenate %broadcast_in_dim3A_94, %slice3A_95 in 0 : vector<512x64xf32>, vector<1536x64xf32> -> vector<2048x64xf32>
    %add3A_97 = arith.addf %add3A_92, %concatenate3A_96 : vector<2048x64xf32>
    %broadcast_in_dim3A_98 = arith.constant 0.000000e+00 : f32
    %broadcast_in_dim3A_99 = vector.broadcast %broadcast_in_dim3A_98 : f32 to vector<1024x64xf32>
    %slice3A_100 = vector.extract_strided_slice %add3A_97 {offsets = [0, 0], sizes = [1024, 64], strides = [1, 1]} : vector<2048x64xf32> to vector<1024x64xf32>
    %concatenate3A_101 = tpu.concatenate %broadcast_in_dim3A_99, %slice3A_100 in 0 : vector<1024x64xf32>, vector<1024x64xf32> -> vector<2048x64xf32>
    %add3A_102 = arith.addf %add3A_97, %concatenate3A_101 : vector<2048x64xf32>
    %sub3A = arith.subf %add3A_102, %add3A_48 : vector<2048x64xf32>
    %swap3A_103 = arith.constant 0 : index
    %swap3A_104 = arith.constant 0 : index
    %swap3A_105 = vector.load %arg11[%swap3A_103, %swap3A_104] : memref<2048x128xf32, #tpu.memory_space<vmem>>, vector<2048x64xf32>
    tpu.vector_store %arg11[%swap3A_103, %swap3A_104], %sub3A {strides = array<i32>} : memref<2048x128xf32, #tpu.memory_space<vmem>>, vector<2048x64xf32>,
    %get3A_106 = arith.constant 0 : index
    %get3A_107 = arith.constant 0 : index
    %get3A_108 = vector.load %arg12[%get3A_106, %get3A_107] : memref<1x64xf32, #tpu.memory_space<vmem>>, vector<1x64xf32>
    %broadcast_in_dim3A_109 = vector.shape_cast %get3A_108 : vector<1x64xf32> to vector<1x64xf32>
    %broadcast_in_dim3A_110 = vector.broadcast %broadcast_in_dim3A_109 : vector<1x64xf32> to vector<2048x64xf32>
    %swap3A_111 = arith.constant 0 : index
    %swap3A_112 = arith.constant 64 : index
    %swap3A_113 = vector.load %arg11[%swap3A_111, %swap3A_112] : memref<2048x128xf32, #tpu.memory_space<vmem>>, vector<2048x64xf32>
    tpu.vector_store %arg11[%swap3A_111, %swap3A_112], %broadcast_in_dim3A_110 {strides = array<i32>} : memref<2048x128xf32, #tpu.memory_space<vmem>>, vector<2048x64xf32>,
    %get3A_114 = arith.constant 0 : index
    %get3A_115 = arith.constant 0 : index
    %get3A_116 = vector.load %arg12[%get3A_114, %get3A_115] : memref<1x64xf32, #tpu.memory_space<vmem>>, vector<1x64xf32>
    %slice3A_117 = vector.extract_strided_slice %add3A_102 {offsets = [2047, 0], sizes = [1, 64], strides = [1, 1]} : vector<2048x64xf32> to vector<1x64xf32>
    %add3A_118 = arith.addf %get3A_116, %slice3A_117 : vector<1x64xf32>
    %swap3A_119 = arith.constant 0 : index
    %swap3A_120 = arith.constant 0 : index
    %swap3A_121 = vector.load %arg12[%swap3A_119, %swap3A_120] : memref<1x64xf32, #tpu.memory_space<vmem>>, vector<1x64xf32>
    tpu.vector_store %arg12[%swap3A_119, %swap3A_120], %add3A_118 {strides = array<i32>} : memref<1x64xf32, #tpu.memory_space<vmem>>, vector<1x64xf32>,
    return
  }
  func.func @transform_0(%arg0: i32) -> (i32, i32) {
    %c0_i32 = arith.constant 0 : i32
    %c0_i32_0 = arith.constant 0 : i32
    return %arg0, %c0_i32 : i32, i32
  }
  func.func @transform_1(%arg0: i32) -> (i32, i32) {
    %c0_i32 = arith.constant 0 : i32
    %c0_i32_0 = arith.constant 0 : i32
    return %arg0, %c0_i32 : i32, i32
  }
  func.func @transform_2(%arg0: i32) -> (i32, i32) {
    %c0_i32 = arith.constant 0 : i32
    %c0_i32_0 = arith.constant 0 : i32
    return %arg0, %c0_i32 : i32, i32
  }
  func.func @transform_3(%arg0: i32) -> (i32, i32) {
    %c0_i32 = arith.constant 0 : i32
    %c0_i32_0 = arith.constant 0 : i32
    %c0_i32_1 = arith.constant 0 : i32
    return %c0_i32, %c0_i32_0 : i32, i32
  }
  func.func @transform_4(%arg0: i32) -> (i32, i32) {
    %c0_i32 = arith.constant 0 : i32
    %c0_i32_0 = arith.constant 0 : i32
    %c0_i32_1 = arith.constant 0 : i32
    return %c0_i32, %c0_i32_0 : i32, i32
  }
  func.func @transform_5(%arg0: i32) -> (i32, i32) {
    %c0_i32 = arith.constant 0 : i32
    %c0_i32_0 = arith.constant 0 : i32
    %c0_i32_1 = arith.constant 0 : i32
    return %c0_i32, %c0_i32_0 : i32, i32
  }
  func.func @transform_6(%arg0: i32) -> (i32, i32) {
    %c0_i32 = arith.constant 0 : i32
    %c0_i32_0 = arith.constant 0 : i32
    %c0_i32_1 = arith.constant 0 : i32
    return %c0_i32, %c0_i32_0 : i32, i32
  }
  func.func @transform_7(%arg0: i32) -> (i32, i32) {
    %c0_i32 = arith.constant 0 : i32
    %c0_i32_0 = arith.constant 0 : i32
    %c0_i32_1 = arith.constant 0 : i32
    return %c0_i32, %c0_i32_0 : i32, i32
  }
  func.func @transform_8(%arg0: i32) -> (i32, i32) {
    %c0_i32 = arith.constant 0 : i32
    %c0_i32_0 = arith.constant 0 : i32
    %c0_i32_1 = arith.constant 0 : i32
    return %c0_i32, %c0_i32_0 : i32, i32
  }
  func.func @transform_9(%arg0: i32) -> (i32, i32) {
    %c0_i32 = arith.constant 0 : i32
    %c0_i32_0 = arith.constant 0 : i32
    return %arg0, %c0_i32 : i32, i32
  }
  func.func @transform_10(%arg0: i32) -> (i32, i32) {
    %c0_i32 = arith.constant 0 : i32
    %c0_i32_0 = arith.constant 0 : i32
    return %arg0, %c0_i32 : i32, i32
  }
}

module attributes {stable_mosaic.version = 14 : i64} {
  func.func @body(%arg0: i32, %arg1: memref<1024x64xf32, #tpu.memory_space<vmem>>, %arg2: memref<1024x128xf32, #tpu.memory_space<vmem>>, %arg3: memref<1024x128xf32, #tpu.memory_space<vmem>>, %arg4: memref<64x64xf32, #tpu.memory_space<vmem>>, %arg5: memref<64x64xf32, #tpu.memory_space<vmem>>, %arg6: memref<1x64xf32, #tpu.memory_space<vmem>>, %arg7: memref<64x64xf32, #tpu.memory_space<vmem>>, %arg8: memref<1x64xf32, #tpu.memory_space<vmem>>, %arg9: memref<64x64xf32, #tpu.memory_space<vmem>>, %arg10: memref<1x64xf32, #tpu.memory_space<vmem>>, %arg11: memref<1024x64xf32, #tpu.memory_space<vmem>>) attributes {dimension_semantics = [#tpu.dimension_semantics<arbitrary>], iteration_bounds = array<i64: 49>, scalar_prefetch = 0 : i64, scratch_operands = 0 : i64, tpu.core_type = #tpu.core_type<tc>, window_params = [{transform_indices = @transform_0, window_bounds = array<i64: 1024, 64>}, {transform_indices = @transform_1, window_bounds = array<i64: 1024, 128>}, {transform_indices = @transform_2, window_bounds = array<i64: 1024, 128>}, {pipeline_mode = #tpu.pipeline_mode<synchronous>, transform_indices = @transform_3, window_bounds = array<i64: 64, 64>}, {pipeline_mode = #tpu.pipeline_mode<synchronous>, transform_indices = @transform_4, window_bounds = array<i64: 64, 64>}, {pipeline_mode = #tpu.pipeline_mode<synchronous>, transform_indices = @transform_5, window_bounds = array<i64: 1, 64>}, {pipeline_mode = #tpu.pipeline_mode<synchronous>, transform_indices = @transform_6, window_bounds = array<i64: 64, 64>}, {pipeline_mode = #tpu.pipeline_mode<synchronous>, transform_indices = @transform_7, window_bounds = array<i64: 1, 64>}, {pipeline_mode = #tpu.pipeline_mode<synchronous>, transform_indices = @transform_8, window_bounds = array<i64: 64, 64>}, {pipeline_mode = #tpu.pipeline_mode<synchronous>, transform_indices = @transform_9, window_bounds = array<i64: 1, 64>}, {transform_indices = @transform_10, window_bounds = array<i64: 1024, 64>}]} {
    %get3A = arith.constant 0 : index
    %get3A_0 = arith.constant 0 : index
    %get3A_1 = vector.load %arg3[%get3A, %get3A_0] : memref<1024x128xf32, #tpu.memory_space<vmem>>, vector<1024x64xf32>
    %get3A_2 = arith.constant 0 : index
    %get3A_3 = arith.constant 0 : index
    %get3A_4 = vector.load %arg2[%get3A_2, %get3A_3] : memref<1024x128xf32, #tpu.memory_space<vmem>>, vector<1024x64xf32>
    %sub3A = arith.subf %get3A_1, %get3A_4 : vector<1024x64xf32>
    %get3A_5 = arith.constant 0 : index
    %get3A_6 = arith.constant 64 : index
    %get3A_7 = vector.load %arg3[%get3A_5, %get3A_6] : memref<1024x128xf32, #tpu.memory_space<vmem>>, vector<1024x64xf32>
    %get3A_8 = arith.constant 0 : index
    %get3A_9 = arith.constant 64 : index
    %get3A_10 = vector.load %arg2[%get3A_8, %get3A_9] : memref<1024x128xf32, #tpu.memory_space<vmem>>, vector<1024x64xf32>
    %sub3A_11 = arith.subf %get3A_7, %get3A_10 : vector<1024x64xf32>
    %add3A = arith.addf %sub3A, %sub3A_11 : vector<1024x64xf32>
    %get3A_12 = arith.constant 0 : index
    %get3A_13 = arith.constant 0 : index
    %get3A_14 = vector.load %arg1[%get3A_12, %get3A_13] : memref<1024x64xf32, #tpu.memory_space<vmem>>, vector<1024x64xf32>
    %get3A_15 = arith.constant 0 : index
    %get3A_16 = arith.constant 0 : index
    %get3A_17 = vector.load %arg4[%get3A_15, %get3A_16] : memref<64x64xf32, #tpu.memory_space<vmem>>, vector<64x64xf32>
    %dot_general3A = arith.constant dense<0.000000e+00> : vector<1024x64xf32>
    %dot_general3A_18 = tpu.matmul %get3A_14, %get3A_17, %dot_general3A {dimension_numbers = #tpu.dot_dimension_numbers<[1], [0], [0], [1], [0, 0, 1, 1], [], []>, transpose_lhs_hint = false} : vector<1024x64xf32>, vector<64x64xf32>, vector<1024x64xf32> -> vector<1024x64xf32>
    %get3A_19 = arith.constant 0 : index
    %get3A_20 = arith.constant 0 : index
    %get3A_21 = vector.load %arg5[%get3A_19, %get3A_20] : memref<64x64xf32, #tpu.memory_space<vmem>>, vector<64x64xf32>
    %dot_general3A_22 = arith.constant dense<0.000000e+00> : vector<1024x64xf32>
    %dot_general3A_23 = tpu.matmul %add3A, %get3A_21, %dot_general3A_22 {dimension_numbers = #tpu.dot_dimension_numbers<[1], [0], [0], [1], [0, 0, 1, 1], [], []>, transpose_lhs_hint = false} : vector<1024x64xf32>, vector<64x64xf32>, vector<1024x64xf32> -> vector<1024x64xf32>
    %add3A_24 = arith.addf %dot_general3A_18, %dot_general3A_23 : vector<1024x64xf32>
    %get3A_25 = arith.constant 0 : index
    %get3A_26 = arith.constant 0 : index
    %get3A_27 = vector.load %arg6[%get3A_25, %get3A_26] : memref<1x64xf32, #tpu.memory_space<vmem>>, vector<1x64xf32>
    %add3A_28 = vector.broadcast %get3A_27 : vector<1x64xf32> to vector<1024x64xf32>
    %add3A_29 = arith.addf %add3A_24, %add3A_28 : vector<1024x64xf32>
    %max3A = arith.constant 0.000000e+00 : f32
    %max3A_30 = vector.broadcast %max3A : f32 to vector<1024x64xf32>
    %max3A_31 = arith.maximumf %add3A_29, %max3A_30 : vector<1024x64xf32>
    %get3A_32 = arith.constant 0 : index
    %get3A_33 = arith.constant 0 : index
    %get3A_34 = vector.load %arg7[%get3A_32, %get3A_33] : memref<64x64xf32, #tpu.memory_space<vmem>>, vector<64x64xf32>
    %dot_general3A_35 = arith.constant dense<0.000000e+00> : vector<1024x64xf32>
    %dot_general3A_36 = tpu.matmul %max3A_31, %get3A_34, %dot_general3A_35 {dimension_numbers = #tpu.dot_dimension_numbers<[1], [0], [0], [1], [0, 0, 1, 1], [], []>, transpose_lhs_hint = false} : vector<1024x64xf32>, vector<64x64xf32>, vector<1024x64xf32> -> vector<1024x64xf32>
    %get3A_37 = arith.constant 0 : index
    %get3A_38 = arith.constant 0 : index
    %get3A_39 = vector.load %arg8[%get3A_37, %get3A_38] : memref<1x64xf32, #tpu.memory_space<vmem>>, vector<1x64xf32>
    %add3A_40 = vector.broadcast %get3A_39 : vector<1x64xf32> to vector<1024x64xf32>
    %add3A_41 = arith.addf %dot_general3A_36, %add3A_40 : vector<1024x64xf32>
    %max3A_42 = arith.constant 0.000000e+00 : f32
    %max3A_43 = vector.broadcast %max3A_42 : f32 to vector<1024x64xf32>
    %max3A_44 = arith.maximumf %add3A_41, %max3A_43 : vector<1024x64xf32>
    %get3A_45 = arith.constant 0 : index
    %get3A_46 = arith.constant 0 : index
    %get3A_47 = vector.load %arg1[%get3A_45, %get3A_46] : memref<1024x64xf32, #tpu.memory_space<vmem>>, vector<1024x64xf32>
    %get3A_48 = arith.constant 0 : index
    %get3A_49 = arith.constant 0 : index
    %get3A_50 = vector.load %arg9[%get3A_48, %get3A_49] : memref<64x64xf32, #tpu.memory_space<vmem>>, vector<64x64xf32>
    %dot_general3A_51 = arith.constant dense<0.000000e+00> : vector<1024x64xf32>
    %dot_general3A_52 = tpu.matmul %max3A_44, %get3A_50, %dot_general3A_51 {dimension_numbers = #tpu.dot_dimension_numbers<[1], [0], [0], [1], [0, 0, 1, 1], [], []>, transpose_lhs_hint = false} : vector<1024x64xf32>, vector<64x64xf32>, vector<1024x64xf32> -> vector<1024x64xf32>
    %add3A_53 = arith.addf %get3A_47, %dot_general3A_52 : vector<1024x64xf32>
    %get3A_54 = arith.constant 0 : index
    %get3A_55 = arith.constant 0 : index
    %get3A_56 = vector.load %arg10[%get3A_54, %get3A_55] : memref<1x64xf32, #tpu.memory_space<vmem>>, vector<1x64xf32>
    %add3A_57 = vector.broadcast %get3A_56 : vector<1x64xf32> to vector<1024x64xf32>
    %add3A_58 = arith.addf %add3A_53, %add3A_57 : vector<1024x64xf32>
    %swap3A = arith.constant 0 : index
    %swap3A_59 = arith.constant 0 : index
    %swap3A_60 = vector.load %arg11[%swap3A, %swap3A_59] : memref<1024x64xf32, #tpu.memory_space<vmem>>, vector<1024x64xf32>
    tpu.vector_store %arg11[%swap3A, %swap3A_59], %add3A_58 {strides = array<i32>} : memref<1024x64xf32, #tpu.memory_space<vmem>>, vector<1024x64xf32>,
    return
  }
  func.func @transform_0(%arg0: i32) -> (i32, i32) {
    %c0_i32 = arith.constant 0 : i32
    %c0_i32_0 = arith.constant 0 : i32
    return %arg0, %c0_i32 : i32, i32
  }
  func.func @transform_1(%arg0: i32) -> (i32, i32) {
    %c0_i32 = arith.constant 0 : i32
    %c0_i32_0 = arith.constant 0 : i32
    return %arg0, %c0_i32 : i32, i32
  }
  func.func @transform_2(%arg0: i32) -> (i32, i32) {
    %c0_i32 = arith.constant 0 : i32
    %c0_i32_0 = arith.constant 0 : i32
    return %arg0, %c0_i32 : i32, i32
  }
  func.func @transform_3(%arg0: i32) -> (i32, i32) {
    %c0_i32 = arith.constant 0 : i32
    %c0_i32_0 = arith.constant 0 : i32
    %c0_i32_1 = arith.constant 0 : i32
    return %c0_i32, %c0_i32_0 : i32, i32
  }
  func.func @transform_4(%arg0: i32) -> (i32, i32) {
    %c0_i32 = arith.constant 0 : i32
    %c0_i32_0 = arith.constant 0 : i32
    %c0_i32_1 = arith.constant 0 : i32
    return %c0_i32, %c0_i32_0 : i32, i32
  }
  func.func @transform_5(%arg0: i32) -> (i32, i32) {
    %c0_i32 = arith.constant 0 : i32
    %c0_i32_0 = arith.constant 0 : i32
    %c0_i32_1 = arith.constant 0 : i32
    return %c0_i32, %c0_i32_0 : i32, i32
  }
  func.func @transform_6(%arg0: i32) -> (i32, i32) {
    %c0_i32 = arith.constant 0 : i32
    %c0_i32_0 = arith.constant 0 : i32
    %c0_i32_1 = arith.constant 0 : i32
    return %c0_i32, %c0_i32_0 : i32, i32
  }
  func.func @transform_7(%arg0: i32) -> (i32, i32) {
    %c0_i32 = arith.constant 0 : i32
    %c0_i32_0 = arith.constant 0 : i32
    %c0_i32_1 = arith.constant 0 : i32
    return %c0_i32, %c0_i32_0 : i32, i32
  }
  func.func @transform_8(%arg0: i32) -> (i32, i32) {
    %c0_i32 = arith.constant 0 : i32
    %c0_i32_0 = arith.constant 0 : i32
    %c0_i32_1 = arith.constant 0 : i32
    return %c0_i32, %c0_i32_0 : i32, i32
  }
  func.func @transform_9(%arg0: i32) -> (i32, i32) {
    %c0_i32 = arith.constant 0 : i32
    %c0_i32_0 = arith.constant 0 : i32
    %c0_i32_1 = arith.constant 0 : i32
    return %c0_i32, %c0_i32_0 : i32, i32
  }
  func.func @transform_10(%arg0: i32) -> (i32, i32) {
    %c0_i32 = arith.constant 0 : i32
    %c0_i32_0 = arith.constant 0 : i32
    return %arg0, %c0_i32 : i32, i32
  }
}

module attributes {stable_mosaic.version = 14 : i64} {
  func.func @body(%arg0: i32, %arg1: memref<1024x64xf32, #tpu.memory_space<vmem>>, %arg2: memref<64x64xf32, #tpu.memory_space<vmem>>, %arg3: memref<1x64xf32, #tpu.memory_space<vmem>>, %arg4: memref<64x64xf32, #tpu.memory_space<vmem>>, %arg5: memref<1x64xf32, #tpu.memory_space<vmem>>, %arg6: memref<64x2xf32, #tpu.memory_space<vmem>>, %arg7: memref<1x2xf32, #tpu.memory_space<vmem>>, %arg8: memref<1024x2xf32, #tpu.memory_space<vmem>>) attributes {dimension_semantics = [#tpu.dimension_semantics<arbitrary>], iteration_bounds = array<i64: 49>, scalar_prefetch = 0 : i64, scratch_operands = 0 : i64, tpu.core_type = #tpu.core_type<tc>, window_params = [{transform_indices = @transform_0, window_bounds = array<i64: 1024, 64>}, {pipeline_mode = #tpu.pipeline_mode<synchronous>, transform_indices = @transform_1, window_bounds = array<i64: 64, 64>}, {pipeline_mode = #tpu.pipeline_mode<synchronous>, transform_indices = @transform_2, window_bounds = array<i64: 1, 64>}, {pipeline_mode = #tpu.pipeline_mode<synchronous>, transform_indices = @transform_3, window_bounds = array<i64: 64, 64>}, {pipeline_mode = #tpu.pipeline_mode<synchronous>, transform_indices = @transform_4, window_bounds = array<i64: 1, 64>}, {pipeline_mode = #tpu.pipeline_mode<synchronous>, transform_indices = @transform_5, window_bounds = array<i64: 64, 2>}, {pipeline_mode = #tpu.pipeline_mode<synchronous>, transform_indices = @transform_6, window_bounds = array<i64: 1, 2>}, {transform_indices = @transform_7, window_bounds = array<i64: 1024, 2>}]} {
    %get3A = arith.constant 0 : index
    %get3A_0 = arith.constant 0 : index
    %get3A_1 = vector.load %arg1[%get3A, %get3A_0] : memref<1024x64xf32, #tpu.memory_space<vmem>>, vector<1024x64xf32>
    %get3A_2 = arith.constant 0 : index
    %get3A_3 = arith.constant 0 : index
    %get3A_4 = vector.load %arg2[%get3A_2, %get3A_3] : memref<64x64xf32, #tpu.memory_space<vmem>>, vector<64x64xf32>
    %dot_general3A = arith.constant dense<0.000000e+00> : vector<1024x64xf32>
    %dot_general3A_5 = tpu.matmul %get3A_1, %get3A_4, %dot_general3A {dimension_numbers = #tpu.dot_dimension_numbers<[1], [0], [0], [1], [0, 0, 1, 1], [], []>, transpose_lhs_hint = false} : vector<1024x64xf32>, vector<64x64xf32>, vector<1024x64xf32> -> vector<1024x64xf32>
    %get3A_6 = arith.constant 0 : index
    %get3A_7 = arith.constant 0 : index
    %get3A_8 = vector.load %arg3[%get3A_6, %get3A_7] : memref<1x64xf32, #tpu.memory_space<vmem>>, vector<1x64xf32>
    %add3A = vector.broadcast %get3A_8 : vector<1x64xf32> to vector<1024x64xf32>
    %add3A_9 = arith.addf %dot_general3A_5, %add3A : vector<1024x64xf32>
    %max3A = arith.constant 0.000000e+00 : f32
    %max3A_10 = vector.broadcast %max3A : f32 to vector<1024x64xf32>
    %max3A_11 = arith.maximumf %add3A_9, %max3A_10 : vector<1024x64xf32>
    %get3A_12 = arith.constant 0 : index
    %get3A_13 = arith.constant 0 : index
    %get3A_14 = vector.load %arg4[%get3A_12, %get3A_13] : memref<64x64xf32, #tpu.memory_space<vmem>>, vector<64x64xf32>
    %dot_general3A_15 = arith.constant dense<0.000000e+00> : vector<1024x64xf32>
    %dot_general3A_16 = tpu.matmul %max3A_11, %get3A_14, %dot_general3A_15 {dimension_numbers = #tpu.dot_dimension_numbers<[1], [0], [0], [1], [0, 0, 1, 1], [], []>, transpose_lhs_hint = false} : vector<1024x64xf32>, vector<64x64xf32>, vector<1024x64xf32> -> vector<1024x64xf32>
    %get3A_17 = arith.constant 0 : index
    %get3A_18 = arith.constant 0 : index
    %get3A_19 = vector.load %arg5[%get3A_17, %get3A_18] : memref<1x64xf32, #tpu.memory_space<vmem>>, vector<1x64xf32>
    %add3A_20 = vector.broadcast %get3A_19 : vector<1x64xf32> to vector<1024x64xf32>
    %add3A_21 = arith.addf %dot_general3A_16, %add3A_20 : vector<1024x64xf32>
    %max3A_22 = arith.constant 0.000000e+00 : f32
    %max3A_23 = vector.broadcast %max3A_22 : f32 to vector<1024x64xf32>
    %max3A_24 = arith.maximumf %add3A_21, %max3A_23 : vector<1024x64xf32>
    %get3A_25 = arith.constant 0 : index
    %get3A_26 = arith.constant 0 : index
    %get3A_27 = vector.load %arg6[%get3A_25, %get3A_26] : memref<64x2xf32, #tpu.memory_space<vmem>>, vector<64x2xf32>
    %dot_general3A_28 = arith.constant dense<0.000000e+00> : vector<1024x2xf32>
    %dot_general3A_29 = tpu.matmul %max3A_24, %get3A_27, %dot_general3A_28 {dimension_numbers = #tpu.dot_dimension_numbers<[1], [0], [0], [1], [0, 0, 1, 1], [], []>, transpose_lhs_hint = false} : vector<1024x64xf32>, vector<64x2xf32>, vector<1024x2xf32> -> vector<1024x2xf32>
    %get3A_30 = arith.constant 0 : index
    %get3A_31 = arith.constant 0 : index
    %get3A_32 = vector.load %arg7[%get3A_30, %get3A_31] : memref<1x2xf32, #tpu.memory_space<vmem>>, vector<1x2xf32>
    %add3A_33 = vector.broadcast %get3A_32 : vector<1x2xf32> to vector<1024x2xf32>
    %add3A_34 = arith.addf %dot_general3A_29, %add3A_33 : vector<1024x2xf32>
    %swap3A = arith.constant 0 : index
    %swap3A_35 = arith.constant 0 : index
    %swap3A_36 = vector.load %arg8[%swap3A, %swap3A_35] : memref<1024x2xf32, #tpu.memory_space<vmem>>, vector<1024x2xf32>
    tpu.vector_store %arg8[%swap3A, %swap3A_35], %add3A_34 {strides = array<i32>} : memref<1024x2xf32, #tpu.memory_space<vmem>>, vector<1024x2xf32>,
    return
  }
  func.func @transform_0(%arg0: i32) -> (i32, i32) {
    %c0_i32 = arith.constant 0 : i32
    %c0_i32_0 = arith.constant 0 : i32
    return %arg0, %c0_i32 : i32, i32
  }
  func.func @transform_1(%arg0: i32) -> (i32, i32) {
    %c0_i32 = arith.constant 0 : i32
    %c0_i32_0 = arith.constant 0 : i32
    %c0_i32_1 = arith.constant 0 : i32
    return %c0_i32, %c0_i32_0 : i32, i32
  }
  func.func @transform_2(%arg0: i32) -> (i32, i32) {
    %c0_i32 = arith.constant 0 : i32
    %c0_i32_0 = arith.constant 0 : i32
    %c0_i32_1 = arith.constant 0 : i32
    return %c0_i32, %c0_i32_0 : i32, i32
  }
  func.func @transform_3(%arg0: i32) -> (i32, i32) {
    %c0_i32 = arith.constant 0 : i32
    %c0_i32_0 = arith.constant 0 : i32
    %c0_i32_1 = arith.constant 0 : i32
    return %c0_i32, %c0_i32_0 : i32, i32
  }
  func.func @transform_4(%arg0: i32) -> (i32, i32) {
    %c0_i32 = arith.constant 0 : i32
    %c0_i32_0 = arith.constant 0 : i32
    %c0_i32_1 = arith.constant 0 : i32
    return %c0_i32, %c0_i32_0 : i32, i32
  }
  func.func @transform_5(%arg0: i32) -> (i32, i32) {
    %c0_i32 = arith.constant 0 : i32
    %c0_i32_0 = arith.constant 0 : i32
    %c0_i32_1 = arith.constant 0 : i32
    return %c0_i32, %c0_i32_0 : i32, i32
  }
  func.func @transform_6(%arg0: i32) -> (i32, i32) {
    %c0_i32 = arith.constant 0 : i32
    %c0_i32_0 = arith.constant 0 : i32
    %c0_i32_1 = arith.constant 0 : i32
    return %c0_i32, %c0_i32_0 : i32, i32
  }
  func.func @transform_7(%arg0: i32) -> (i32, i32) {
    %c0_i32 = arith.constant 0 : i32
    %c0_i32_0 = arith.constant 0 : i32
    return %arg0, %c0_i32 : i32, i32
  }
}

</mosaic_0001>

<sc_bundles>
// kernel: gather_offload_async_start.1
scs
__scs_entry_jumppad:
0x0: {  	(pc) =	sbr.rel $0x88, $3  }
0x1: {  	(tag) =	ssettag $0x0;
	lr =	simm.s32 $0x1  }
0x2: {  	[smem:$0x3F74] =	sst lr;
	_ =	strace $0xD0000000  }
0x3: {  	_ = 	snop  }
0x4: {  	_ = 	snop  }
0x5: {  	_ = 	snop  }
0x6: {  	_ = 	snop  }
0x7: {  	_ = 	snop  }
__scs_overlays_trampoline_lowered:
0x8: {  	[smem:$0x3F83] =	sst s0  }
0x9: {  	[smem:$0x3F84] =	sst s1  }
0xa: {  	[smem:$0x3F85] =	sst s2  }
0xb: {  	[smem:$0x3F86] =	sst s3  }
0xc: {  	[smem:$0x3F87] =	sst s4  }
0xd: {  	[smem:$0x3F88] =	sst s5  }
0xe: {  	[smem:$0x3F89] =	sst s6  }
0xf: {  	[smem:$0x3F8A] =	sst s7  }
0x10: {  	[smem:$0x3F8B] =	sst s8  }
0x11: {  	[smem:$0x3F8C] =	sst s9;
	s0 =	simm.s32 @!p0 $0x0  }
0x12: {  	s1 =	sld [smem:$0x3F72];
	s0 =	simm.s32 @p0 $0x1  }
0x13: {  	[smem:$0x3F8D] =	sst s0;
	s0 =	simm.s32 @!p1 $0x0  }
0x14: {  	s2 =	sld [smem:$0x3F71];
	s0 =	simm.s32 @p1 $0x1  }
0x15: {  	[smem:$0x3F8E] =	sst s0;
	s0 =	simm.s32 @!p2 $0x0  }
0x16: {  	s3 =	sld [smem:$0x3FDB];
	s0 =	simm.s32 @p2 $0x1  }
0x17: {  	s4 =	simm.s32 $0x1BF5;
	[smem:$0x3F90] =	sst s0  }
0x18: {  	s0 =	sld [smem:$0x3F73];
	_ =	swait.ge [sflag:s4], $0x0  }
0x19: {  	s7 =	sld [smem:$0x3F74]  }
0x1a: {  	s8 =	sadd.s32 $0xFFFFE003, lr  }
0x1b: {  	s9 =	sadd.s32 $0xFFFFFEF7, lr;
	s5 =	simm.s32 $0xFFFFFFFF;
	p2 =	slt.u32 s8, $0xFFFFF086  }
0x1c: {  	p1 =	slt.u32 s9, $0xF7A;
	s5 =	simm.s32 @!p2 $0x0  }
0x1d: {  	s5 =	simm.s32 @p1 $0x1;
	p0 =	seq.s32 s7, s2  }
0x1e: {  	s7 =	smul.u32 @!p0 $0xF7A, s2;
	p2 =	seq.s32 @!p0 s5, $0x0  }
0x1f: {  	s9 =	smul.u32 $0xF7A, s1;
	s8 =	simm.s32 @!p0 $0x1BF5;
	p2 =	por !p2, p0  }
0x20: {  	[sflag:s8] =	ssyncset.s32 @!p0 $0xFFFFF086;
	s6 =	sadd.s32 @!p0 s3, s7;
	s7 =	simm.s32 @!p0 $0x108  }
0x21: {  	s3 =	sadd.s32 s3, s9;
	s6 =	sadd.s32 @!p0 $0x88, s6;
	s7 =	simm.s32 @p2 $0x1082  }
0x22: {  	[simem:s7], [sflag:s8] =	dma.local @!p0 [hbm:s6], $0xF7A  }
0x23: {  	s9 =	sor.u32 $0xD0000000, s2;
	s6 =	simm.s32 $0x108;
	_ =	swait.ge @!p0 [sflag:s8], $0x0  }
0x24: {  	s3 =	sadd.s32 $0x88, s3;
	s6 =	simm.s32 @!p1 $0x1082;
	[sflag:s4] =	ssyncset.s32 $0xFFFFF086  }
0x25: {  	[simem:s6], [sflag:s4] =	dma.local [hbm:s3], $0xF7A  }
0x26: {  	[smem:$0x3F74] =	sst s1;
	(tag) =	ssettag s2;
	_ =	strace s9  }
0x27: {  	s1 =	sld [smem:$0x3F84]  }
0x28: {  	s2 =	sld [smem:$0x3F85]  }
0x29: {  	s4 =	sld [smem:$0x3F87]  }
0x2a: {  	p0 =	seq.s32 s5, $0x0;
	s5 =	sld [smem:$0x3F88]  }
0x2b: {  	s6 =	sld [smem:$0x3F89]  }
0x2c: {  	s7 =	sld [smem:$0x3F8A]  }
0x2d: {  	s3 =	simm.s32 $0x108;
	s8 =	sld [smem:$0x3F8B]  }
0x2e: {  	s3 =	simm.s32 @!p0 $0x1082;
	s9 =	sld [smem:$0x3F8C]  }
0x2f: {  	lr =	sadd.s32 s0, s3;
	s0 =	sld [smem:$0x3F83]  }
0x30: {  	s3 =	sld [smem:$0x3F86]  }
0x31: {  	[smem:$0x3F8F] =	sst s10  }
0x32: {  	s10 =	sld [smem:$0x3F8D];
	_ =	sdelay $0x3  }
0x33: {  	p0 =	seq.s32 s10, $0x1;
	s10 =	sld [smem:$0x3F8F];
	_ =	sdelay $0x3  }
0x34: {  	[smem:$0x3F8F] =	sst s10  }
0x35: {  	s10 =	sld [smem:$0x3F8E];
	_ =	sdelay $0x3  }
0x36: {  	p1 =	seq.s32 s10, $0x1;
	s10 =	sld [smem:$0x3F8F];
	_ =	sdelay $0x3  }
0x37: {  	[smem:$0x3F8F] =	sst s10  }
0x38: {  	s10 =	sld [smem:$0x3F90]  }
0x39: {  	_ = 	snop;
	(pc) =	sbr.ind lr, $3  }
0x3a: {  	_ = 	snop  }
0x3b: {  	_ = 	snop  }
0x3c: {  	p2 =	seq.s32 s10, $0x1;
	s10 =	sld [smem:$0x3F8F]  }
0x3d: {  	_ =	shalt  }
0x3e: {  	_ =	shalt  }
0x3f: {  	_ =	shalt  }
0x40: {  	_ =	shalt  }
0x41: {  	_ =	shalt  }
0x42: {  	_ =	shalt  }
0x43: {  	_ =	shalt  }
0x44: {  	_ =	shalt  }
0x45: {  	_ =	shalt  }
0x46: {  	_ =	shalt  }
0x47: {  	_ =	shalt  }
0x48: {  	_ =	shalt  }
0x49: {  	_ =	shalt  }
0x4a: {  	_ =	shalt  }
0x4b: {  	_ =	shalt  }
0x4c: {  	_ =	shalt  }
0x4d: {  	_ =	shalt  }
0x4e: {  	_ =	shalt  }
0x4f: {  	_ =	shalt  }
0x50: {  	_ =	shalt  }
0x51: {  	_ =	shalt  }
0x52: {  	_ =	shalt  }
0x53: {  	_ =	shalt  }
0x54: {  	_ =	shalt  }
0x55: {  	_ =	shalt  }
0x56: {  	_ =	shalt  }
0x57: {  	_ =	shalt  }
0x58: {  	_ =	shalt  }
0x59: {  	_ =	shalt  }
0x5a: {  	_ =	shalt  }
0x5b: {  	_ =	shalt  }
0x5c: {  	_ =	shalt  }
0x5d: {  	_ =	shalt  }
0x5e: {  	_ =	shalt  }
0x5f: {  	_ =	shalt  }
0x60: {  	_ =	shalt  }
0x61: {  	_ =	shalt  }
0x62: {  	_ =	shalt  }
0x63: {  	_ =	shalt  }
0x64: {  	_ =	shalt  }
0x65: {  	_ =	shalt  }
0x66: {  	_ =	shalt  }
0x67: {  	_ =	shalt  }
0x68: {  	_ =	shalt  }
0x69: {  	_ =	shalt  }
0x6a: {  	_ =	shalt  }
0x6b: {  	_ =	shalt  }
0x6c: {  	_ =	shalt  }
0x6d: {  	_ =	shalt  }
0x6e: {  	_ =	shalt  }
0x6f: {  	_ =	shalt  }
0x70: {  	_ =	shalt  }
0x71: {  	_ =	shalt  }
0x72: {  	_ =	shalt  }
0x73: {  	_ =	shalt  }
0x74: {  	_ =	shalt  }
0x75: {  	_ =	shalt  }
0x76: {  	_ =	shalt  }
0x77: {  	_ =	shalt  }
0x78: {  	_ =	shalt  }
0x79: {  	_ =	shalt  }
0x7a: {  	_ =	shalt  }
0x7b: {  	_ =	shalt  }
0x7c: {  	_ =	shalt  }
0x7d: {  	_ =	shalt  }
0x7e: {  	_ =	shalt  }
0x7f: {  	_ =	shalt  }
0x80: {  	_ =	shalt  }
0x81: {  	_ =	shalt  }
0x82: {  	_ =	shalt  }
0x83: {  	_ =	shalt  }
0x84: {  	_ =	shalt  }
0x85: {  	_ =	shalt  }
0x86: {  	_ =	shalt  }
0x87: {  	_ =	shalt  }
.Lfunc_end0:
.L_simem_size_0:
called_computation.1_lowered:
.L_overlay_start_0:
0x88: {  	s2 =	sld [smem:$0x3FD9]  }
0x89: {  	s3 =	sld [smem:$0x3FFE];
	_ =	sdelay $0x1  }
0x8a: {  	s1 =	srdreg.scid  }
0x8b: {  	s0 =	sand.u32 $0x1, s1  }
0x8c: {  	s16 =	sshll.u32 s0, $0xA;
	s2 =	sadd.s32 s3, s2  }
0x8d: {  	s2 =	sadd.s32 s2, s16  }
0x8e: {  	[smem:$0x3F9B] =	sst s2  }
0x8f: {  	_ = 	snop  }
0x90: {  	(tm) =	ssettm $0x1  }
0x91: {  	s17 =	sld [smem:$0x3FFB];
	_ =	sdelay $0x3  }
0x92: {  	_ =	strace s17  }
0x93: {  	s2 =	sld [smem:$0x3FFC];
	_ =	sdelay $0x3  }
0x94: {  	_ =	strace s2  }
0x95: {  	s2 =	sld [smem:$0x3FFD];
	_ =	sdelay $0x3  }
0x96: {  	_ =	strace s2  }
0x97: {  	_ =	strace $0x8FFFFFFF  }
0x98: {  	s18 =	sld [smem:$0x3FDB];
	_ =	sdelay $0x1  }
0x99: {  	s19 =	simm.s32 $_scs_section_size  }
0x9a: {  	s4 =	simm.s32 $_size__tile_overlayer_lowered;
	s5 =	simm.s32 $_tile_overlayer_lowered  }
0x9b: {  	s22 =	simm.s32 $0x1BFF;
	s21 =	sshll.u32 s5, $0x1;
	s2 =	sadd.s32 s19, s18  }
0x9c: {  	s6 =	simm.s32 $0x0;
	s20 =	sshll.u32 s4, $0x1;
	s4 =	sadd.s32 s21, s2  }
0x9d: {  	[timem:s6], [sflag:s22] =	dma.local [hbm:s4], s20  }
0x9e: {  	_ =	swait.ge [sflag:s22], s20  }
0x9f: {  	s3 =	ssub.s32 $0x0, s20;
	[sflag:s22] =	ssyncset.done $0x0  }
0xa0: {  	[sflag:s22] =	ssyncadd.s32 s3;
	_ =	sdelay $0x1  }
0xa1: {  	s23 =	simm.s32 $0x1B8B  }
0xa2: {  	_ =	swait.ge [sflag:s23], $0x1  }
0xa3: {  	[sflag:s23] =	ssyncset.done $0x0  }
0xa4: {  	s25 =	simm.s32 $0x1B8E;
	s24 =	sld [smem:$0x3FFE];
	[sflag:s23] =	ssyncadd.s32 $0xFFFFFFFF  }
0xa5: {  	s26 =	simm.s32 $execute0_lowered;
	[smem:$0x3FD2] =	sst s25  }
0xa6: {  	s4 =	sshll.u32 s26, $0x1;
	_ =	strace $0x80000046;
	[dreg:$0x1] =	wrdreg $0xFFFFFFFF  }
0xa7: {  	s28 =	simm.s32 $_size_execute0_lowered;
	s2 =	sadd.s32 s2, s4;
	[dreg:$0x0] =	wrdreg $0x0  }
0xa8: {  	s4 =	sshll.u32 s28, $0x1;
	[dreg:$0x2] =	wrdreg s2  }
0xa9: {  	[dreg:$0x3] =	wrdreg s4  }
0xaa: {  	[dreg:$0x4] =	wrdreg $0xC0  }
0xab: {  	_ =	task [dreg:s6], $0x5FFFF  }
0xac: {  	[dreg:$0x1] =	wrdreg $0xFFFFFFFF  }
0xad: {  	[dreg:$0x0] =	wrdreg $0x60  }
0xae: {  	[dreg:$0x2] =	wrdreg s24  }
0xaf: {  	[dreg:$0x3] =	wrdreg $0xB  }
0xb0: {  	_ =	task.clear_ibuf [dreg:s6], $0x4FFFF;
	_ =	strace $0x90000046  }
0xb1: {  	s29 =	simm.s32 $0xB;
	_ =	strace $0x80000048  }
0xb2: {  	_ =	swait.ge [sflag:s29], $0x1  }
0xb3: {  	[sflag:s29] =	ssyncadd.s32 $0xFFFFFFFF  }
0xb4: {  	_ =	strace $0x90000048  }
0xb5: {  	_ =	sfence  }
0xb6: {  	s30 =	sld [smem:$0x0];
	_ =	sdelay $0x2  }
0xb7: {  	s31 =	sshll.u32 s1, $0xD;
	s1 =	sshrl.u32 s1, $0x2  }
0xb8: {  	s3 =	sand.u32 $0x4000, s31;
	s1 =	sadd.s32 s1, s30  }
0xb9: {  	s0 =	sor.u32 s3, s0;
	s1 =	sshll.u32 s1, $0x11  }
0xba: {  	s0 =	sor.u32 s1, s0  }
0xbb: {  	s0 =	sadd.s32 $0x8F2B, s0  }
0xbc: {  	[sflag:s0] =	ssyncadd.remote.s32 $0x1  }
0xbd: {  	_ =	sfence.sel $0xFFFF  }
0xbe: {  	[dreg:$0x0] =	wrdreg $0xFFFFFFFF;
	(pc) =	sbr.abs _section_cstart, $3  }
0xbf: {  	[dreg:$0x1] =	wrdreg $0xFFFFFFFF  }
0xc0: {  	_ =	task.clear_ibuf [dreg:s6], $0x2FFFF;
	_ =	strace $0x9FFFFFFF  }
0xc1: {  	(tm) =	ssettm $0x7FFFFFFF  }
tec
execute0_lowered:
.L_overlay_start_1:
0x0: {  	(tag) =	ssettag $0x1  }
0x1: {  	s8 =	rddreg [dreg:$0x0]  }
0x2: {  	s0 =	rddreg [dreg:$0x1];
	_ =	strace $0x80000047;
	s1 =	stileid.u32  }
0x3: {  	s3 =	srdreg.scid;
	s4 =	simm.s32 $0x1;
	s7 =	simm.s32 $0x1  }
0x4: {  	s9 =	simm.s32 $0x1;
	s10 =	simm.s32 $0x3;
	s13 =	simm.s32 $0x0  }
0x5: {  	s12 =	simm.s32 $0x0;
	s5 =	sand.u32 $0x1, s3;
	s6 =	sshll.u32 s1, $0x1  }
0x6: {  	s2 =	sadd.s32 $0x21000, s8;
	s3 =	sadd.s32 $0x39800, s8;
	s5 =	sor.u32 s6, s5  }
.Ltmp0:
0x7: {  	[sflag:s4] =	ssyncpa.u1 $0x0;
	p0 =	slt.u32 s5, $0x19;
	(pc) =	sbr.rel .LBB2_1-.Ltmp0, $4  }
0x8: {  	s6 =	simm.s32 $0x2;
	s7 =	simm.s32 @!p0 $0x0;
	p0 =	sne.s32 s5, $0x18  }
0x9: {  	[sflag:s6] =	ssyncpa.u1 $0x0;
	s5 =	smul.u32 $0x3800, s5;
	s9 =	simm.s32 @!p0 $0x0  }
0xa: {  	s8 =	sadd.s32 $0x52000, s8;
	[sflag:s10] =	ssyncpa.u1 $0x0;
	s7 =	sadd.s32 s9, s7  }
0xb: {  	vm0 =	vmmov $0xffff;
	s10 =	simm.s32 $0x0;
	s11 =	smov.u32 s5;
	s9 =	sadd.s32 $0x1, s7  }
.LBB2_4:
0xc: {  	v2 =	vnsel vm1, $0x0, v2  }
0xd: {  	vm1 =	vgt.s32 v0, $0x0;
	v2 =	vmin.u32 v2, $0xC3FFF  }
0xe: {  	v0 =	vnsel vm1, $0x0, v0  }
0xf: {  	v0 =	vmin.u32 v0, $0xC3FFF  }
0x10: {  	[tilespmem:s18], [sflag:$0x1] =	stream.indirect_vreg.gather [hbm4b:s2+s10], $0x1, v1, vm0, $0x4038;
	[tilespmem:$0xE000] =	vst v63  }
0x11: {  	(ifvalue) =	ssetifvalue $0x7FFFFFFF  }
0x12: {  	[tilespmem:s15], [sflag:$0x1] =	stream.indirect_vreg.gather [hbm4b:s2+s10], $0x1, v2, vm0, $0x4038;
	[tilespmem:$0xE000] =	vst v63  }
0x13: {  	s29 =	sadd.s32 $0x10, s15;
	(ifvalue) =	ssetifvalue $0x7FFFFFFF  }
0x14: {  	[tilespmem:s29], [sflag:$0x1] =	stream.indirect_vreg.gather [hbm4b:s2+s10], $0x1, v0, vm0, $0x4038;
	[tilespmem:$0xE000] =	vst v63  }
0x15: {  	_ =	swait.ge [sflag:s4], $0x3800  }
0x16: {  	s30 =	sshrl.u32 s13, $0x3;
	[sflag:s4] =	ssyncset.done $0x0  }
0x17: {  	s31 =	sand.u32 $0x7, s13;
	s15 =	sadd.s32 s8, s30;
	[sflag:s4] =	ssyncadd.s32 $0xFFFFC800  }
0x18: {  	[hbm4b:s15+s31] =	stream.linear.scatter [tilespmem:s14], [sflag:$0x3], $0x3800, $0x38;
	[tilespmem:$0xE000] =	vst v63  }
.LBB2_5:
0x19: {  	s15 =	sadd.s32 $0x70000, s11  }
0x1a: {  	p1 =	sgt.s32 s15, $0xC3FFF  }
0x1b: {  	s15 =	smov.u32 @p1 s5;
	p1 =	sne.s32 s12, s9  }
.Ltmp1:
0x1c: {  	p0 =	slt.u32 s12, $0x2;
	(pc) =	sbr.rel @!p1 .LBB2_6-.Ltmp1, $4  }
0x1d: {  	s14 =	simm.s32 @!p0 $0x3  }
0x1e: {  	_ =	swait.ge @!p0 [sflag:s14], $0x3800  }
0x1f: {  	s16 =	sadd.s32 $0x1, s12;
	s13 =	smov.u32 s11;
	[sflag:s14] =	ssyncset.done @!p0 $0x0  }
0x20: {  	s12 =	smov.u32 s16;
	s11 =	smov.u32 s15;
	[sflag:s14] =	ssyncadd.s32 @!p0 $0xFFFFC800  }
.LBB2_1:
0x21: {  	p0 =	sge.u32 s12, s7  }
0x22: {  	s14 =	sxor.u32 @!p0 $0x1, s12  }
0x23: {  	s14 =	smul.u32 @!p0 $0xE000, s14  }
0x24: {  	s31 =	sadd.s32 $0xFFFFFFFF, s12;
	s15 =	sshrl.u32 @!p0 s11, $0x3  }
0x25: {  	s16 =	sand.u32 @!p0 $0x7, s11;
	s15 =	sadd.s32 @!p0 s3, s15;
	s14 =	sshra.s32 @!p0 s14, $0x2  }
0x26: {  	[tilespmem:s14], [sflag:$0x2] =	stream.linear.gather @!p0 [hbm4b:s15+s16], $0x3800, $0x38;
	[tilespmem:$0xE000] =	vst v63  }
0x27: {  	p0 =	sge.u32 s31, s7  }
.Ltmp2:
0x28: {  	_ = 	snop;
	(pc) =	sbr.rel @p0 .LBB2_5-.Ltmp2, $1  }
0x29: {  	_ =	sdelay $0x3  }
0x2a: {  	s14 =	sand.u32 $0x1, s12  }
0x2b: {  	_ =	swait.ge [sflag:s6], $0x3800;
	p0 =	seq.s32 s14, $0x1;
	s14 =	simm.s32 $0x3800  }
0x2c: {  	[sflag:s6] =	ssyncset.done $0x0;
	s14 =	simm.s32 @!p0 $0x0  }
0x2d: {  	[sflag:s6] =	ssyncadd.s32 $0xFFFFC800;
	(ifvalue) =	ssetifvalue $0x7FFFFFFF;
	v0 =	vld.msk [tilespmem:s14+$0x0 ss:$0x1], $0xffff;
	_ =	sdelay $0x4  }
0x2e: {  	s15 =	sadd.s32 $0x10, s14;
	vm1 =	vgt.s32 v0, $0x0  }
0x2f: {  	v2 =	vld.msk [tilespmem:s15+$0x0 ss:$0x1], $0xffff;
	v1 =	vnsel vm1, $0x0, v0  }
0x30: {  	v1 =	vmin.u32 v1, $0xC3FFF;
	_ =	sdelay $0x2  }
0x31: {  	s17 =	simm.s32 $0x20;
	s14 =	sadd.s32 $0x7000, s14;
	s16 =	sadd.s32 $0x10, s15  }
0x32: {  	s15 =	sadd.s32 $0x10, s14;
	s18 =	smov.u32 s14;
	v0 =	vld.msk [tilespmem:s16+$0x0 ss:$0x1], $0xffff;
	vm1 =	vgt.s32 v2, $0x0;
	(ifvalue) =	ssetifvalue $0x7FFFFFFF  }
.LBB2_3:
0x33: {  	[tilespmem:s18], [sflag:$0x1] =	stream.indirect_vreg.gather [hbm4b:s2+s10], $0x1, v1, vm0, $0x4038;
	[tilespmem:$0xE000] =	vst v63  }
0x34: {  	s17 =	sadd.s32 $0x10, s17  }
0x35: {  	v2 =	vnsel vm1, $0x0, v2;
	p0 =	slt.u32 s17, $0x37F0  }
.Ltmp3:
0x36: {  	s18 =	smov.u32 s15;
	v1 =	vmin.u32 v2, $0xC3FFF;
	(pc) =	sbr.rel @p0 .LBB2_3-.Ltmp3, $3  }
0x37: {  	_ =	sdelay $0x1  }
0x38: {  	s16 =	sadd.s32 $0x10, s16  }
0x39: {  	vm1 =	vgt.s32 v0, $0x0;
	s15 =	sadd.s32 $0x10, s15;
	v2 =	vmov v0;
	(ifvalue) =	ssetifvalue $0x7FFFFFFF;
	v0 =	vld.msk [tilespmem:s16+$0x0 ss:$0x1], $0xffff  }
.Ltmp4:
0x3a: {  	_ = 	snop;
	(pc) =	sbr.rel .LBB2_4-.Ltmp4, $1  }
0x3b: {  	_ =	sdelay $0x3  }
.LBB2_6:
0x3c: {  	_ =	sfence.sel $0x180000  }
0x3d: {  	s2 =	simm.s32 $0x2;
	[bflag:$0x0] =	sbarrier.arrive $0xFFFF  }
0x3e: {  	s30 =	simm.s32 $0x3;
	[sflag:s2] =	ssyncpa.u1 $0x1  }
0x3f: {  	s31 =	simm.s32 $0x1;
	[sflag:s30] =	ssyncpa.u1 $0x1  }
0x40: {  	[sflag:s31] =	ssyncpa.u1 $0x1  }
0x41: {  	p0 =	sne.s32 s1, $0x0;
	_ =	strace $0x90000047  }
0x42: {  	s0 =	sadd.s32 @!p0 $0x100000, s0;
	[bflag:$0x2] =	sbarrier.arrive $0xFFFF  }
0x43: {  	[sflag:s0] =	ssyncadd.tile.s32 @!p0 $0x1;
	_ =	shalt  }
.Lfunc_end2:
_tile_overlayer_lowered:
.L_overlay_start_2:
0x44: {  	(tag) =	ssettag $0x2  }
0x45: {  	s0 =	rddreg [dreg:$0x0];
	s2 =	stileid.u32  }
0x46: {  	s1 =	rddreg [dreg:$0x1];
	p0 =	sne.s32 s2, $0x0  }
0x47: {  	s3 =	rddreg [dreg:$0x2];
	[bflag:$0x3] =	sbarrier.arrive $0xFFFF;
	s2 =	simm.s32 @!p0 $0x1C01  }
0x48: {  	[timem:s3], [sflag:s2] =	dma.local @!p0 [hbm:s0], s1  }
0x49: {  	s0 =	simm.s32 @!p0 $0x1  }
0x4a: {  	_ =	swait.ge @!p0 [sflag:s0], s1  }
0x4b: {  	s1 =	ssub.s32 @!p0 $0x0, s1;
	[sflag:s0] =	ssyncset.done @!p0 $0x0  }
0x4c: {  	[sflag:s0] =	ssyncadd.s32 @!p0 s1  }
0x4d: {  	[bflag:$0x3] =	sbarrier.arrive $0xFFFF  }
0x4e: {  	_ =	shalt  }

// kernel: gather_offload_async_start.2
scs
__scs_entry_jumppad:
0x0: {  	(pc) =	sbr.rel $0x88, $3  }
0x1: {  	(tag) =	ssettag $0x0;
	lr =	simm.s32 $0x1  }
0x2: {  	[smem:$0x3F74] =	sst lr;
	_ =	strace $0xD0000000  }
0x3: {  	_ = 	snop  }
0x4: {  	_ = 	snop  }
0x5: {  	_ = 	snop  }
0x6: {  	_ = 	snop  }
0x7: {  	_ = 	snop  }
__scs_overlays_trampoline_lowered:
0x8: {  	[smem:$0x3F83] =	sst s0  }
0x9: {  	[smem:$0x3F84] =	sst s1  }
0xa: {  	[smem:$0x3F85] =	sst s2  }
0xb: {  	[smem:$0x3F86] =	sst s3  }
0xc: {  	[smem:$0x3F87] =	sst s4  }
0xd: {  	[smem:$0x3F88] =	sst s5  }
0xe: {  	[smem:$0x3F89] =	sst s6  }
0xf: {  	[smem:$0x3F8A] =	sst s7  }
0x10: {  	[smem:$0x3F8B] =	sst s8  }
0x11: {  	[smem:$0x3F8C] =	sst s9;
	s0 =	simm.s32 @!p0 $0x0  }
0x12: {  	s1 =	sld [smem:$0x3F72];
	s0 =	simm.s32 @p0 $0x1  }
0x13: {  	[smem:$0x3F8D] =	sst s0;
	s0 =	simm.s32 @!p1 $0x0  }
0x14: {  	s2 =	sld [smem:$0x3F71];
	s0 =	simm.s32 @p1 $0x1  }
0x15: {  	[smem:$0x3F8E] =	sst s0;
	s0 =	simm.s32 @!p2 $0x0  }
0x16: {  	s3 =	sld [smem:$0x3FDB];
	s0 =	simm.s32 @p2 $0x1  }
0x17: {  	s4 =	simm.s32 $0x1BF5;
	[smem:$0x3F90] =	sst s0  }
0x18: {  	s0 =	sld [smem:$0x3F73];
	_ =	swait.ge [sflag:s4], $0x0  }
0x19: {  	s7 =	sld [smem:$0x3F74]  }
0x1a: {  	s8 =	sadd.s32 $0xFFFFE003, lr  }
0x1b: {  	s9 =	sadd.s32 $0xFFFFFEF7, lr;
	s5 =	simm.s32 $0xFFFFFFFF;
	p2 =	slt.u32 s8, $0xFFFFF086  }
0x1c: {  	p1 =	slt.u32 s9, $0xF7A;
	s5 =	simm.s32 @!p2 $0x0  }
0x1d: {  	s5 =	simm.s32 @p1 $0x1;
	p0 =	seq.s32 s7, s2  }
0x1e: {  	s7 =	smul.u32 @!p0 $0xF7A, s2;
	p2 =	seq.s32 @!p0 s5, $0x0  }
0x1f: {  	s9 =	smul.u32 $0xF7A, s1;
	s8 =	simm.s32 @!p0 $0x1BF5;
	p2 =	por !p2, p0  }
0x20: {  	[sflag:s8] =	ssyncset.s32 @!p0 $0xFFFFF086;
	s6 =	sadd.s32 @!p0 s3, s7;
	s7 =	simm.s32 @!p0 $0x108  }
0x21: {  	s3 =	sadd.s32 s3, s9;
	s6 =	sadd.s32 @!p0 $0x88, s6;
	s7 =	simm.s32 @p2 $0x1082  }
0x22: {  	[simem:s7], [sflag:s8] =	dma.local @!p0 [hbm:s6], $0xF7A  }
0x23: {  	s9 =	sor.u32 $0xD0000000, s2;
	s6 =	simm.s32 $0x108;
	_ =	swait.ge @!p0 [sflag:s8], $0x0  }
0x24: {  	s3 =	sadd.s32 $0x88, s3;
	s6 =	simm.s32 @!p1 $0x1082;
	[sflag:s4] =	ssyncset.s32 $0xFFFFF086  }
0x25: {  	[simem:s6], [sflag:s4] =	dma.local [hbm:s3], $0xF7A  }
0x26: {  	[smem:$0x3F74] =	sst s1;
	(tag) =	ssettag s2;
	_ =	strace s9  }
0x27: {  	s1 =	sld [smem:$0x3F84]  }
0x28: {  	s2 =	sld [smem:$0x3F85]  }
0x29: {  	s4 =	sld [smem:$0x3F87]  }
0x2a: {  	p0 =	seq.s32 s5, $0x0;
	s5 =	sld [smem:$0x3F88]  }
0x2b: {  	s6 =	sld [smem:$0x3F89]  }
0x2c: {  	s7 =	sld [smem:$0x3F8A]  }
0x2d: {  	s3 =	simm.s32 $0x108;
	s8 =	sld [smem:$0x3F8B]  }
0x2e: {  	s3 =	simm.s32 @!p0 $0x1082;
	s9 =	sld [smem:$0x3F8C]  }
0x2f: {  	lr =	sadd.s32 s0, s3;
	s0 =	sld [smem:$0x3F83]  }
0x30: {  	s3 =	sld [smem:$0x3F86]  }
0x31: {  	[smem:$0x3F8F] =	sst s10  }
0x32: {  	s10 =	sld [smem:$0x3F8D];
	_ =	sdelay $0x3  }
0x33: {  	p0 =	seq.s32 s10, $0x1;
	s10 =	sld [smem:$0x3F8F];
	_ =	sdelay $0x3  }
0x34: {  	[smem:$0x3F8F] =	sst s10  }
0x35: {  	s10 =	sld [smem:$0x3F8E];
	_ =	sdelay $0x3  }
0x36: {  	p1 =	seq.s32 s10, $0x1;
	s10 =	sld [smem:$0x3F8F];
	_ =	sdelay $0x3  }
0x37: {  	[smem:$0x3F8F] =	sst s10  }
0x38: {  	s10 =	sld [smem:$0x3F90]  }
0x39: {  	_ = 	snop;
	(pc) =	sbr.ind lr, $3  }
0x3a: {  	_ = 	snop  }
0x3b: {  	_ = 	snop  }
0x3c: {  	p2 =	seq.s32 s10, $0x1;
	s10 =	sld [smem:$0x3F8F]  }
0x3d: {  	_ =	shalt  }
0x3e: {  	_ =	shalt  }
0x3f: {  	_ =	shalt  }
0x40: {  	_ =	shalt  }
0x41: {  	_ =	shalt  }
0x42: {  	_ =	shalt  }
0x43: {  	_ =	shalt  }
0x44: {  	_ =	shalt  }
0x45: {  	_ =	shalt  }
0x46: {  	_ =	shalt  }
0x47: {  	_ =	shalt  }
0x48: {  	_ =	shalt  }
0x49: {  	_ =	shalt  }
0x4a: {  	_ =	shalt  }
0x4b: {  	_ =	shalt  }
0x4c: {  	_ =	shalt  }
0x4d: {  	_ =	shalt  }
0x4e: {  	_ =	shalt  }
0x4f: {  	_ =	shalt  }
0x50: {  	_ =	shalt  }
0x51: {  	_ =	shalt  }
0x52: {  	_ =	shalt  }
0x53: {  	_ =	shalt  }
0x54: {  	_ =	shalt  }
0x55: {  	_ =	shalt  }
0x56: {  	_ =	shalt  }
0x57: {  	_ =	shalt  }
0x58: {  	_ =	shalt  }
0x59: {  	_ =	shalt  }
0x5a: {  	_ =	shalt  }
0x5b: {  	_ =	shalt  }
0x5c: {  	_ =	shalt  }
0x5d: {  	_ =	shalt  }
0x5e: {  	_ =	shalt  }
0x5f: {  	_ =	shalt  }
0x60: {  	_ =	shalt  }
0x61: {  	_ =	shalt  }
0x62: {  	_ =	shalt  }
0x63: {  	_ =	shalt  }
0x64: {  	_ =	shalt  }
0x65: {  	_ =	shalt  }
0x66: {  	_ =	shalt  }
0x67: {  	_ =	shalt  }
0x68: {  	_ =	shalt  }
0x69: {  	_ =	shalt  }
0x6a: {  	_ =	shalt  }
0x6b: {  	_ =	shalt  }
0x6c: {  	_ =	shalt  }
0x6d: {  	_ =	shalt  }
0x6e: {  	_ =	shalt  }
0x6f: {  	_ =	shalt  }
0x70: {  	_ =	shalt  }
0x71: {  	_ =	shalt  }
0x72: {  	_ =	shalt  }
0x73: {  	_ =	shalt  }
0x74: {  	_ =	shalt  }
0x75: {  	_ =	shalt  }
0x76: {  	_ =	shalt  }
0x77: {  	_ =	shalt  }
0x78: {  	_ =	shalt  }
0x79: {  	_ =	shalt  }
0x7a: {  	_ =	shalt  }
0x7b: {  	_ =	shalt  }
0x7c: {  	_ =	shalt  }
0x7d: {  	_ =	shalt  }
0x7e: {  	_ =	shalt  }
0x7f: {  	_ =	shalt  }
0x80: {  	_ =	shalt  }
0x81: {  	_ =	shalt  }
0x82: {  	_ =	shalt  }
0x83: {  	_ =	shalt  }
0x84: {  	_ =	shalt  }
0x85: {  	_ =	shalt  }
0x86: {  	_ =	shalt  }
0x87: {  	_ =	shalt  }
.Lfunc_end0:
.L_simem_size_0:
called_computation.2_lowered:
.L_overlay_start_0:
0x88: {  	s2 =	sld [smem:$0x3FD9]  }
0x89: {  	s3 =	sld [smem:$0x3FFE];
	_ =	sdelay $0x1  }
0x8a: {  	s1 =	srdreg.scid  }
0x8b: {  	s0 =	sand.u32 $0x1, s1  }
0x8c: {  	s17 =	sshll.u32 s0, $0xA;
	s2 =	sadd.s32 s3, s2  }
0x8d: {  	s2 =	sadd.s32 s2, s17  }
0x8e: {  	[smem:$0x3F9B] =	sst s2  }
0x8f: {  	_ = 	snop  }
0x90: {  	(tm) =	ssettm $0x1  }
0x91: {  	s18 =	sld [smem:$0x3FFB];
	_ =	sdelay $0x3  }
0x92: {  	_ =	strace s18  }
0x93: {  	s2 =	sld [smem:$0x3FFC];
	_ =	sdelay $0x3  }
0x94: {  	_ =	strace s2  }
0x95: {  	s2 =	sld [smem:$0x3FFD];
	_ =	sdelay $0x3  }
0x96: {  	_ =	strace s2  }
0x97: {  	_ =	strace $0x8FFFFFFF  }
0x98: {  	s19 =	sld [smem:$0x3FDB];
	_ =	sdelay $0x1  }
0x99: {  	s20 =	simm.s32 $_scs_section_size  }
0x9a: {  	s4 =	simm.s32 $_size__tile_overlayer_lowered;
	s5 =	simm.s32 $_tile_overlayer_lowered  }
0x9b: {  	s6 =	simm.s32 $0x1BFF;
	s21 =	sshll.u32 s5, $0x1;
	s3 =	sadd.s32 s20, s19  }
0x9c: {  	s22 =	simm.s32 $0x0;
	s4 =	sshll.u32 s4, $0x1;
	s5 =	sadd.s32 s21, s3  }
0x9d: {  	[timem:s22], [sflag:s6] =	dma.local [hbm:s5], s4  }
0x9e: {  	_ =	swait.ge [sflag:s6], s4  }
0x9f: {  	s4 =	ssub.s32 $0x0, s4;
	[sflag:s6] =	ssyncset.done $0x0  }
0xa0: {  	[sflag:s6] =	ssyncadd.s32 s4;
	_ =	sdelay $0x1  }
0xa1: {  	s23 =	simm.s32 $0x1B8B  }
0xa2: {  	_ =	swait.ge [sflag:s23], $0x1  }
0xa3: {  	[sflag:s23] =	ssyncset.done $0x0  }
0xa4: {  	[sflag:s23] =	ssyncadd.s32 $0xFFFFFFFF  }
0xa5: {  	s4 =	sld [smem:$0x0]  }
0xa6: {  	s5 =	sand.u32 $0xFFFFFFFE, s1  }
0xa7: {  	p0 =	sne.s32 s1, s5  }
0xa8: {  	s5 =	sshll.u32 @p0 s5, $0xE  }
0xa9: {  	s5 =	sadd.s32 @p0 $0x11B8D, s5;
	s6 =	sshll.u32 @p0 s4, $0x11  }
0xaa: {  	s5 =	sor.u32 @p0 s6, s5  }
0xab: {  	[sflag:s5] =	ssyncadd.remote.s32 @p0 $0x1;
	_ =	sdelay $0x1  }
0xac: {  	s5 =	simm.s32 @p0 $0x1B8D  }
0xad: {  	_ =	swait.eq @p0 [sflag:s5], $0x1  }
0xae: {  	[sflag:s5] =	ssyncadd.s32 @p0 $0xFFFFFFFF  }
0xaf: {  	s6 =	sshll.u32 @!p0 s1, $0xE  }
0xb0: {  	s6 =	sor.u32 @!p0 $0x4000, s6;
	s5 =	simm.s32 @!p0 $0x1B8D  }
0xb1: {  	s4 =	sshll.u32 @!p0 s4, $0x11;
	s6 =	sadd.s32 @!p0 $0x11B8D, s6;
	_ =	swait.eq @!p0 [sflag:s5], $0x1  }
0xb2: {  	s4 =	sor.u32 @!p0 s4, s6;
	[sflag:s5] =	ssyncadd.s32 @!p0 $0xFFFFFFFF  }
0xb3: {  	s25 =	simm.s32 $0x1B8E;
	s24 =	sld [smem:$0x3FFE];
	[sflag:s4] =	ssyncadd.remote.s32 @!p0 $0x1  }
0xb4: {  	s26 =	simm.s32 $execute0_lowered;
	[smem:$0x3FD2] =	sst s25  }
0xb5: {  	s5 =	sshll.u32 s26, $0x1;
	_ =	strace $0x8000004C;
	[dreg:$0x1] =	wrdreg $0xFFFFFFFF  }
0xb6: {  	s28 =	simm.s32 $_size_execute0_lowered;
	s3 =	sadd.s32 s3, s5;
	[dreg:$0x0] =	wrdreg $0x0  }
0xb7: {  	s5 =	sshll.u32 s28, $0x1;
	[dreg:$0x2] =	wrdreg s3  }
0xb8: {  	[dreg:$0x3] =	wrdreg s5  }
0xb9: {  	[dreg:$0x4] =	wrdreg $0xC0  }
0xba: {  	_ =	task [dreg:s22], $0x5FFFF  }
0xbb: {  	[dreg:$0x1] =	wrdreg $0xFFFFFFFF  }
0xbc: {  	[dreg:$0x0] =	wrdreg $0x60  }
0xbd: {  	[dreg:$0x2] =	wrdreg s24  }
0xbe: {  	[dreg:$0x3] =	wrdreg $0x9  }
0xbf: {  	_ =	task.clear_ibuf [dreg:s22], $0x4FFFF;
	_ =	strace $0x9000004C  }
0xc0: {  	s29 =	simm.s32 $0x9;
	_ =	strace $0x8000004E  }
0xc1: {  	_ =	swait.ge [sflag:s29], $0x1  }
0xc2: {  	[sflag:s29] =	ssyncadd.s32 $0xFFFFFFFF  }
0xc3: {  	_ =	strace $0x9000004E  }
0xc4: {  	_ =	sfence  }
0xc5: {  	s30 =	sld [smem:$0x0];
	_ =	sdelay $0x2  }
0xc6: {  	s31 =	sshll.u32 s1, $0xD;
	s1 =	sshrl.u32 s1, $0x2  }
0xc7: {  	s4 =	sand.u32 $0x4000, s31;
	s1 =	sadd.s32 s1, s30  }
0xc8: {  	s0 =	sor.u32 s4, s0;
	s1 =	sshll.u32 s1, $0x11  }
0xc9: {  	s0 =	sor.u32 s1, s0  }
0xca: {  	s0 =	sadd.s32 $0x8F2B, s0  }
0xcb: {  	[sflag:s0] =	ssyncadd.remote.s32 $0x1  }
0xcc: {  	_ =	sfence.sel $0xFFFF  }
0xcd: {  	[dreg:$0x0] =	wrdreg $0xFFFFFFFF;
	(pc) =	sbr.abs _section_cstart, $3  }
0xce: {  	[dreg:$0x1] =	wrdreg $0xFFFFFFFF  }
0xcf: {  	_ =	task.clear_ibuf [dreg:s22], $0x2FFFF;
	_ =	strace $0x9FFFFFFF  }
0xd0: {  	(tm) =	ssettm $0x7FFFFFFF  }
0xd1: {  	_ =	shalt  }
tec
execute0_lowered:
.L_overlay_start_1:
0x0: {  	(tag) =	ssettag $0x1  }
0x1: {  	s0 =	stileid.u32;
	s1 =	srdreg.scid  }
0x2: {  	s1 =	sand.u32 $0x1, s1;
	s2 =	sshll.u32 s0, $0x1  }
0x3: {  	s1 =	sor.u32 s2, s1  }
0x4: {  	s2 =	smul.u32 $0x1C00, s1;
	_ =	sdelay $0x1  }
0x5: {  	s6 =	ssub.s32 $0xC4000, s2  }
0x6: {  	s31 =	smulhi.u32 $0x124925, s6  }
0x7: {  	s8 =	rddreg [dreg:$0x0];
	s5 =	simm.s32 $0x1;
	s10 =	simm.s32 $0x3  }
0x8: {  	s13 =	simm.s32 $0x0;
	s12 =	simm.s32 $0x0;
	s7 =	sshrl.u32 s31, $0x6  }
0x9: {  	s3 =	sadd.s32 $0x9B800, s8;
	s4 =	sadd.s32 $0x39800, s8;
	s9 =	smul.u32 $0x38000, s7  }
.Ltmp0:
0xa: {  	s8 =	sadd.s32 $0xFD800, s8;
	s1 =	rddreg [dreg:$0x1];
	(pc) =	sbr.rel .LBB2_1-.Ltmp0, $4  }
0xb: {  	_ =	strace $0x8000004D;
	p0 =	sne.s32 s6, s9;
	s9 =	simm.s32 $0x1  }
0xc: {  	[sflag:s5] =	ssyncpa.u1 $0x0;
	s6 =	simm.s32 $0x2;
	s9 =	simm.s32 @!p0 $0x0  }
0xd: {  	s11 =	smov.u32 s2;
	[sflag:s6] =	ssyncpa.u1 $0x0;
	s7 =	sadd.s32 s9, s7  }
0xe: {  	vm0 =	vmmov $0xffff;
	v0 =	vlaneseq.u32;
	[sflag:s10] =	ssyncpa.u1 $0x0;
	s10 =	simm.s32 $0x0;
	s9 =	sadd.s32 $0x1, s7  }
.LBB2_4:
0xf: {  	_ =	sdelay $0x3  }
0x10: {  	[tilespmem:s22], [sflag:$0x1] =	stream.indirect_vreg.gather [hbm4b:s3+s10], $0x1, v1, vm0, $0x4038;
	[tilespmem:$0x11800] =	vst v63  }
0x11: {  	s15 =	sadd.s32 s19, s15  }
0x12: {  	v1 =	vld.msk [tilespmem:s15+$0x0 ss:$0x1], $0xffff;
	_ =	sdelay $0x4  }
0x13: {  	vm1 =	vgt.s32 v1, $0x0  }
0x14: {  	p0 =	sgt.s32 s18, $0x0;
	v1 =	vnsel vm1, $0x0, v1  }
0x15: {  	s18 =	simm.s32 @!p0 $0x0;
	v1 =	vmin.u32 v1, $0xC3FFF  }
0x16: {  	s25 =	smin.u32 s18, $0x10;
	v2 =	vshll.u32 v1, $0x2  }
0x17: {  	v3 =	vmov s25;
	v1 =	vand.u32 $0x7F, v1;
	v2 =	vand.u32 $0x3FFE00, v2  }
0x18: {  	vm1 =	vgt.u32 v3, v0;
	v1 =	vor.u32 v1, v2  }
0x19: {  	v2 =	vnsel vm1, $0x7FFFFFFF, v1;
	_ =	sdelay $0x1  }
0x1a: {  	s26 =	sand.u32 $0x7E00, s16;
	v3 =	vor.u32 $0x80, v1  }
0x1b: {  	s28 =	sand.u32 $0x70, s17;
	(ifvalue) =	ssetifvalue $0x7FFFFFFF;
	s15 =	sadd.s32 s26, s14;
	v3 =	vnsel vm1, $0x7FFFFFFF, v3  }
0x1c: {  	s15 =	sadd.s32 s28, s15;
	(ifvalue) =	ssetifvalue $0x7FFFFFFF  }
0x1d: {  	v4 =	vor.u32 $0x100, v1;
	[tilespmem:s15], [sflag:$0x1] =	stream.indirect_vreg.gather [hbm4b:s3+s10], $0x1, v2, vm0, $0x4038;
	[tilespmem:$0x11800] =	vst v63  }
0x1e: {  	(ifvalue) =	ssetifvalue $0x7FFFFFFF;
	v2 =	vnsel vm1, $0x7FFFFFFF, v4  }
0x1f: {  	s16 =	sadd.s32 $0x80, s15;
	(ifvalue) =	ssetifvalue $0x7FFFFFFF  }
0x20: {  	v1 =	vor.u32 $0x180, v1;
	[tilespmem:s16], [sflag:$0x1] =	stream.indirect_vreg.gather [hbm4b:s3+s10], $0x1, v3, vm0, $0x4038;
	[tilespmem:$0x11800] =	vst v63  }
0x21: {  	v1 =	vnsel vm1, $0x7FFFFFFF, v1;
	(ifvalue) =	ssetifvalue $0x7FFFFFFF  }
0x22: {  	s29 =	sadd.s32 $0x100, s15;
	(ifvalue) =	ssetifvalue $0x7FFFFFFF  }
0x23: {  	[tilespmem:s29], [sflag:$0x1] =	stream.indirect_vreg.gather [hbm4b:s3+s10], $0x1, v2, vm0, $0x4038;
	[tilespmem:$0x11800] =	vst v63  }
0x24: {  	(ifvalue) =	ssetifvalue $0x7FFFFFFF  }
0x25: {  	s30 =	sshll.u32 s13, $0x2;
	s15 =	sadd.s32 $0x180, s15;
	(ifvalue) =	ssetifvalue $0x7FFFFFFF  }
0x26: {  	[tilespmem:s15], [sflag:$0x1] =	stream.indirect_vreg.gather [hbm4b:s3+s10], $0x1, v1, vm0, $0x4038;
	[tilespmem:$0x11800] =	vst v63  }
0x27: {  	s31 =	sand.u32 $0x78, s13;
	s15 =	sand.u32 $0xFFFFFE00, s30  }
0x28: {  	_ =	swait.ge [sflag:s5], $0x7000;
	s13 =	sor.u32 s31, s15  }
0x29: {  	[sflag:s5] =	ssyncset.done $0x0;
	s13 =	sshrl.u32 s13, $0x3  }
0x2a: {  	[sflag:s5] =	ssyncadd.s32 $0xFFFF9000;
	s13 =	sadd.s32 s8, s13  }
0x2b: {  	[hbm:s13] =	stream.linear.scatter [tilespmem:s14], [sflag:$0x3], $0x7000, $0x38;
	[tilespmem:$0x11800] =	vst v63  }
.LBB2_5:
0x2c: {  	s15 =	sadd.s32 $0x38000, s11  }
0x2d: {  	p1 =	sgt.s32 s15, $0xC3FFF  }
0x2e: {  	s15 =	smov.u32 @p1 s2;
	p1 =	sne.s32 s12, s9  }
.Ltmp1:
0x2f: {  	p0 =	slt.u32 s12, $0x2;
	(pc) =	sbr.rel @!p1 .LBB2_6-.Ltmp1, $4  }
0x30: {  	s14 =	simm.s32 @!p0 $0x3  }
0x31: {  	_ =	swait.ge @!p0 [sflag:s14], $0x7000  }
0x32: {  	s16 =	sadd.s32 $0x1, s12;
	s13 =	smov.u32 s11;
	[sflag:s14] =	ssyncset.done @!p0 $0x0  }
0x33: {  	s12 =	smov.u32 s16;
	s11 =	smov.u32 s15;
	[sflag:s14] =	ssyncadd.s32 @!p0 $0xFFFF9000  }
.LBB2_1:
0x34: {  	p0 =	sge.u32 s12, s7  }
0x35: {  	s14 =	sxor.u32 @!p0 $0xFFFFFFFF, s12  }
0x36: {  	s14 =	sand.u32 @!p0 $0x1, s14  }
0x37: {  	s14 =	smul.u32 @!p0 $0x7000, s14  }
0x38: {  	s31 =	sadd.s32 $0xFFFFFFFF, s12;
	s15 =	sshrl.u32 @!p0 s11, $0x3  }
0x39: {  	s16 =	sand.u32 @!p0 $0x7, s11;
	s15 =	sadd.s32 @!p0 s4, s15;
	s14 =	sshrl.u32 @!p0 s14, $0x2  }
0x3a: {  	[tilespmem:s14], [sflag:$0x2] =	stream.linear.gather @!p0 [hbm4b:s15+s16], $0x1C00, $0x38;
	[tilespmem:$0x11800] =	vst v63  }
0x3b: {  	p0 =	sge.u32 s31, s7  }
.Ltmp2:
0x3c: {  	_ = 	snop;
	(pc) =	sbr.rel @p0 .LBB2_5-.Ltmp2, $1  }
0x3d: {  	_ =	sdelay $0x3  }
0x3e: {  	s14 =	sand.u32 $0x1, s12  }
0x3f: {  	p0 =	seq.s32 s14, $0x1;
	s14 =	simm.s32 $0x7000  }
0x40: {  	_ =	swait.ge [sflag:s6], $0x1C00;
	s14 =	simm.s32 @!p0 $0x0  }
0x41: {  	[sflag:s6] =	ssyncset.done $0x0;
	s15 =	sshrl.u32 s14, $0x2  }
0x42: {  	[sflag:s6] =	ssyncadd.s32 $0xFFFFE400;
	s16 =	sadd.s32 $0x0, s15  }
0x43: {  	v1 =	vld.msk [tilespmem:s16+$0x0 ss:$0x1], $0xffff;
	_ =	sdelay $0x2  }
0x44: {  	s17 =	ssub.s32 $0xC4000, s13  }
0x45: {  	p0 =	slt.s32 s17, $0x1C00  }
0x46: {  	s17 =	simm.s32 @!p0 $0x1C00;
	vm1 =	vgt.s32 v1, $0x0  }
0x47: {  	p0 =	sgt.s32 s17, $0x0;
	s16 =	smov.u32 s17;
	v1 =	vnsel vm1, $0x0, v1  }
0x48: {  	s16 =	simm.s32 @!p0 $0x0;
	v1 =	vmin.u32 v1, $0xC3FFF  }
0x49: {  	s16 =	smin.u32 s16, $0x10;
	v2 =	vshll.u32 v1, $0x2  }
0x4a: {  	v3 =	vmov s16;
	v1 =	vand.u32 $0x7F, v1;
	v2 =	vand.u32 $0x3FFE00, v2  }
0x4b: {  	vm1 =	vgt.u32 v3, v0;
	v1 =	vor.u32 v1, v2  }
0x4c: {  	v2 =	vnsel vm1, $0x7FFFFFFF, v1  }
0x4d: {  	s31 =	simm.s32 $0x0  }
0x4e: {  	s18 =	sand.u32 $0x7E00, s31;
	s14 =	sadd.s32 $0x3800, s14;
	v3 =	vor.u32 $0x80, v1  }
0x4f: {  	s18 =	sadd.s32 s18, s14;
	(ifvalue) =	ssetifvalue $0x7FFFFFFF;
	s16 =	sand.u32 $0x70, s31;
	v3 =	vnsel vm1, $0x7FFFFFFF, v3  }
0x50: {  	(ifvalue) =	ssetifvalue $0x7FFFFFFF;
	s20 =	sadd.s32 s16, s18  }
0x51: {  	v4 =	vor.u32 $0x100, v1;
	[tilespmem:s20], [sflag:$0x1] =	stream.indirect_vreg.gather [hbm4b:s3+s10], $0x1, v2, vm0, $0x4038;
	[tilespmem:$0x11800] =	vst v63  }
0x52: {  	(ifvalue) =	ssetifvalue $0x7FFFFFFF;
	v2 =	vnsel vm1, $0x7FFFFFFF, v4  }
0x53: {  	s16 =	sadd.s32 $0x80, s20;
	(ifvalue) =	ssetifvalue $0x7FFFFFFF  }
0x54: {  	v1 =	vor.u32 $0x180, v1;
	[tilespmem:s16], [sflag:$0x1] =	stream.indirect_vreg.gather [hbm4b:s3+s10], $0x1, v3, vm0, $0x4038;
	[tilespmem:$0x11800] =	vst v63  }
0x55: {  	s19 =	simm.s32 $0x10;
	v1 =	vnsel vm1, $0x7FFFFFFF, v1;
	(ifvalue) =	ssetifvalue $0x7FFFFFFF  }
0x56: {  	s21 =	simm.s32 $0x80;
	s18 =	sadd.s32 $0x100, s20;
	(ifvalue) =	ssetifvalue $0x7FFFFFFF  }
0x57: {  	[tilespmem:s18], [sflag:$0x1] =	stream.indirect_vreg.gather [hbm4b:s3+s10], $0x1, v2, vm0, $0x4038;
	[tilespmem:$0x11800] =	vst v63  }
0x58: {  	s22 =	sadd.s32 $0x180, s20;
	s16 =	simm.s32 $0x40;
	(ifvalue) =	ssetifvalue $0x7FFFFFFF  }
0x59: {  	s18 =	sadd.s32 $0xFFFFFFF0, s17;
	s17 =	simm.s32 $0x10;
	(ifvalue) =	ssetifvalue $0x7FFFFFFF  }
.LBB2_3:
0x5a: {  	[tilespmem:s22], [sflag:$0x1] =	stream.indirect_vreg.gather [hbm4b:s3+s10], $0x1, v1, vm0, $0x4038;
	[tilespmem:$0x11800] =	vst v63  }
0x5b: {  	s22 =	smov.u32 s21  }
0x5c: {  	s20 =	sadd.s32 $0x40, s21;
	s23 =	sadd.s32 s19, s15;
	s19 =	sshra.s32 s22, $0x2  }
0x5d: {  	p0 =	sne.s32 s21, $0x6FC0;
	v1 =	vld.msk [tilespmem:s23+$0x0 ss:$0x1], $0xffff  }
0x5e: {  	(ifvalue) =	ssetifvalue $0x7FFFFFFF;
	_ =	sdelay $0x4  }
0x5f: {  	vm1 =	vgt.s32 v1, $0x0  }
0x60: {  	p1 =	sgt.s32 s18, $0x0;
	s21 =	smov.u32 s18;
	v1 =	vnsel vm1, $0x0, v1  }
0x61: {  	s21 =	simm.s32 @!p1 $0x0;
	v1 =	vmin.u32 v1, $0xC3FFF  }
0x62: {  	s21 =	smin.u32 s21, $0x10;
	v2 =	vshll.u32 v1, $0x2  }
0x63: {  	v3 =	vmov s21;
	v1 =	vand.u32 $0x7F, v1;
	v2 =	vand.u32 $0x3FFE00, v2  }
0x64: {  	vm1 =	vgt.u32 v3, v0;
	v1 =	vor.u32 v1, v2  }
0x65: {  	v2 =	vnsel vm1, $0x7FFFFFFF, v1;
	v3 =	vor.u32 $0x80, v1;
	v4 =	vor.u32 $0x100, v1  }
0x66: {  	v1 =	vor.u32 $0x180, v1  }
0x67: {  	s21 =	sand.u32 $0x7E00, s16;
	s16 =	smov.u32 s22  }
0x68: {  	s22 =	sand.u32 $0x70, s17;
	s21 =	sadd.s32 s21, s14;
	v3 =	vnsel vm1, $0x7FFFFFFF, v3  }
0x69: {  	s21 =	sadd.s32 s22, s21;
	(ifvalue) =	ssetifvalue $0x7FFFFFFF  }
0x6a: {  	[tilespmem:s21], [sflag:$0x1] =	stream.indirect_vreg.gather [hbm4b:s3+s10], $0x1, v2, vm0, $0x4038;
	[tilespmem:$0x11800] =	vst v63  }
0x6b: {  	v2 =	vnsel vm1, $0x7FFFFFFF, v4;
	(ifvalue) =	ssetifvalue $0x7FFFFFFF  }
0x6c: {  	s22 =	sadd.s32 $0x80, s21;
	(ifvalue) =	ssetifvalue $0x7FFFFFFF  }
0x6d: {  	[tilespmem:s22], [sflag:$0x1] =	stream.indirect_vreg.gather [hbm4b:s3+s10], $0x1, v3, vm0, $0x4038;
	[tilespmem:$0x11800] =	vst v63  }
.Ltmp3:
0x6e: {  	v1 =	vnsel vm1, $0x7FFFFFFF, v1;
	(ifvalue) =	ssetifvalue $0x7FFFFFFF;
	(pc) =	sbr.rel @p0 .LBB2_3-.Ltmp3, $4  }
0x6f: {  	s22 =	sadd.s32 $0x100, s21;
	(ifvalue) =	ssetifvalue $0x7FFFFFFF  }
0x70: {  	[tilespmem:s22], [sflag:$0x1] =	stream.indirect_vreg.gather [hbm4b:s3+s10], $0x1, v2, vm0, $0x4038;
	[tilespmem:$0x11800] =	vst v63  }
0x71: {  	s18 =	sadd.s32 $0xFFFFFFF0, s18;
	s17 =	sadd.s32 $0x10, s17;
	(ifvalue) =	ssetifvalue $0x7FFFFFFF  }
0x72: {  	s22 =	sadd.s32 $0x180, s21;
	s21 =	smov.u32 s20;
	(ifvalue) =	ssetifvalue $0x7FFFFFFF  }
.Ltmp4:
0x73: {  	_ = 	snop;
	(pc) =	sbr.rel .LBB2_4-.Ltmp4, $1  }
0x74: {  	_ =	sdelay $0x3  }
.LBB2_6:
0x75: {  	_ =	sfence.sel $0x180000  }
0x76: {  	s2 =	simm.s32 $0x2;
	[bflag:$0x0] =	sbarrier.arrive $0xFFFF  }
0x77: {  	s30 =	simm.s32 $0x3;
	[sflag:s2] =	ssyncpa.u1 $0x1  }
0x78: {  	s31 =	simm.s32 $0x1;
	[sflag:s30] =	ssyncpa.u1 $0x1  }
0x79: {  	[sflag:s31] =	ssyncpa.u1 $0x1  }
0x7a: {  	p0 =	sne.s32 s0, $0x0;
	_ =	strace $0x9000004D  }
0x7b: {  	s0 =	sadd.s32 @!p0 $0x100000, s1;
	[bflag:$0x2] =	sbarrier.arrive $0xFFFF  }
0x7c: {  	[sflag:s0] =	ssyncadd.tile.s32 @!p0 $0x1;
	_ =	shalt  }
.Lfunc_end2:
_tile_overlayer_lowered:
.L_overlay_start_2:
0x7d: {  	(tag) =	ssettag $0x2  }
0x7e: {  	s0 =	rddreg [dreg:$0x0];
	s2 =	stileid.u32  }
0x7f: {  	s1 =	rddreg [dreg:$0x1];
	p0 =	sne.s32 s2, $0x0  }
0x80: {  	s3 =	rddreg [dreg:$0x2];
	[bflag:$0x3] =	sbarrier.arrive $0xFFFF;
	s2 =	simm.s32 @!p0 $0x1C01  }
0x81: {  	[timem:s3], [sflag:s2] =	dma.local @!p0 [hbm:s0], s1  }
0x82: {  	s0 =	simm.s32 @!p0 $0x1  }
0x83: {  	_ =	swait.ge @!p0 [sflag:s0], s1  }
0x84: {  	s1 =	ssub.s32 @!p0 $0x0, s1;
	[sflag:s0] =	ssyncset.done @!p0 $0x0  }
0x85: {  	[sflag:s0] =	ssyncadd.s32 @!p0 s1  }
0x86: {  	[bflag:$0x3] =	sbarrier.arrive $0xFFFF  }
0x87: {  	_ =	shalt  }

// kernel: gather_offload_async_start
scs
__scs_entry_jumppad:
0x0: {  	(pc) =	sbr.rel $0x88, $3  }
0x1: {  	(tag) =	ssettag $0x0;
	lr =	simm.s32 $0x1  }
0x2: {  	[smem:$0x3F74] =	sst lr;
	_ =	strace $0xD0000000  }
0x3: {  	_ = 	snop  }
0x4: {  	_ = 	snop  }
0x5: {  	_ = 	snop  }
0x6: {  	_ = 	snop  }
0x7: {  	_ = 	snop  }
__scs_overlays_trampoline_lowered:
0x8: {  	[smem:$0x3F83] =	sst s0  }
0x9: {  	[smem:$0x3F84] =	sst s1  }
0xa: {  	[smem:$0x3F85] =	sst s2  }
0xb: {  	[smem:$0x3F86] =	sst s3  }
0xc: {  	[smem:$0x3F87] =	sst s4  }
0xd: {  	[smem:$0x3F88] =	sst s5  }
0xe: {  	[smem:$0x3F89] =	sst s6  }
0xf: {  	[smem:$0x3F8A] =	sst s7  }
0x10: {  	[smem:$0x3F8B] =	sst s8  }
0x11: {  	[smem:$0x3F8C] =	sst s9;
	s0 =	simm.s32 @!p0 $0x0  }
0x12: {  	s1 =	sld [smem:$0x3F72];
	s0 =	simm.s32 @p0 $0x1  }
0x13: {  	[smem:$0x3F8D] =	sst s0;
	s0 =	simm.s32 @!p1 $0x0  }
0x14: {  	s2 =	sld [smem:$0x3F71];
	s0 =	simm.s32 @p1 $0x1  }
0x15: {  	[smem:$0x3F8E] =	sst s0;
	s0 =	simm.s32 @!p2 $0x0  }
0x16: {  	s3 =	sld [smem:$0x3FDB];
	s0 =	simm.s32 @p2 $0x1  }
0x17: {  	s4 =	simm.s32 $0x1BF5;
	[smem:$0x3F90] =	sst s0  }
0x18: {  	s0 =	sld [smem:$0x3F73];
	_ =	swait.ge [sflag:s4], $0x0  }
0x19: {  	s7 =	sld [smem:$0x3F74]  }
0x1a: {  	s8 =	sadd.s32 $0xFFFFE003, lr  }
0x1b: {  	s9 =	sadd.s32 $0xFFFFFEF7, lr;
	s5 =	simm.s32 $0xFFFFFFFF;
	p2 =	slt.u32 s8, $0xFFFFF086  }
0x1c: {  	p1 =	slt.u32 s9, $0xF7A;
	s5 =	simm.s32 @!p2 $0x0  }
0x1d: {  	s5 =	simm.s32 @p1 $0x1;
	p0 =	seq.s32 s7, s2  }
0x1e: {  	s7 =	smul.u32 @!p0 $0xF7A, s2;
	p2 =	seq.s32 @!p0 s5, $0x0  }
0x1f: {  	s9 =	smul.u32 $0xF7A, s1;
	s8 =	simm.s32 @!p0 $0x1BF5;
	p2 =	por !p2, p0  }
0x20: {  	[sflag:s8] =	ssyncset.s32 @!p0 $0xFFFFF086;
	s6 =	sadd.s32 @!p0 s3, s7;
	s7 =	simm.s32 @!p0 $0x108  }
0x21: {  	s3 =	sadd.s32 s3, s9;
	s6 =	sadd.s32 @!p0 $0x88, s6;
	s7 =	simm.s32 @p2 $0x1082  }
0x22: {  	[simem:s7], [sflag:s8] =	dma.local @!p0 [hbm:s6], $0xF7A  }
0x23: {  	s9 =	sor.u32 $0xD0000000, s2;
	s6 =	simm.s32 $0x108;
	_ =	swait.ge @!p0 [sflag:s8], $0x0  }
0x24: {  	s3 =	sadd.s32 $0x88, s3;
	s6 =	simm.s32 @!p1 $0x1082;
	[sflag:s4] =	ssyncset.s32 $0xFFFFF086  }
0x25: {  	[simem:s6], [sflag:s4] =	dma.local [hbm:s3], $0xF7A  }
0x26: {  	[smem:$0x3F74] =	sst s1;
	(tag) =	ssettag s2;
	_ =	strace s9  }
0x27: {  	s1 =	sld [smem:$0x3F84]  }
0x28: {  	s2 =	sld [smem:$0x3F85]  }
0x29: {  	s4 =	sld [smem:$0x3F87]  }
0x2a: {  	p0 =	seq.s32 s5, $0x0;
	s5 =	sld [smem:$0x3F88]  }
0x2b: {  	s6 =	sld [smem:$0x3F89]  }
0x2c: {  	s7 =	sld [smem:$0x3F8A]  }
0x2d: {  	s3 =	simm.s32 $0x108;
	s8 =	sld [smem:$0x3F8B]  }
0x2e: {  	s3 =	simm.s32 @!p0 $0x1082;
	s9 =	sld [smem:$0x3F8C]  }
0x2f: {  	lr =	sadd.s32 s0, s3;
	s0 =	sld [smem:$0x3F83]  }
0x30: {  	s3 =	sld [smem:$0x3F86]  }
0x31: {  	[smem:$0x3F8F] =	sst s10  }
0x32: {  	s10 =	sld [smem:$0x3F8D];
	_ =	sdelay $0x3  }
0x33: {  	p0 =	seq.s32 s10, $0x1;
	s10 =	sld [smem:$0x3F8F];
	_ =	sdelay $0x3  }
0x34: {  	[smem:$0x3F8F] =	sst s10  }
0x35: {  	s10 =	sld [smem:$0x3F8E];
	_ =	sdelay $0x3  }
0x36: {  	p1 =	seq.s32 s10, $0x1;
	s10 =	sld [smem:$0x3F8F];
	_ =	sdelay $0x3  }
0x37: {  	[smem:$0x3F8F] =	sst s10  }
0x38: {  	s10 =	sld [smem:$0x3F90]  }
0x39: {  	_ = 	snop;
	(pc) =	sbr.ind lr, $3  }
0x3a: {  	_ = 	snop  }
0x3b: {  	_ = 	snop  }
0x3c: {  	p2 =	seq.s32 s10, $0x1;
	s10 =	sld [smem:$0x3F8F]  }
0x3d: {  	_ =	shalt  }
0x3e: {  	_ =	shalt  }
0x3f: {  	_ =	shalt  }
0x40: {  	_ =	shalt  }
0x41: {  	_ =	shalt  }
0x42: {  	_ =	shalt  }
0x43: {  	_ =	shalt  }
0x44: {  	_ =	shalt  }
0x45: {  	_ =	shalt  }
0x46: {  	_ =	shalt  }
0x47: {  	_ =	shalt  }
0x48: {  	_ =	shalt  }
0x49: {  	_ =	shalt  }
0x4a: {  	_ =	shalt  }
0x4b: {  	_ =	shalt  }
0x4c: {  	_ =	shalt  }
0x4d: {  	_ =	shalt  }
0x4e: {  	_ =	shalt  }
0x4f: {  	_ =	shalt  }
0x50: {  	_ =	shalt  }
0x51: {  	_ =	shalt  }
0x52: {  	_ =	shalt  }
0x53: {  	_ =	shalt  }
0x54: {  	_ =	shalt  }
0x55: {  	_ =	shalt  }
0x56: {  	_ =	shalt  }
0x57: {  	_ =	shalt  }
0x58: {  	_ =	shalt  }
0x59: {  	_ =	shalt  }
0x5a: {  	_ =	shalt  }
0x5b: {  	_ =	shalt  }
0x5c: {  	_ =	shalt  }
0x5d: {  	_ =	shalt  }
0x5e: {  	_ =	shalt  }
0x5f: {  	_ =	shalt  }
0x60: {  	_ =	shalt  }
0x61: {  	_ =	shalt  }
0x62: {  	_ =	shalt  }
0x63: {  	_ =	shalt  }
0x64: {  	_ =	shalt  }
0x65: {  	_ =	shalt  }
0x66: {  	_ =	shalt  }
0x67: {  	_ =	shalt  }
0x68: {  	_ =	shalt  }
0x69: {  	_ =	shalt  }
0x6a: {  	_ =	shalt  }
0x6b: {  	_ =	shalt  }
0x6c: {  	_ =	shalt  }
0x6d: {  	_ =	shalt  }
0x6e: {  	_ =	shalt  }
0x6f: {  	_ =	shalt  }
0x70: {  	_ =	shalt  }
0x71: {  	_ =	shalt  }
0x72: {  	_ =	shalt  }
0x73: {  	_ =	shalt  }
0x74: {  	_ =	shalt  }
0x75: {  	_ =	shalt  }
0x76: {  	_ =	shalt  }
0x77: {  	_ =	shalt  }
0x78: {  	_ =	shalt  }
0x79: {  	_ =	shalt  }
0x7a: {  	_ =	shalt  }
0x7b: {  	_ =	shalt  }
0x7c: {  	_ =	shalt  }
0x7d: {  	_ =	shalt  }
0x7e: {  	_ =	shalt  }
0x7f: {  	_ =	shalt  }
0x80: {  	_ =	shalt  }
0x81: {  	_ =	shalt  }
0x82: {  	_ =	shalt  }
0x83: {  	_ =	shalt  }
0x84: {  	_ =	shalt  }
0x85: {  	_ =	shalt  }
0x86: {  	_ =	shalt  }
0x87: {  	_ =	shalt  }
.Lfunc_end0:
.L_simem_size_0:
called_computation_lowered:
.L_overlay_start_0:
0x88: {  	s2 =	sld [smem:$0x3FD9]  }
0x89: {  	s3 =	sld [smem:$0x3FFE];
	_ =	sdelay $0x1  }
0x8a: {  	s1 =	srdreg.scid  }
0x8b: {  	s0 =	sand.u32 $0x1, s1  }
0x8c: {  	s17 =	sshll.u32 s0, $0xA;
	s2 =	sadd.s32 s3, s2  }
0x8d: {  	s2 =	sadd.s32 s2, s17  }
0x8e: {  	[smem:$0x3F9B] =	sst s2  }
0x8f: {  	_ = 	snop  }
0x90: {  	(tm) =	ssettm $0x1  }
0x91: {  	s18 =	sld [smem:$0x3FFB];
	_ =	sdelay $0x3  }
0x92: {  	_ =	strace s18  }
0x93: {  	s2 =	sld [smem:$0x3FFC];
	_ =	sdelay $0x3  }
0x94: {  	_ =	strace s2  }
0x95: {  	s2 =	sld [smem:$0x3FFD];
	_ =	sdelay $0x3  }
0x96: {  	_ =	strace s2  }
0x97: {  	_ =	strace $0x8FFFFFFF  }
0x98: {  	s19 =	sld [smem:$0x3FDB];
	_ =	sdelay $0x1  }
0x99: {  	s20 =	simm.s32 $_scs_section_size  }
0x9a: {  	s4 =	simm.s32 $_size__tile_overlayer_lowered;
	s5 =	simm.s32 $_tile_overlayer_lowered  }
0x9b: {  	s6 =	simm.s32 $0x1BFF;
	s21 =	sshll.u32 s5, $0x1;
	s3 =	sadd.s32 s20, s19  }
0x9c: {  	s22 =	simm.s32 $0x0;
	s4 =	sshll.u32 s4, $0x1;
	s5 =	sadd.s32 s21, s3  }
0x9d: {  	[timem:s22], [sflag:s6] =	dma.local [hbm:s5], s4  }
0x9e: {  	_ =	swait.ge [sflag:s6], s4  }
0x9f: {  	s4 =	ssub.s32 $0x0, s4;
	[sflag:s6] =	ssyncset.done $0x0  }
0xa0: {  	[sflag:s6] =	ssyncadd.s32 s4;
	_ =	sdelay $0x1  }
0xa1: {  	s23 =	simm.s32 $0x1B8B  }
0xa2: {  	_ =	swait.ge [sflag:s23], $0x1  }
0xa3: {  	[sflag:s23] =	ssyncset.done $0x0  }
0xa4: {  	[sflag:s23] =	ssyncadd.s32 $0xFFFFFFFF  }
0xa5: {  	s4 =	sld [smem:$0x0]  }
0xa6: {  	s5 =	sand.u32 $0xFFFFFFFE, s1  }
0xa7: {  	p0 =	sne.s32 s1, s5  }
0xa8: {  	s5 =	sshll.u32 @p0 s5, $0xE  }
0xa9: {  	s5 =	sadd.s32 @p0 $0x11B8D, s5;
	s6 =	sshll.u32 @p0 s4, $0x11  }
0xaa: {  	s5 =	sor.u32 @p0 s6, s5  }
0xab: {  	[sflag:s5] =	ssyncadd.remote.s32 @p0 $0x1;
	_ =	sdelay $0x1  }
0xac: {  	s5 =	simm.s32 @p0 $0x1B8D  }
0xad: {  	_ =	swait.eq @p0 [sflag:s5], $0x1  }
0xae: {  	[sflag:s5] =	ssyncadd.s32 @p0 $0xFFFFFFFF  }
0xaf: {  	s6 =	sshll.u32 @!p0 s1, $0xE  }
0xb0: {  	s6 =	sor.u32 @!p0 $0x4000, s6;
	s5 =	simm.s32 @!p0 $0x1B8D  }
0xb1: {  	s4 =	sshll.u32 @!p0 s4, $0x11;
	s6 =	sadd.s32 @!p0 $0x11B8D, s6;
	_ =	swait.eq @!p0 [sflag:s5], $0x1  }
0xb2: {  	s4 =	sor.u32 @!p0 s4, s6;
	[sflag:s5] =	ssyncadd.s32 @!p0 $0xFFFFFFFF  }
0xb3: {  	s25 =	simm.s32 $0x1B8E;
	s24 =	sld [smem:$0x3FFE];
	[sflag:s4] =	ssyncadd.remote.s32 @!p0 $0x1  }
0xb4: {  	s26 =	simm.s32 $execute0_lowered;
	[smem:$0x3FD2] =	sst s25  }
0xb5: {  	s5 =	sshll.u32 s26, $0x1;
	_ =	strace $0x80000049;
	[dreg:$0x1] =	wrdreg $0xFFFFFFFF  }
0xb6: {  	s28 =	simm.s32 $_size_execute0_lowered;
	s3 =	sadd.s32 s3, s5;
	[dreg:$0x0] =	wrdreg $0x0  }
0xb7: {  	s5 =	sshll.u32 s28, $0x1;
	[dreg:$0x2] =	wrdreg s3  }
0xb8: {  	[dreg:$0x3] =	wrdreg s5  }
0xb9: {  	[dreg:$0x4] =	wrdreg $0xC0  }
0xba: {  	_ =	task [dreg:s22], $0x5FFFF  }
0xbb: {  	[dreg:$0x1] =	wrdreg $0xFFFFFFFF  }
0xbc: {  	[dreg:$0x0] =	wrdreg $0x60  }
0xbd: {  	[dreg:$0x2] =	wrdreg s24  }
0xbe: {  	[dreg:$0x3] =	wrdreg $0xA  }
0xbf: {  	_ =	task.clear_ibuf [dreg:s22], $0x4FFFF;
	_ =	strace $0x90000049  }
0xc0: {  	s29 =	simm.s32 $0xA;
	_ =	strace $0x8000004B  }
0xc1: {  	_ =	swait.ge [sflag:s29], $0x1  }
0xc2: {  	[sflag:s29] =	ssyncadd.s32 $0xFFFFFFFF  }
0xc3: {  	_ =	strace $0x9000004B  }
0xc4: {  	_ =	sfence  }
0xc5: {  	s30 =	sld [smem:$0x0];
	_ =	sdelay $0x2  }
0xc6: {  	s31 =	sshll.u32 s1, $0xD;
	s1 =	sshrl.u32 s1, $0x2  }
0xc7: {  	s4 =	sand.u32 $0x4000, s31;
	s1 =	sadd.s32 s1, s30  }
0xc8: {  	s0 =	sor.u32 s4, s0;
	s1 =	sshll.u32 s1, $0x11  }
0xc9: {  	s0 =	sor.u32 s1, s0  }
0xca: {  	s0 =	sadd.s32 $0x8F2B, s0  }
0xcb: {  	[sflag:s0] =	ssyncadd.remote.s32 $0x1  }
0xcc: {  	_ =	sfence.sel $0xFFFF  }
0xcd: {  	[dreg:$0x0] =	wrdreg $0xFFFFFFFF;
	(pc) =	sbr.abs _section_cstart, $3  }
0xce: {  	[dreg:$0x1] =	wrdreg $0xFFFFFFFF  }
0xcf: {  	_ =	task.clear_ibuf [dreg:s22], $0x2FFFF;
	_ =	strace $0x9FFFFFFF  }
0xd0: {  	(tm) =	ssettm $0x7FFFFFFF  }
0xd1: {  	_ =	shalt  }
tec
execute0_lowered:
.L_overlay_start_1:
0x0: {  	(tag) =	ssettag $0x1  }
0x1: {  	s8 =	rddreg [dreg:$0x0]  }
0x2: {  	s0 =	rddreg [dreg:$0x1];
	_ =	strace $0x8000004A;
	s1 =	stileid.u32  }
0x3: {  	s3 =	srdreg.scid;
	s4 =	simm.s32 $0x1;
	s7 =	simm.s32 $0x1  }
0x4: {  	s9 =	simm.s32 $0x1;
	s10 =	simm.s32 $0x3;
	s13 =	simm.s32 $0x0  }
0x5: {  	s12 =	simm.s32 $0x0;
	s5 =	sand.u32 $0x1, s3;
	s6 =	sshll.u32 s1, $0x1  }
0x6: {  	s2 =	sadd.s32 $0x6A800, s8;
	s3 =	sadd.s32 $0x39800, s8;
	s5 =	sor.u32 s6, s5  }
.Ltmp0:
0x7: {  	[sflag:s4] =	ssyncpa.u1 $0x0;
	p0 =	slt.u32 s5, $0x19;
	(pc) =	sbr.rel .LBB2_1-.Ltmp0, $4  }
0x8: {  	s6 =	simm.s32 $0x2;
	s7 =	simm.s32 @!p0 $0x0;
	p0 =	sne.s32 s5, $0x18  }
0x9: {  	[sflag:s6] =	ssyncpa.u1 $0x0;
	s5 =	smul.u32 $0x3800, s5;
	s9 =	simm.s32 @!p0 $0x0  }
0xa: {  	s8 =	sadd.s32 $0x83000, s8;
	[sflag:s10] =	ssyncpa.u1 $0x0;
	s7 =	sadd.s32 s9, s7  }
0xb: {  	vm0 =	vmmov $0xffff;
	s10 =	simm.s32 $0x0;
	s11 =	smov.u32 s5;
	s9 =	sadd.s32 $0x1, s7  }
.LBB2_4:
0xc: {  	v2 =	vnsel vm1, $0x0, v2  }
0xd: {  	vm1 =	vgt.s32 v0, $0x0;
	v2 =	vmin.u32 v2, $0xC3FFF  }
0xe: {  	v0 =	vnsel vm1, $0x0, v0  }
0xf: {  	v0 =	vmin.u32 v0, $0xC3FFF  }
0x10: {  	[tilespmem:s18], [sflag:$0x1] =	stream.indirect_vreg.gather [hbm4b:s2+s10], $0x1, v1, vm0, $0x4038;
	[tilespmem:$0xE000] =	vst v63  }
0x11: {  	(ifvalue) =	ssetifvalue $0x7FFFFFFF  }
0x12: {  	[tilespmem:s15], [sflag:$0x1] =	stream.indirect_vreg.gather [hbm4b:s2+s10], $0x1, v2, vm0, $0x4038;
	[tilespmem:$0xE000] =	vst v63  }
0x13: {  	s29 =	sadd.s32 $0x10, s15;
	(ifvalue) =	ssetifvalue $0x7FFFFFFF  }
0x14: {  	[tilespmem:s29], [sflag:$0x1] =	stream.indirect_vreg.gather [hbm4b:s2+s10], $0x1, v0, vm0, $0x4038;
	[tilespmem:$0xE000] =	vst v63  }
0x15: {  	_ =	swait.ge [sflag:s4], $0x3800  }
0x16: {  	s30 =	sshrl.u32 s13, $0x3;
	[sflag:s4] =	ssyncset.done $0x0  }
0x17: {  	s31 =	sand.u32 $0x7, s13;
	s15 =	sadd.s32 s8, s30;
	[sflag:s4] =	ssyncadd.s32 $0xFFFFC800  }
0x18: {  	[hbm4b:s15+s31] =	stream.linear.scatter [tilespmem:s14], [sflag:$0x3], $0x3800, $0x38;
	[tilespmem:$0xE000] =	vst v63  }
.LBB2_5:
0x19: {  	s15 =	sadd.s32 $0x70000, s11  }
0x1a: {  	p1 =	sgt.s32 s15, $0xC3FFF  }
0x1b: {  	s15 =	smov.u32 @p1 s5;
	p1 =	sne.s32 s12, s9  }
.Ltmp1:
0x1c: {  	p0 =	slt.u32 s12, $0x2;
	(pc) =	sbr.rel @!p1 .LBB2_6-.Ltmp1, $4  }
0x1d: {  	s14 =	simm.s32 @!p0 $0x3  }
0x1e: {  	_ =	swait.ge @!p0 [sflag:s14], $0x3800  }
0x1f: {  	s16 =	sadd.s32 $0x1, s12;
	s13 =	smov.u32 s11;
	[sflag:s14] =	ssyncset.done @!p0 $0x0  }
0x20: {  	s12 =	smov.u32 s16;
	s11 =	smov.u32 s15;
	[sflag:s14] =	ssyncadd.s32 @!p0 $0xFFFFC800  }
.LBB2_1:
0x21: {  	p0 =	sge.u32 s12, s7  }
0x22: {  	s14 =	sxor.u32 @!p0 $0x1, s12  }
0x23: {  	s14 =	smul.u32 @!p0 $0xE000, s14  }
0x24: {  	s31 =	sadd.s32 $0xFFFFFFFF, s12;
	s15 =	sshrl.u32 @!p0 s11, $0x3  }
0x25: {  	s16 =	sand.u32 @!p0 $0x7, s11;
	s15 =	sadd.s32 @!p0 s3, s15;
	s14 =	sshra.s32 @!p0 s14, $0x2  }
0x26: {  	[tilespmem:s14], [sflag:$0x2] =	stream.linear.gather @!p0 [hbm4b:s15+s16], $0x3800, $0x38;
	[tilespmem:$0xE000] =	vst v63  }
0x27: {  	p0 =	sge.u32 s31, s7  }
.Ltmp2:
0x28: {  	_ = 	snop;
	(pc) =	sbr.rel @p0 .LBB2_5-.Ltmp2, $1  }
0x29: {  	_ =	sdelay $0x3  }
0x2a: {  	s14 =	sand.u32 $0x1, s12  }
0x2b: {  	_ =	swait.ge [sflag:s6], $0x3800;
	p0 =	seq.s32 s14, $0x1;
	s14 =	simm.s32 $0x3800  }
0x2c: {  	[sflag:s6] =	ssyncset.done $0x0;
	s14 =	simm.s32 @!p0 $0x0  }
0x2d: {  	[sflag:s6] =	ssyncadd.s32 $0xFFFFC800;
	(ifvalue) =	ssetifvalue $0x7FFFFFFF;
	v0 =	vld.msk [tilespmem:s14+$0x0 ss:$0x1], $0xffff;
	_ =	sdelay $0x4  }
0x2e: {  	s15 =	sadd.s32 $0x10, s14;
	vm1 =	vgt.s32 v0, $0x0  }
0x2f: {  	v2 =	vld.msk [tilespmem:s15+$0x0 ss:$0x1], $0xffff;
	v1 =	vnsel vm1, $0x0, v0  }
0x30: {  	v1 =	vmin.u32 v1, $0xC3FFF;
	_ =	sdelay $0x2  }
0x31: {  	s17 =	simm.s32 $0x20;
	s14 =	sadd.s32 $0x7000, s14;
	s16 =	sadd.s32 $0x10, s15  }
0x32: {  	s15 =	sadd.s32 $0x10, s14;
	s18 =	smov.u32 s14;
	v0 =	vld.msk [tilespmem:s16+$0x0 ss:$0x1], $0xffff;
	vm1 =	vgt.s32 v2, $0x0;
	(ifvalue) =	ssetifvalue $0x7FFFFFFF  }
.LBB2_3:
0x33: {  	[tilespmem:s18], [sflag:$0x1] =	stream.indirect_vreg.gather [hbm4b:s2+s10], $0x1, v1, vm0, $0x4038;
	[tilespmem:$0xE000] =	vst v63  }
0x34: {  	s17 =	sadd.s32 $0x10, s17  }
0x35: {  	v2 =	vnsel vm1, $0x0, v2;
	p0 =	slt.u32 s17, $0x37F0  }
.Ltmp3:
0x36: {  	s18 =	smov.u32 s15;
	v1 =	vmin.u32 v2, $0xC3FFF;
	(pc) =	sbr.rel @p0 .LBB2_3-.Ltmp3, $3  }
0x37: {  	_ =	sdelay $0x1  }
0x38: {  	s16 =	sadd.s32 $0x10, s16  }
0x39: {  	vm1 =	vgt.s32 v0, $0x0;
	s15 =	sadd.s32 $0x10, s15;
	v2 =	vmov v0;
	(ifvalue) =	ssetifvalue $0x7FFFFFFF;
	v0 =	vld.msk [tilespmem:s16+$0x0 ss:$0x1], $0xffff  }
.Ltmp4:
0x3a: {  	_ = 	snop;
	(pc) =	sbr.rel .LBB2_4-.Ltmp4, $1  }
0x3b: {  	_ =	sdelay $0x3  }
.LBB2_6:
0x3c: {  	_ =	sfence.sel $0x180000  }
0x3d: {  	s2 =	simm.s32 $0x2;
	[bflag:$0x0] =	sbarrier.arrive $0xFFFF  }
0x3e: {  	s30 =	simm.s32 $0x3;
	[sflag:s2] =	ssyncpa.u1 $0x1  }
0x3f: {  	s31 =	simm.s32 $0x1;
	[sflag:s30] =	ssyncpa.u1 $0x1  }
0x40: {  	[sflag:s31] =	ssyncpa.u1 $0x1  }
0x41: {  	p0 =	sne.s32 s1, $0x0;
	_ =	strace $0x9000004A  }
0x42: {  	s0 =	sadd.s32 @!p0 $0x100000, s0;
	[bflag:$0x2] =	sbarrier.arrive $0xFFFF  }
0x43: {  	[sflag:s0] =	ssyncadd.tile.s32 @!p0 $0x1;
	_ =	shalt  }
.Lfunc_end2:
_tile_overlayer_lowered:
.L_overlay_start_2:
0x44: {  	(tag) =	ssettag $0x2  }
0x45: {  	s0 =	rddreg [dreg:$0x0];
	s2 =	stileid.u32  }
0x46: {  	s1 =	rddreg [dreg:$0x1];
	p0 =	sne.s32 s2, $0x0  }
0x47: {  	s3 =	rddreg [dreg:$0x2];
	[bflag:$0x3] =	sbarrier.arrive $0xFFFF;
	s2 =	simm.s32 @!p0 $0x1C01  }
0x48: {  	[timem:s3], [sflag:s2] =	dma.local @!p0 [hbm:s0], s1  }
0x49: {  	s0 =	simm.s32 @!p0 $0x1  }
0x4a: {  	_ =	swait.ge @!p0 [sflag:s0], s1  }
0x4b: {  	s1 =	ssub.s32 @!p0 $0x0, s1;
	[sflag:s0] =	ssyncset.done @!p0 $0x0  }
0x4c: {  	[sflag:s0] =	ssyncadd.s32 @!p0 s1  }
0x4d: {  	[bflag:$0x3] =	sbarrier.arrive $0xFFFF  }
0x4e: {  	_ =	shalt  }

// kernel: kernel.15.cloned.1.call-start
scs
__scs_entry_jumppad:
0x0: {  	(pc) =	sbr.rel $0x88, $3  }
0x1: {  	(tag) =	ssettag $0x0;
	lr =	simm.s32 $0x1  }
0x2: {  	[smem:$0x3F74] =	sst lr;
	_ =	strace $0xD0000000  }
0x3: {  	_ = 	snop  }
0x4: {  	_ = 	snop  }
0x5: {  	_ = 	snop  }
0x6: {  	_ = 	snop  }
0x7: {  	_ = 	snop  }
__scs_overlays_trampoline_lowered:
0x8: {  	[smem:$0x3F83] =	sst s0  }
0x9: {  	[smem:$0x3F84] =	sst s1  }
0xa: {  	[smem:$0x3F85] =	sst s2  }
0xb: {  	[smem:$0x3F86] =	sst s3  }
0xc: {  	[smem:$0x3F87] =	sst s4  }
0xd: {  	[smem:$0x3F88] =	sst s5  }
0xe: {  	[smem:$0x3F89] =	sst s6  }
0xf: {  	[smem:$0x3F8A] =	sst s7  }
0x10: {  	[smem:$0x3F8B] =	sst s8  }
0x11: {  	[smem:$0x3F8C] =	sst s9;
	s0 =	simm.s32 @!p0 $0x0  }
0x12: {  	s1 =	sld [smem:$0x3F72];
	s0 =	simm.s32 @p0 $0x1  }
0x13: {  	[smem:$0x3F8D] =	sst s0;
	s0 =	simm.s32 @!p1 $0x0  }
0x14: {  	s2 =	sld [smem:$0x3F71];
	s0 =	simm.s32 @p1 $0x1  }
0x15: {  	[smem:$0x3F8E] =	sst s0;
	s0 =	simm.s32 @!p2 $0x0  }
0x16: {  	s3 =	sld [smem:$0x3FDB];
	s0 =	simm.s32 @p2 $0x1  }
0x17: {  	s4 =	simm.s32 $0x1BF5;
	[smem:$0x3F90] =	sst s0  }
0x18: {  	s0 =	sld [smem:$0x3F73];
	_ =	swait.ge [sflag:s4], $0x0  }
0x19: {  	s7 =	sld [smem:$0x3F74]  }
0x1a: {  	s8 =	sadd.s32 $0xFFFFE003, lr  }
0x1b: {  	s9 =	sadd.s32 $0xFFFFFEF7, lr;
	s5 =	simm.s32 $0xFFFFFFFF;
	p2 =	slt.u32 s8, $0xFFFFF086  }
0x1c: {  	p1 =	slt.u32 s9, $0xF7A;
	s5 =	simm.s32 @!p2 $0x0  }
0x1d: {  	s5 =	simm.s32 @p1 $0x1;
	p0 =	seq.s32 s7, s2  }
0x1e: {  	s7 =	smul.u32 @!p0 $0xF7A, s2;
	p2 =	seq.s32 @!p0 s5, $0x0  }
0x1f: {  	s9 =	smul.u32 $0xF7A, s1;
	s8 =	simm.s32 @!p0 $0x1BF5;
	p2 =	por !p2, p0  }
0x20: {  	[sflag:s8] =	ssyncset.s32 @!p0 $0xFFFFF086;
	s6 =	sadd.s32 @!p0 s3, s7;
	s7 =	simm.s32 @!p0 $0x108  }
0x21: {  	s3 =	sadd.s32 s3, s9;
	s6 =	sadd.s32 @!p0 $0x88, s6;
	s7 =	simm.s32 @p2 $0x1082  }
0x22: {  	[simem:s7], [sflag:s8] =	dma.local @!p0 [hbm:s6], $0xF7A  }
0x23: {  	s9 =	sor.u32 $0xD0000000, s2;
	s6 =	simm.s32 $0x108;
	_ =	swait.ge @!p0 [sflag:s8], $0x0  }
0x24: {  	s3 =	sadd.s32 $0x88, s3;
	s6 =	simm.s32 @!p1 $0x1082;
	[sflag:s4] =	ssyncset.s32 $0xFFFFF086  }
0x25: {  	[simem:s6], [sflag:s4] =	dma.local [hbm:s3], $0xF7A  }
0x26: {  	[smem:$0x3F74] =	sst s1;
	(tag) =	ssettag s2;
	_ =	strace s9  }
0x27: {  	s1 =	sld [smem:$0x3F84]  }
0x28: {  	s2 =	sld [smem:$0x3F85]  }
0x29: {  	s4 =	sld [smem:$0x3F87]  }
0x2a: {  	p0 =	seq.s32 s5, $0x0;
	s5 =	sld [smem:$0x3F88]  }
0x2b: {  	s6 =	sld [smem:$0x3F89]  }
0x2c: {  	s7 =	sld [smem:$0x3F8A]  }
0x2d: {  	s3 =	simm.s32 $0x108;
	s8 =	sld [smem:$0x3F8B]  }
0x2e: {  	s3 =	simm.s32 @!p0 $0x1082;
	s9 =	sld [smem:$0x3F8C]  }
0x2f: {  	lr =	sadd.s32 s0, s3;
	s0 =	sld [smem:$0x3F83]  }
0x30: {  	s3 =	sld [smem:$0x3F86]  }
0x31: {  	[smem:$0x3F8F] =	sst s10  }
0x32: {  	s10 =	sld [smem:$0x3F8D];
	_ =	sdelay $0x3  }
0x33: {  	p0 =	seq.s32 s10, $0x1;
	s10 =	sld [smem:$0x3F8F];
	_ =	sdelay $0x3  }
0x34: {  	[smem:$0x3F8F] =	sst s10  }
0x35: {  	s10 =	sld [smem:$0x3F8E];
	_ =	sdelay $0x3  }
0x36: {  	p1 =	seq.s32 s10, $0x1;
	s10 =	sld [smem:$0x3F8F];
	_ =	sdelay $0x3  }
0x37: {  	[smem:$0x3F8F] =	sst s10  }
0x38: {  	s10 =	sld [smem:$0x3F90]  }
0x39: {  	_ = 	snop;
	(pc) =	sbr.ind lr, $3  }
0x3a: {  	_ = 	snop  }
0x3b: {  	_ = 	snop  }
0x3c: {  	p2 =	seq.s32 s10, $0x1;
	s10 =	sld [smem:$0x3F8F]  }
0x3d: {  	_ =	shalt  }
0x3e: {  	_ =	shalt  }
0x3f: {  	_ =	shalt  }
0x40: {  	_ =	shalt  }
0x41: {  	_ =	shalt  }
0x42: {  	_ =	shalt  }
0x43: {  	_ =	shalt  }
0x44: {  	_ =	shalt  }
0x45: {  	_ =	shalt  }
0x46: {  	_ =	shalt  }
0x47: {  	_ =	shalt  }
0x48: {  	_ =	shalt  }
0x49: {  	_ =	shalt  }
0x4a: {  	_ =	shalt  }
0x4b: {  	_ =	shalt  }
0x4c: {  	_ =	shalt  }
0x4d: {  	_ =	shalt  }
0x4e: {  	_ =	shalt  }
0x4f: {  	_ =	shalt  }
0x50: {  	_ =	shalt  }
0x51: {  	_ =	shalt  }
0x52: {  	_ =	shalt  }
0x53: {  	_ =	shalt  }
0x54: {  	_ =	shalt  }
0x55: {  	_ =	shalt  }
0x56: {  	_ =	shalt  }
0x57: {  	_ =	shalt  }
0x58: {  	_ =	shalt  }
0x59: {  	_ =	shalt  }
0x5a: {  	_ =	shalt  }
0x5b: {  	_ =	shalt  }
0x5c: {  	_ =	shalt  }
0x5d: {  	_ =	shalt  }
0x5e: {  	_ =	shalt  }
0x5f: {  	_ =	shalt  }
0x60: {  	_ =	shalt  }
0x61: {  	_ =	shalt  }
0x62: {  	_ =	shalt  }
0x63: {  	_ =	shalt  }
0x64: {  	_ =	shalt  }
0x65: {  	_ =	shalt  }
0x66: {  	_ =	shalt  }
0x67: {  	_ =	shalt  }
0x68: {  	_ =	shalt  }
0x69: {  	_ =	shalt  }
0x6a: {  	_ =	shalt  }
0x6b: {  	_ =	shalt  }
0x6c: {  	_ =	shalt  }
0x6d: {  	_ =	shalt  }
0x6e: {  	_ =	shalt  }
0x6f: {  	_ =	shalt  }
0x70: {  	_ =	shalt  }
0x71: {  	_ =	shalt  }
0x72: {  	_ =	shalt  }
0x73: {  	_ =	shalt  }
0x74: {  	_ =	shalt  }
0x75: {  	_ =	shalt  }
0x76: {  	_ =	shalt  }
0x77: {  	_ =	shalt  }
0x78: {  	_ =	shalt  }
0x79: {  	_ =	shalt  }
0x7a: {  	_ =	shalt  }
0x7b: {  	_ =	shalt  }
0x7c: {  	_ =	shalt  }
0x7d: {  	_ =	shalt  }
0x7e: {  	_ =	shalt  }
0x7f: {  	_ =	shalt  }
0x80: {  	_ =	shalt  }
0x81: {  	_ =	shalt  }
0x82: {  	_ =	shalt  }
0x83: {  	_ =	shalt  }
0x84: {  	_ =	shalt  }
0x85: {  	_ =	shalt  }
0x86: {  	_ =	shalt  }
0x87: {  	_ =	shalt  }
.Lfunc_end0:
.L_simem_size_0:
called_computation.3_lowered:
.L_overlay_start_0:
0x88: {  	s2 =	sld [smem:$0x3FD9]  }
0x89: {  	s3 =	sld [smem:$0x3FFE];
	_ =	sdelay $0x1  }
0x8a: {  	s1 =	srdreg.scid  }
0x8b: {  	s0 =	sand.u32 $0x1, s1  }
0x8c: {  	s17 =	sshll.u32 s0, $0xA;
	s2 =	sadd.s32 s3, s2  }
0x8d: {  	s2 =	sadd.s32 s2, s17  }
0x8e: {  	[smem:$0x3F9B] =	sst s2  }
0x8f: {  	_ = 	snop  }
0x90: {  	(tm) =	ssettm $0x1  }
0x91: {  	s18 =	sld [smem:$0x3FFB];
	_ =	sdelay $0x3  }
0x92: {  	_ =	strace s18  }
0x93: {  	s2 =	sld [smem:$0x3FFC];
	_ =	sdelay $0x3  }
0x94: {  	_ =	strace s2  }
0x95: {  	s2 =	sld [smem:$0x3FFD];
	_ =	sdelay $0x3  }
0x96: {  	_ =	strace s2  }
0x97: {  	_ =	strace $0x8FFFFFFF  }
0x98: {  	s19 =	sld [smem:$0x3FDB];
	_ =	sdelay $0x1  }
0x99: {  	s20 =	simm.s32 $_scs_section_size  }
0x9a: {  	s4 =	simm.s32 $_size__tile_overlayer_lowered;
	s5 =	simm.s32 $_tile_overlayer_lowered  }
0x9b: {  	s6 =	simm.s32 $0x1BFF;
	s21 =	sshll.u32 s5, $0x1;
	s3 =	sadd.s32 s20, s19  }
0x9c: {  	s22 =	simm.s32 $0x0;
	s4 =	sshll.u32 s4, $0x1;
	s5 =	sadd.s32 s21, s3  }
0x9d: {  	[timem:s22], [sflag:s6] =	dma.local [hbm:s5], s4  }
0x9e: {  	_ =	swait.ge [sflag:s6], s4  }
0x9f: {  	s4 =	ssub.s32 $0x0, s4;
	[sflag:s6] =	ssyncset.done $0x0  }
0xa0: {  	[sflag:s6] =	ssyncadd.s32 s4;
	_ =	sdelay $0x1  }
0xa1: {  	s23 =	simm.s32 $0x1B8B  }
0xa2: {  	_ =	swait.ge [sflag:s23], $0x1  }
0xa3: {  	[sflag:s23] =	ssyncset.done $0x0  }
0xa4: {  	[sflag:s23] =	ssyncadd.s32 $0xFFFFFFFF  }
0xa5: {  	s4 =	sld [smem:$0x0]  }
0xa6: {  	s5 =	sand.u32 $0xFFFFFFFE, s1  }
0xa7: {  	p0 =	sne.s32 s1, s5  }
0xa8: {  	s5 =	sshll.u32 @p0 s5, $0xE  }
0xa9: {  	s5 =	sadd.s32 @p0 $0x11B8D, s5;
	s6 =	sshll.u32 @p0 s4, $0x11  }
0xaa: {  	s5 =	sor.u32 @p0 s6, s5  }
0xab: {  	[sflag:s5] =	ssyncadd.remote.s32 @p0 $0x1;
	_ =	sdelay $0x1  }
0xac: {  	s5 =	simm.s32 @p0 $0x1B8D  }
0xad: {  	_ =	swait.eq @p0 [sflag:s5], $0x1  }
0xae: {  	[sflag:s5] =	ssyncadd.s32 @p0 $0xFFFFFFFF  }
0xaf: {  	s6 =	sshll.u32 @!p0 s1, $0xE  }
0xb0: {  	s6 =	sor.u32 @!p0 $0x4000, s6;
	s5 =	simm.s32 @!p0 $0x1B8D  }
0xb1: {  	s4 =	sshll.u32 @!p0 s4, $0x11;
	s6 =	sadd.s32 @!p0 $0x11B8D, s6;
	_ =	swait.eq @!p0 [sflag:s5], $0x1  }
0xb2: {  	s4 =	sor.u32 @!p0 s4, s6;
	[sflag:s5] =	ssyncadd.s32 @!p0 $0xFFFFFFFF  }
0xb3: {  	s25 =	simm.s32 $0x1B8E;
	s24 =	sld [smem:$0x3FFE];
	[sflag:s4] =	ssyncadd.remote.s32 @!p0 $0x1  }
0xb4: {  	s26 =	simm.s32 $execute0_lowered;
	[smem:$0x3FD2] =	sst s25  }
0xb5: {  	s5 =	sshll.u32 s26, $0x1;
	_ =	strace $0x8000004F;
	[dreg:$0x1] =	wrdreg $0xFFFFFFFF  }
0xb6: {  	s28 =	simm.s32 $_size_execute0_lowered;
	s3 =	sadd.s32 s3, s5;
	[dreg:$0x0] =	wrdreg $0x0  }
0xb7: {  	s5 =	sshll.u32 s28, $0x1;
	[dreg:$0x2] =	wrdreg s3  }
0xb8: {  	[dreg:$0x3] =	wrdreg s5  }
0xb9: {  	[dreg:$0x4] =	wrdreg $0xC0  }
0xba: {  	_ =	task [dreg:s22], $0x5FFFF  }
0xbb: {  	[dreg:$0x1] =	wrdreg $0xFFFFFFFF  }
0xbc: {  	[dreg:$0x0] =	wrdreg $0x60  }
0xbd: {  	[dreg:$0x2] =	wrdreg s24  }
0xbe: {  	[dreg:$0x3] =	wrdreg $0xA  }
0xbf: {  	_ =	task.clear_ibuf [dreg:s22], $0x4FFFF;
	_ =	strace $0x9000004F  }
0xc0: {  	s29 =	simm.s32 $0xA;
	_ =	strace $0x80000051  }
0xc1: {  	_ =	swait.ge [sflag:s29], $0x1  }
0xc2: {  	[sflag:s29] =	ssyncadd.s32 $0xFFFFFFFF  }
0xc3: {  	_ =	strace $0x90000051  }
0xc4: {  	_ =	sfence  }
0xc5: {  	s30 =	sld [smem:$0x0];
	_ =	sdelay $0x2  }
0xc6: {  	s31 =	sshll.u32 s1, $0xD;
	s1 =	sshrl.u32 s1, $0x2  }
0xc7: {  	s4 =	sand.u32 $0x4000, s31;
	s1 =	sadd.s32 s1, s30  }
0xc8: {  	s0 =	sor.u32 s4, s0;
	s1 =	sshll.u32 s1, $0x11  }
0xc9: {  	s0 =	sor.u32 s1, s0  }
0xca: {  	s0 =	sadd.s32 $0x8F2B, s0  }
0xcb: {  	[sflag:s0] =	ssyncadd.remote.s32 $0x1  }
0xcc: {  	_ =	sfence.sel $0xFFFF  }
0xcd: {  	[dreg:$0x0] =	wrdreg $0xFFFFFFFF;
	(pc) =	sbr.abs _section_cstart, $3  }
0xce: {  	[dreg:$0x1] =	wrdreg $0xFFFFFFFF  }
0xcf: {  	_ =	task.clear_ibuf [dreg:s22], $0x2FFFF;
	_ =	strace $0x9FFFFFFF  }
0xd0: {  	(tm) =	ssettm $0x7FFFFFFF  }
0xd1: {  	_ =	shalt  }
tec
execute0_lowered:
.L_overlay_start_1:
0x0: {  	(tag) =	ssettag $0x1  }
0x1: {  	s4 =	rddreg [dreg:$0x0]  }
0x2: {  	s0 =	rddreg [dreg:$0x1];
	s2 =	simm.s32 $0x0  }
0x3: {  	s3 =	srdreg.scid;
	s1 =	stileid.u32;
	s11 =	simm.s32 $0x100  }
0x4: {  	s12 =	simm.s32 $0x4100;
	s13 =	simm.s32 $0x1;
	s6 =	smul.u32 $0xC400, s1  }
0x5: {  	s14 =	simm.s32 $0x2;
	s5 =	sand.u32 $0x1, s3;
	s8 =	smul.u32 $0xC4000, s1  }
0x6: {  	s15 =	simm.s32 $0x0;
	[smem:$0x7FF] =	sst s2;
	s7 =	smul.u32 $0x6200, s5  }
0x7: {  	s3 =	sadd.s32 $0x15F800, s4;
	s29 =	ssub.s32 $0x2, s5;
	s5 =	smul.u32 $0x62000, s5  }
0x8: {  	_ =	strace $0x80000050;
	s8 =	sadd.s32 s8, s4;
	s9 =	sshrl.u32 s29, $0x1  }
0x9: {  	s6 =	sadd.s32 s7, s6;
	s30 =	ssub.s32 s29, s9;
	s31 =	sadd.s32 s5, s8  }
0xa: {  	s9 =	simm.s32 $0x3;
	s6 =	sshrl.u32 s6, $0x3;
	s5 =	sadd.s32 $0x2E7800, s31  }
0xb: {  	s10 =	sadd.s32 s6, s4;
	s4 =	smax.u32 s30, $0x1;
	s6 =	sadd.s32 $0xF27800, s31  }
0xc: {  	s7 =	sadd.s32 $0x52000, s10;
	s8 =	sadd.s32 $0x83000, s10;
	s10 =	simm.s32 $0x80  }
.LBB2_1:
0xd: {  	s16 =	sadd.s32 $0x0, s8  }
0xe: {  	[tilespmem:s2], [sflag:$0x3] =	stream.linear.gather [hbm4b:s16+s2], $0x80, $0x38;
	[tilespmem:$0x8100] =	vst v63  }
0xf: {  	_ =	swait.ge [sflag:s9], $0x80  }
0x10: {  	[sflag:s9] =	ssyncset.done $0x0  }
0x11: {  	s31 =	sadd.s32 $0x0, s7;
	[sflag:s9] =	ssyncadd.s32 $0xFFFFFF80  }
0x12: {  	[tilespmem:s10], [sflag:$0x3] =	stream.linear.gather [hbm4b:s31+s2], $0x80, $0x38;
	[tilespmem:$0x8100] =	vst v63  }
0x13: {  	_ =	swait.ge [sflag:s9], $0x80  }
0x14: {  	[sflag:s9] =	ssyncset.done $0x0  }
0x15: {  	[sflag:s9] =	ssyncadd.s32 $0xFFFFFF80  }
0x16: {  	[tilespmem:s11], [sflag:$0x1] =	stream.indirect.gather [hbm4b:s3+s10], $0x80, s2, s10, $0xb8;
	[tilespmem:$0x8100] =	vst v63  }
0x17: {  	_ = 	snop  }
0x18: {  	[tilespmem:s12], [sflag:$0x2] =	stream.indirect.gather [hbm4b:s3+s10], $0x80, s10, s10, $0xb8;
	[tilespmem:$0x8100] =	vst v63  }
0x19: {  	_ =	swait.ge [sflag:s13], $0x4000  }
0x1a: {  	[sflag:s13] =	ssyncset.done $0x0  }
0x1b: {  	[sflag:s13] =	ssyncadd.s32 $0xFFFFC000  }
0x1c: {  	_ =	swait.ge [sflag:s14], $0x4000  }
0x1d: {  	[sflag:s14] =	ssyncset.done $0x0  }
0x1e: {  	[sflag:s14] =	ssyncadd.s32 $0xFFFFC000  }
0x1f: {  	[hbm4b:s5+s2] =	stream.linear.scatter [tilespmem:s11], [sflag:$0x3], $0x4000, $0x38;
	[tilespmem:$0x8100] =	vst v63  }
0x20: {  	_ =	swait.ge [sflag:s9], $0x4000  }
0x21: {  	[sflag:s9] =	ssyncset.done $0x0  }
0x22: {  	[sflag:s9] =	ssyncadd.s32 $0xFFFFC000  }
0x23: {  	[hbm4b:s6+s2] =	stream.linear.scatter [tilespmem:s12], [sflag:$0x3], $0x4000, $0x38;
	[tilespmem:$0x8100] =	vst v63  }
0x24: {  	s18 =	simm.s32 $0x10;
	s19 =	simm.s32 $0x20;
	_ =	swait.ge [sflag:s9], $0x4000  }
0x25: {  	s17 =	sadd.s32 $0x800, s5;
	s16 =	sadd.s32 $0x800, s6;
	[sflag:s9] =	ssyncset.done $0x0  }
.LBB2_2:
0x26: {  	s20 =	sadd.s32 s18, s8  }
0x27: {  	[sflag:s9] =	ssyncadd.s32 $0xFFFFC000;
	s21 =	smov.u32 s19;
	s22 =	sadd.s32 $0x10, s19  }
0x28: {  	[tilespmem:s2], [sflag:$0x3] =	stream.linear.gather [hbm4b:s20+s2], $0x80, $0x38;
	[tilespmem:$0x8100] =	vst v63  }
0x29: {  	p0 =	sne.s32 s19, $0xC30;
	_ =	swait.ge [sflag:s9], $0x80  }
0x2a: {  	[sflag:s9] =	ssyncset.done $0x0  }
0x2b: {  	s19 =	sadd.s32 s18, s7;
	s18 =	smov.u32 s21;
	[sflag:s9] =	ssyncadd.s32 $0xFFFFFF80  }
0x2c: {  	[tilespmem:s10], [sflag:$0x3] =	stream.linear.gather [hbm4b:s19+s2], $0x80, $0x38;
	[tilespmem:$0x8100] =	vst v63  }
0x2d: {  	_ =	swait.ge [sflag:s9], $0x80  }
0x2e: {  	[sflag:s9] =	ssyncset.done $0x0  }
0x2f: {  	[sflag:s9] =	ssyncadd.s32 $0xFFFFFF80  }
0x30: {  	[tilespmem:s11], [sflag:$0x1] =	stream.indirect.gather [hbm4b:s3+s10], $0x80, s2, s10, $0xb8;
	[tilespmem:$0x8100] =	vst v63  }
0x31: {  	_ = 	snop  }
0x32: {  	[tilespmem:s12], [sflag:$0x2] =	stream.indirect.gather [hbm4b:s3+s10], $0x80, s10, s10, $0xb8;
	[tilespmem:$0x8100] =	vst v63  }
0x33: {  	_ =	swait.ge [sflag:s13], $0x4000  }
0x34: {  	[sflag:s13] =	ssyncset.done $0x0  }
0x35: {  	[sflag:s13] =	ssyncadd.s32 $0xFFFFC000  }
0x36: {  	_ =	swait.ge [sflag:s14], $0x4000  }
0x37: {  	[sflag:s14] =	ssyncset.done $0x0  }
0x38: {  	[sflag:s14] =	ssyncadd.s32 $0xFFFFC000  }
0x39: {  	[hbm4b:s17+s2] =	stream.linear.scatter [tilespmem:s11], [sflag:$0x3], $0x4000, $0x38;
	[tilespmem:$0x8100] =	vst v63  }
0x3a: {  	_ =	swait.ge [sflag:s9], $0x4000  }
.Ltmp0:
0x3b: {  	[sflag:s9] =	ssyncset.done $0x0;
	(pc) =	sbr.rel @p0 .LBB2_2-.Ltmp0, $4  }
0x3c: {  	[sflag:s9] =	ssyncadd.s32 $0xFFFFC000  }
0x3d: {  	[hbm4b:s16+s2] =	stream.linear.scatter [tilespmem:s12], [sflag:$0x3], $0x4000, $0x38;
	[tilespmem:$0x8100] =	vst v63  }
0x3e: {  	s19 =	smov.u32 s22;
	_ =	swait.ge [sflag:s9], $0x4000  }
0x3f: {  	s17 =	sadd.s32 $0x800, s17;
	s16 =	sadd.s32 $0x800, s16;
	[sflag:s9] =	ssyncset.done $0x0  }
0x40: {  	s19 =	sadd.s32 s18, s8;
	[sflag:s9] =	ssyncadd.s32 $0xFFFFC000  }
0x41: {  	[tilespmem:s2], [sflag:$0x3] =	stream.linear.gather [hbm4b:s19+s2], $0x80, $0x38;
	[tilespmem:$0x8100] =	vst v63  }
0x42: {  	_ =	swait.ge [sflag:s9], $0x80  }
0x43: {  	[sflag:s9] =	ssyncset.done $0x0  }
0x44: {  	s31 =	sadd.s32 s18, s7;
	[sflag:s9] =	ssyncadd.s32 $0xFFFFFF80  }
0x45: {  	[tilespmem:s10], [sflag:$0x3] =	stream.linear.gather [hbm4b:s31+s2], $0x80, $0x38;
	[tilespmem:$0x8100] =	vst v63  }
0x46: {  	_ =	swait.ge [sflag:s9], $0x80  }
0x47: {  	[sflag:s9] =	ssyncset.done $0x0  }
0x48: {  	[sflag:s9] =	ssyncadd.s32 $0xFFFFFF80  }
0x49: {  	[tilespmem:s11], [sflag:$0x1] =	stream.indirect.gather [hbm4b:s3+s10], $0x80, s2, s10, $0xb8;
	[tilespmem:$0x8100] =	vst v63  }
0x4a: {  	_ = 	snop  }
0x4b: {  	[tilespmem:s12], [sflag:$0x2] =	stream.indirect.gather [hbm4b:s3+s10], $0x80, s10, s10, $0xb8;
	[tilespmem:$0x8100] =	vst v63  }
0x4c: {  	_ =	swait.ge [sflag:s13], $0x4000  }
0x4d: {  	[sflag:s13] =	ssyncset.done $0x0  }
0x4e: {  	[sflag:s13] =	ssyncadd.s32 $0xFFFFC000  }
0x4f: {  	_ =	swait.ge [sflag:s14], $0x4000  }
0x50: {  	[sflag:s14] =	ssyncset.done $0x0  }
0x51: {  	[sflag:s14] =	ssyncadd.s32 $0xFFFFC000  }
0x52: {  	[hbm4b:s17+s2] =	stream.linear.scatter [tilespmem:s11], [sflag:$0x3], $0x4000, $0x38;
	[tilespmem:$0x8100] =	vst v63  }
0x53: {  	s15 =	sadd.s32 $0x1, s15;
	_ =	swait.ge [sflag:s9], $0x4000  }
0x54: {  	p0 =	sne.s32 s15, s4;
	[sflag:s9] =	ssyncset.done $0x0  }
.Ltmp1:
0x55: {  	[sflag:s9] =	ssyncadd.s32 $0xFFFFC000;
	(pc) =	sbr.rel @p0 .LBB2_1-.Ltmp1, $4  }
0x56: {  	[hbm4b:s16+s2] =	stream.linear.scatter [tilespmem:s12], [sflag:$0x3], $0x4000, $0x38;
	[tilespmem:$0x8100] =	vst v63  }
0x57: {  	_ =	swait.ge [sflag:s9], $0x4000  }
0x58: {  	[sflag:s9] =	ssyncset.done $0x0  }
0x59: {  	[sflag:s9] =	ssyncadd.s32 $0xFFFFC000  }
0x5a: {  	_ =	sfence.sel $0x180000  }
0x5b: {  	[bflag:$0x0] =	sbarrier.arrive $0xFFFF  }
0x5c: {  	p0 =	sne.s32 s1, $0x0;
	_ =	strace $0x90000050  }
0x5d: {  	s0 =	sadd.s32 @!p0 $0x100000, s0;
	[bflag:$0x2] =	sbarrier.arrive $0xFFFF  }
0x5e: {  	[sflag:s0] =	ssyncadd.tile.s32 @!p0 $0x1;
	_ =	shalt  }
.Lfunc_end2:
_tile_overlayer_lowered:
.L_overlay_start_2:
0x5f: {  	(tag) =	ssettag $0x2  }
0x60: {  	s0 =	rddreg [dreg:$0x0];
	s2 =	stileid.u32  }
0x61: {  	s1 =	rddreg [dreg:$0x1];
	p0 =	sne.s32 s2, $0x0  }
0x62: {  	s3 =	rddreg [dreg:$0x2];
	[bflag:$0x3] =	sbarrier.arrive $0xFFFF;
	s2 =	simm.s32 @!p0 $0x1C03  }
0x63: {  	[timem:s3], [sflag:s2] =	dma.local @!p0 [hbm:s0], s1  }
0x64: {  	s0 =	simm.s32 @!p0 $0x3  }
0x65: {  	_ =	swait.ge @!p0 [sflag:s0], s1  }
0x66: {  	s1 =	ssub.s32 @!p0 $0x0, s1;
	[sflag:s0] =	ssyncset.done @!p0 $0x0  }
0x67: {  	[sflag:s0] =	ssyncadd.s32 @!p0 s1  }
0x68: {  	[bflag:$0x3] =	sbarrier.arrive $0xFFFF  }
0x69: {  	_ =	shalt  }

// kernel: kernel.18.cloned.1.call-start
scs
__scs_entry_jumppad:
0x0: {  	(pc) =	sbr.rel $0x88, $3  }
0x1: {  	(tag) =	ssettag $0x0;
	lr =	simm.s32 $0x1  }
0x2: {  	[smem:$0x3F74] =	sst lr;
	_ =	strace $0xD0000000  }
0x3: {  	_ = 	snop  }
0x4: {  	_ = 	snop  }
0x5: {  	_ = 	snop  }
0x6: {  	_ = 	snop  }
0x7: {  	_ = 	snop  }
__scs_overlays_trampoline_lowered:
0x8: {  	[smem:$0x3F83] =	sst s0  }
0x9: {  	[smem:$0x3F84] =	sst s1  }
0xa: {  	[smem:$0x3F85] =	sst s2  }
0xb: {  	[smem:$0x3F86] =	sst s3  }
0xc: {  	[smem:$0x3F87] =	sst s4  }
0xd: {  	[smem:$0x3F88] =	sst s5  }
0xe: {  	[smem:$0x3F89] =	sst s6  }
0xf: {  	[smem:$0x3F8A] =	sst s7  }
0x10: {  	[smem:$0x3F8B] =	sst s8  }
0x11: {  	[smem:$0x3F8C] =	sst s9;
	s0 =	simm.s32 @!p0 $0x0  }
0x12: {  	s1 =	sld [smem:$0x3F72];
	s0 =	simm.s32 @p0 $0x1  }
0x13: {  	[smem:$0x3F8D] =	sst s0;
	s0 =	simm.s32 @!p1 $0x0  }
0x14: {  	s2 =	sld [smem:$0x3F71];
	s0 =	simm.s32 @p1 $0x1  }
0x15: {  	[smem:$0x3F8E] =	sst s0;
	s0 =	simm.s32 @!p2 $0x0  }
0x16: {  	s3 =	sld [smem:$0x3FDB];
	s0 =	simm.s32 @p2 $0x1  }
0x17: {  	s4 =	simm.s32 $0x1BF5;
	[smem:$0x3F90] =	sst s0  }
0x18: {  	s0 =	sld [smem:$0x3F73];
	_ =	swait.ge [sflag:s4], $0x0  }
0x19: {  	s7 =	sld [smem:$0x3F74]  }
0x1a: {  	s8 =	sadd.s32 $0xFFFFE003, lr  }
0x1b: {  	s9 =	sadd.s32 $0xFFFFFEF7, lr;
	s5 =	simm.s32 $0xFFFFFFFF;
	p2 =	slt.u32 s8, $0xFFFFF086  }
0x1c: {  	p1 =	slt.u32 s9, $0xF7A;
	s5 =	simm.s32 @!p2 $0x0  }
0x1d: {  	s5 =	simm.s32 @p1 $0x1;
	p0 =	seq.s32 s7, s2  }
0x1e: {  	s7 =	smul.u32 @!p0 $0xF7A, s2;
	p2 =	seq.s32 @!p0 s5, $0x0  }
0x1f: {  	s9 =	smul.u32 $0xF7A, s1;
	s8 =	simm.s32 @!p0 $0x1BF5;
	p2 =	por !p2, p0  }
0x20: {  	[sflag:s8] =	ssyncset.s32 @!p0 $0xFFFFF086;
	s6 =	sadd.s32 @!p0 s3, s7;
	s7 =	simm.s32 @!p0 $0x108  }
0x21: {  	s3 =	sadd.s32 s3, s9;
	s6 =	sadd.s32 @!p0 $0x88, s6;
	s7 =	simm.s32 @p2 $0x1082  }
0x22: {  	[simem:s7], [sflag:s8] =	dma.local @!p0 [hbm:s6], $0xF7A  }
0x23: {  	s9 =	sor.u32 $0xD0000000, s2;
	s6 =	simm.s32 $0x108;
	_ =	swait.ge @!p0 [sflag:s8], $0x0  }
0x24: {  	s3 =	sadd.s32 $0x88, s3;
	s6 =	simm.s32 @!p1 $0x1082;
	[sflag:s4] =	ssyncset.s32 $0xFFFFF086  }
0x25: {  	[simem:s6], [sflag:s4] =	dma.local [hbm:s3], $0xF7A  }
0x26: {  	[smem:$0x3F74] =	sst s1;
	(tag) =	ssettag s2;
	_ =	strace s9  }
0x27: {  	s1 =	sld [smem:$0x3F84]  }
0x28: {  	s2 =	sld [smem:$0x3F85]  }
0x29: {  	s4 =	sld [smem:$0x3F87]  }
0x2a: {  	p0 =	seq.s32 s5, $0x0;
	s5 =	sld [smem:$0x3F88]  }
0x2b: {  	s6 =	sld [smem:$0x3F89]  }
0x2c: {  	s7 =	sld [smem:$0x3F8A]  }
0x2d: {  	s3 =	simm.s32 $0x108;
	s8 =	sld [smem:$0x3F8B]  }
0x2e: {  	s3 =	simm.s32 @!p0 $0x1082;
	s9 =	sld [smem:$0x3F8C]  }
0x2f: {  	lr =	sadd.s32 s0, s3;
	s0 =	sld [smem:$0x3F83]  }
0x30: {  	s3 =	sld [smem:$0x3F86]  }
0x31: {  	[smem:$0x3F8F] =	sst s10  }
0x32: {  	s10 =	sld [smem:$0x3F8D];
	_ =	sdelay $0x3  }
0x33: {  	p0 =	seq.s32 s10, $0x1;
	s10 =	sld [smem:$0x3F8F];
	_ =	sdelay $0x3  }
0x34: {  	[smem:$0x3F8F] =	sst s10  }
0x35: {  	s10 =	sld [smem:$0x3F8E];
	_ =	sdelay $0x3  }
0x36: {  	p1 =	seq.s32 s10, $0x1;
	s10 =	sld [smem:$0x3F8F];
	_ =	sdelay $0x3  }
0x37: {  	[smem:$0x3F8F] =	sst s10  }
0x38: {  	s10 =	sld [smem:$0x3F90]  }
0x39: {  	_ = 	snop;
	(pc) =	sbr.ind lr, $3  }
0x3a: {  	_ = 	snop  }
0x3b: {  	_ = 	snop  }
0x3c: {  	p2 =	seq.s32 s10, $0x1;
	s10 =	sld [smem:$0x3F8F]  }
0x3d: {  	_ =	shalt  }
0x3e: {  	_ =	shalt  }
0x3f: {  	_ =	shalt  }
0x40: {  	_ =	shalt  }
0x41: {  	_ =	shalt  }
0x42: {  	_ =	shalt  }
0x43: {  	_ =	shalt  }
0x44: {  	_ =	shalt  }
0x45: {  	_ =	shalt  }
0x46: {  	_ =	shalt  }
0x47: {  	_ =	shalt  }
0x48: {  	_ =	shalt  }
0x49: {  	_ =	shalt  }
0x4a: {  	_ =	shalt  }
0x4b: {  	_ =	shalt  }
0x4c: {  	_ =	shalt  }
0x4d: {  	_ =	shalt  }
0x4e: {  	_ =	shalt  }
0x4f: {  	_ =	shalt  }
0x50: {  	_ =	shalt  }
0x51: {  	_ =	shalt  }
0x52: {  	_ =	shalt  }
0x53: {  	_ =	shalt  }
0x54: {  	_ =	shalt  }
0x55: {  	_ =	shalt  }
0x56: {  	_ =	shalt  }
0x57: {  	_ =	shalt  }
0x58: {  	_ =	shalt  }
0x59: {  	_ =	shalt  }
0x5a: {  	_ =	shalt  }
0x5b: {  	_ =	shalt  }
0x5c: {  	_ =	shalt  }
0x5d: {  	_ =	shalt  }
0x5e: {  	_ =	shalt  }
0x5f: {  	_ =	shalt  }
0x60: {  	_ =	shalt  }
0x61: {  	_ =	shalt  }
0x62: {  	_ =	shalt  }
0x63: {  	_ =	shalt  }
0x64: {  	_ =	shalt  }
0x65: {  	_ =	shalt  }
0x66: {  	_ =	shalt  }
0x67: {  	_ =	shalt  }
0x68: {  	_ =	shalt  }
0x69: {  	_ =	shalt  }
0x6a: {  	_ =	shalt  }
0x6b: {  	_ =	shalt  }
0x6c: {  	_ =	shalt  }
0x6d: {  	_ =	shalt  }
0x6e: {  	_ =	shalt  }
0x6f: {  	_ =	shalt  }
0x70: {  	_ =	shalt  }
0x71: {  	_ =	shalt  }
0x72: {  	_ =	shalt  }
0x73: {  	_ =	shalt  }
0x74: {  	_ =	shalt  }
0x75: {  	_ =	shalt  }
0x76: {  	_ =	shalt  }
0x77: {  	_ =	shalt  }
0x78: {  	_ =	shalt  }
0x79: {  	_ =	shalt  }
0x7a: {  	_ =	shalt  }
0x7b: {  	_ =	shalt  }
0x7c: {  	_ =	shalt  }
0x7d: {  	_ =	shalt  }
0x7e: {  	_ =	shalt  }
0x7f: {  	_ =	shalt  }
0x80: {  	_ =	shalt  }
0x81: {  	_ =	shalt  }
0x82: {  	_ =	shalt  }
0x83: {  	_ =	shalt  }
0x84: {  	_ =	shalt  }
0x85: {  	_ =	shalt  }
0x86: {  	_ =	shalt  }
0x87: {  	_ =	shalt  }
.Lfunc_end0:
.L_simem_size_0:
called_computation.4_lowered:
.L_overlay_start_0:
0x88: {  	s2 =	sld [smem:$0x3FD9]  }
0x89: {  	s3 =	sld [smem:$0x3FFE];
	_ =	sdelay $0x1  }
0x8a: {  	s1 =	srdreg.scid  }
0x8b: {  	s0 =	sand.u32 $0x1, s1  }
0x8c: {  	s17 =	sshll.u32 s0, $0xA;
	s2 =	sadd.s32 s3, s2  }
0x8d: {  	s2 =	sadd.s32 s2, s17  }
0x8e: {  	[smem:$0x3F9B] =	sst s2  }
0x8f: {  	_ = 	snop  }
0x90: {  	s2 =	sld [smem:$0x3FD0];
	(tm) =	ssettm $0x1  }
0x91: {  	s18 =	sld [smem:$0x3FFB];
	_ =	sdelay $0x3  }
0x92: {  	_ =	strace s18  }
0x93: {  	s3 =	sld [smem:$0x3FFC];
	_ =	sdelay $0x3  }
0x94: {  	_ =	strace s3  }
0x95: {  	s3 =	sld [smem:$0x3FFD];
	_ =	sdelay $0x3  }
0x96: {  	_ =	strace s3  }
0x97: {  	_ =	strace $0x8FFFFFFF  }
0x98: {  	s19 =	sld [smem:$0x3FDB];
	_ =	sdelay $0x1  }
0x99: {  	s4 =	simm.s32 $_scs_section_size  }
0x9a: {  	s5 =	simm.s32 $_size__tile_overlayer_lowered;
	s6 =	simm.s32 $_tile_overlayer_lowered  }
0x9b: {  	s22 =	simm.s32 $0x1BFF;
	s21 =	sshll.u32 s6, $0x1;
	s3 =	sadd.s32 s4, s19  }
0x9c: {  	s7 =	simm.s32 $0x0;
	s20 =	sshll.u32 s5, $0x1;
	s5 =	sadd.s32 s21, s3  }
0x9d: {  	[timem:s7], [sflag:s22] =	dma.local [hbm:s5], s20  }
0x9e: {  	_ =	swait.ge [sflag:s22], s20  }
0x9f: {  	s4 =	ssub.s32 $0x0, s20;
	[sflag:s22] =	ssyncset.done $0x0  }
0xa0: {  	[sflag:s22] =	ssyncadd.s32 s4;
	_ =	sdelay $0x1  }
0xa1: {  	s23 =	simm.s32 $0x1B8B  }
0xa2: {  	_ =	swait.ge [sflag:s23], $0x1  }
0xa3: {  	[sflag:s23] =	ssyncset.done $0x0  }
0xa4: {  	s25 =	simm.s32 $0x1B8E;
	s24 =	sld [smem:$0x3FFE];
	[sflag:s23] =	ssyncadd.s32 $0xFFFFFFFF  }
0xa5: {  	s26 =	simm.s32 $execute0_lowered;
	[smem:$0x3FD2] =	sst s25  }
0xa6: {  	s5 =	sshll.u32 s26, $0x1;
	_ =	strace $0x80000052;
	[dreg:$0x1] =	wrdreg $0xFFFFFFFF  }
0xa7: {  	s28 =	simm.s32 $_size_execute0_lowered;
	s3 =	sadd.s32 s3, s5;
	[dreg:$0x0] =	wrdreg $0x0  }
0xa8: {  	s5 =	sshll.u32 s28, $0x1;
	[dreg:$0x2] =	wrdreg s3  }
0xa9: {  	[dreg:$0x3] =	wrdreg s5  }
0xaa: {  	[dreg:$0x4] =	wrdreg $0xC0  }
0xab: {  	_ =	task [dreg:s7], $0x5FFFF  }
0xac: {  	[dreg:$0x1] =	wrdreg $0xFFFFFFFF  }
0xad: {  	[dreg:$0x0] =	wrdreg $0x60  }
0xae: {  	[dreg:$0x2] =	wrdreg s24  }
0xaf: {  	[dreg:$0x3] =	wrdreg s2  }
0xb0: {  	[dreg:$0x4] =	wrdreg $0x9  }
0xb1: {  	_ =	task.clear_ibuf [dreg:s7], $0x5FFFF;
	_ =	strace $0x90000052  }
0xb2: {  	s29 =	simm.s32 $0x9;
	_ =	strace $0x80000054  }
0xb3: {  	_ =	swait.ge [sflag:s29], $0x1  }
0xb4: {  	[sflag:s29] =	ssyncadd.s32 $0xFFFFFFFF  }
0xb5: {  	_ =	strace $0x90000054  }
0xb6: {  	_ =	sfence  }
0xb7: {  	s30 =	sld [smem:$0x0];
	_ =	sdelay $0x2  }
0xb8: {  	s31 =	sshll.u32 s1, $0xD;
	s1 =	sshrl.u32 s1, $0x2  }
0xb9: {  	s3 =	sand.u32 $0x4000, s31;
	s1 =	sadd.s32 s1, s30  }
0xba: {  	s0 =	sor.u32 s3, s0;
	s1 =	sshll.u32 s1, $0x11  }
0xbb: {  	s0 =	sor.u32 s1, s0  }
0xbc: {  	s0 =	sadd.s32 $0x8F2B, s0  }
0xbd: {  	[sflag:s0] =	ssyncadd.remote.s32 $0x1  }
0xbe: {  	_ =	sfence.sel $0xFFFF  }
0xbf: {  	[dreg:$0x0] =	wrdreg $0xFFFFFFFF;
	(pc) =	sbr.abs _section_cstart, $3  }
0xc0: {  	[dreg:$0x1] =	wrdreg $0xFFFFFFFF  }
0xc1: {  	_ =	task.clear_ibuf [dreg:s7], $0x2FFFF;
	_ =	strace $0x9FFFFFFF  }
0xc2: {  	(tm) =	ssettm $0x7FFFFFFF  }
0xc3: {  	_ =	shalt  }
tec
execute0_lowered:
.L_overlay_start_1:
0x0: {  	(tag) =	ssettag $0x1  }
0x1: {  	s4 =	rddreg [dreg:$0x0]  }
0x2: {  	s8 =	rddreg [dreg:$0x1]  }
0x3: {  	s0 =	rddreg [dreg:$0x2];
	s2 =	simm.s32 $0x0  }
0x4: {  	s3 =	srdreg.scid;
	s1 =	stileid.u32;
	s12 =	simm.s32 $0x4100  }
0x5: {  	s13 =	simm.s32 $0x1;
	s14 =	simm.s32 $0x2;
	s6 =	smul.u32 $0xD00, s1  }
0x6: {  	s15 =	simm.s32 $0x0;
	s5 =	sand.u32 $0x1, s3;
	s9 =	smul.u32 $0xD000, s1  }
0x7: {  	[smem:$0x7FF] =	sst s2;
	s3 =	sadd.s32 $0x1B67800, s4;
	s7 =	smul.u32 $0x680, s5  }
0x8: {  	_ =	strace $0x80000053;
	s28 =	ssub.s32 $0x2, s5;
	s5 =	smul.u32 $0x6800, s5  }
0x9: {  	s29 =	sadd.s32 s9, s4;
	s30 =	sshrl.u32 s28, $0x1;
	s6 =	sadd.s32 s7, s6  }
0xa: {  	s9 =	simm.s32 $0x3;
	s31 =	ssub.s32 s28, s30;
	s10 =	sshrl.u32 s6, $0x3  }
0xb: {  	s6 =	sadd.s32 s5, s29;
	s11 =	sadd.s32 s10, s4;
	s4 =	smax.u32 s31, $0x1  }
0xc: {  	s5 =	sadd.s32 $0x9B800, s6;
	s6 =	sadd.s32 $0x27A7800, s6;
	s8 =	sadd.s32 s10, s8  }
0xd: {  	s10 =	simm.s32 $0x80;
	s7 =	sadd.s32 $0x6AC00, s11;
	s11 =	simm.s32 $0x100  }
.LBB2_1:
0xe: {  	s16 =	sadd.s32 $0x0, s8  }
0xf: {  	[tilespmem:s2], [sflag:$0x3] =	stream.linear.gather [hbm4b:s16+s2], $0x80, $0x38;
	[tilespmem:$0x8100] =	vst v63  }
0x10: {  	_ =	swait.ge [sflag:s9], $0x80  }
0x11: {  	[sflag:s9] =	ssyncset.done $0x0  }
0x12: {  	s31 =	sadd.s32 $0x0, s7;
	[sflag:s9] =	ssyncadd.s32 $0xFFFFFF80  }
0x13: {  	[tilespmem:s10], [sflag:$0x3] =	stream.linear.gather [hbm4b:s31+s2], $0x80, $0x38;
	[tilespmem:$0x8100] =	vst v63  }
0x14: {  	_ =	swait.ge [sflag:s9], $0x80  }
0x15: {  	[sflag:s9] =	ssyncset.done $0x0  }
0x16: {  	[sflag:s9] =	ssyncadd.s32 $0xFFFFFF80  }
0x17: {  	[tilespmem:s11], [sflag:$0x1] =	stream.indirect.gather [hbm4b:s3+s10], $0x80, s2, s10, $0xb8;
	[tilespmem:$0x8100] =	vst v63  }
0x18: {  	_ = 	snop  }
0x19: {  	[tilespmem:s12], [sflag:$0x2] =	stream.indirect.gather [hbm4b:s3+s10], $0x80, s10, s10, $0xb8;
	[tilespmem:$0x8100] =	vst v63  }
0x1a: {  	_ =	swait.ge [sflag:s13], $0x4000  }
0x1b: {  	[sflag:s13] =	ssyncset.done $0x0  }
0x1c: {  	[sflag:s13] =	ssyncadd.s32 $0xFFFFC000  }
0x1d: {  	_ =	swait.ge [sflag:s14], $0x4000  }
0x1e: {  	[sflag:s14] =	ssyncset.done $0x0  }
0x1f: {  	[sflag:s14] =	ssyncadd.s32 $0xFFFFC000  }
0x20: {  	[hbm4b:s5+s2] =	stream.linear.scatter [tilespmem:s11], [sflag:$0x3], $0x4000, $0x38;
	[tilespmem:$0x8100] =	vst v63  }
0x21: {  	_ =	swait.ge [sflag:s9], $0x4000  }
0x22: {  	[sflag:s9] =	ssyncset.done $0x0  }
0x23: {  	[sflag:s9] =	ssyncadd.s32 $0xFFFFC000  }
0x24: {  	[hbm4b:s6+s2] =	stream.linear.scatter [tilespmem:s12], [sflag:$0x3], $0x4000, $0x38;
	[tilespmem:$0x8100] =	vst v63  }
0x25: {  	s18 =	simm.s32 $0x10;
	s19 =	simm.s32 $0x20;
	_ =	swait.ge [sflag:s9], $0x4000  }
0x26: {  	s17 =	sadd.s32 $0x800, s5;
	s16 =	sadd.s32 $0x800, s6;
	[sflag:s9] =	ssyncset.done $0x0  }
.LBB2_2:
0x27: {  	s20 =	sadd.s32 s18, s8  }
0x28: {  	[sflag:s9] =	ssyncadd.s32 $0xFFFFC000;
	s21 =	smov.u32 s19;
	s22 =	sadd.s32 $0x10, s19  }
0x29: {  	[tilespmem:s2], [sflag:$0x3] =	stream.linear.gather [hbm4b:s20+s2], $0x80, $0x38;
	[tilespmem:$0x8100] =	vst v63  }
0x2a: {  	p0 =	sne.s32 s19, $0xC0;
	_ =	swait.ge [sflag:s9], $0x80  }
0x2b: {  	[sflag:s9] =	ssyncset.done $0x0  }
0x2c: {  	s19 =	sadd.s32 s18, s7;
	s18 =	smov.u32 s21;
	[sflag:s9] =	ssyncadd.s32 $0xFFFFFF80  }
0x2d: {  	[tilespmem:s10], [sflag:$0x3] =	stream.linear.gather [hbm4b:s19+s2], $0x80, $0x38;
	[tilespmem:$0x8100] =	vst v63  }
0x2e: {  	_ =	swait.ge [sflag:s9], $0x80  }
0x2f: {  	[sflag:s9] =	ssyncset.done $0x0  }
0x30: {  	[sflag:s9] =	ssyncadd.s32 $0xFFFFFF80  }
0x31: {  	[tilespmem:s11], [sflag:$0x1] =	stream.indirect.gather [hbm4b:s3+s10], $0x80, s2, s10, $0xb8;
	[tilespmem:$0x8100] =	vst v63  }
0x32: {  	_ = 	snop  }
0x33: {  	[tilespmem:s12], [sflag:$0x2] =	stream.indirect.gather [hbm4b:s3+s10], $0x80, s10, s10, $0xb8;
	[tilespmem:$0x8100] =	vst v63  }
0x34: {  	_ =	swait.ge [sflag:s13], $0x4000  }
0x35: {  	[sflag:s13] =	ssyncset.done $0x0  }
0x36: {  	[sflag:s13] =	ssyncadd.s32 $0xFFFFC000  }
0x37: {  	_ =	swait.ge [sflag:s14], $0x4000  }
0x38: {  	[sflag:s14] =	ssyncset.done $0x0  }
0x39: {  	[sflag:s14] =	ssyncadd.s32 $0xFFFFC000  }
0x3a: {  	[hbm4b:s17+s2] =	stream.linear.scatter [tilespmem:s11], [sflag:$0x3], $0x4000, $0x38;
	[tilespmem:$0x8100] =	vst v63  }
0x3b: {  	_ =	swait.ge [sflag:s9], $0x4000  }
.Ltmp0:
0x3c: {  	[sflag:s9] =	ssyncset.done $0x0;
	(pc) =	sbr.rel @p0 .LBB2_2-.Ltmp0, $4  }
0x3d: {  	[sflag:s9] =	ssyncadd.s32 $0xFFFFC000  }
0x3e: {  	[hbm4b:s16+s2] =	stream.linear.scatter [tilespmem:s12], [sflag:$0x3], $0x4000, $0x38;
	[tilespmem:$0x8100] =	vst v63  }
0x3f: {  	s19 =	smov.u32 s22;
	_ =	swait.ge [sflag:s9], $0x4000  }
0x40: {  	s17 =	sadd.s32 $0x800, s17;
	s16 =	sadd.s32 $0x800, s16;
	[sflag:s9] =	ssyncset.done $0x0  }
0x41: {  	s19 =	sadd.s32 s18, s8;
	[sflag:s9] =	ssyncadd.s32 $0xFFFFC000  }
0x42: {  	[tilespmem:s2], [sflag:$0x3] =	stream.linear.gather [hbm4b:s19+s2], $0x80, $0x38;
	[tilespmem:$0x8100] =	vst v63  }
0x43: {  	_ =	swait.ge [sflag:s9], $0x80  }
0x44: {  	[sflag:s9] =	ssyncset.done $0x0  }
0x45: {  	s31 =	sadd.s32 s18, s7;
	[sflag:s9] =	ssyncadd.s32 $0xFFFFFF80  }
0x46: {  	[tilespmem:s10], [sflag:$0x3] =	stream.linear.gather [hbm4b:s31+s2], $0x80, $0x38;
	[tilespmem:$0x8100] =	vst v63  }
0x47: {  	_ =	swait.ge [sflag:s9], $0x80  }
0x48: {  	[sflag:s9] =	ssyncset.done $0x0  }
0x49: {  	[sflag:s9] =	ssyncadd.s32 $0xFFFFFF80  }
0x4a: {  	[tilespmem:s11], [sflag:$0x1] =	stream.indirect.gather [hbm4b:s3+s10], $0x80, s2, s10, $0xb8;
	[tilespmem:$0x8100] =	vst v63  }
0x4b: {  	_ = 	snop  }
0x4c: {  	[tilespmem:s12], [sflag:$0x2] =	stream.indirect.gather [hbm4b:s3+s10], $0x80, s10, s10, $0xb8;
	[tilespmem:$0x8100] =	vst v63  }
0x4d: {  	_ =	swait.ge [sflag:s13], $0x4000  }
0x4e: {  	[sflag:s13] =	ssyncset.done $0x0  }
0x4f: {  	[sflag:s13] =	ssyncadd.s32 $0xFFFFC000  }
0x50: {  	_ =	swait.ge [sflag:s14], $0x4000  }
0x51: {  	[sflag:s14] =	ssyncset.done $0x0  }
0x52: {  	[sflag:s14] =	ssyncadd.s32 $0xFFFFC000  }
0x53: {  	[hbm4b:s17+s2] =	stream.linear.scatter [tilespmem:s11], [sflag:$0x3], $0x4000, $0x38;
	[tilespmem:$0x8100] =	vst v63  }
0x54: {  	s15 =	sadd.s32 $0x1, s15;
	_ =	swait.ge [sflag:s9], $0x4000  }
0x55: {  	p0 =	sne.s32 s15, s4;
	[sflag:s9] =	ssyncset.done $0x0  }
.Ltmp1:
0x56: {  	[sflag:s9] =	ssyncadd.s32 $0xFFFFC000;
	(pc) =	sbr.rel @p0 .LBB2_1-.Ltmp1, $4  }
0x57: {  	[hbm4b:s16+s2] =	stream.linear.scatter [tilespmem:s12], [sflag:$0x3], $0x4000, $0x38;
	[tilespmem:$0x8100] =	vst v63  }
0x58: {  	_ =	swait.ge [sflag:s9], $0x4000  }
0x59: {  	[sflag:s9] =	ssyncset.done $0x0  }
0x5a: {  	[sflag:s9] =	ssyncadd.s32 $0xFFFFC000  }
0x5b: {  	_ =	sfence.sel $0x180000  }
0x5c: {  	[bflag:$0x0] =	sbarrier.arrive $0xFFFF  }
0x5d: {  	p0 =	sne.s32 s1, $0x0;
	_ =	strace $0x90000053  }
0x5e: {  	s0 =	sadd.s32 @!p0 $0x100000, s0;
	[bflag:$0x2] =	sbarrier.arrive $0xFFFF  }
0x5f: {  	[sflag:s0] =	ssyncadd.tile.s32 @!p0 $0x1;
	_ =	shalt  }
.Lfunc_end2:
_tile_overlayer_lowered:
.L_overlay_start_2:
0x60: {  	(tag) =	ssettag $0x2  }
0x61: {  	s0 =	rddreg [dreg:$0x0];
	s2 =	stileid.u32  }
0x62: {  	s1 =	rddreg [dreg:$0x1];
	p0 =	sne.s32 s2, $0x0  }
0x63: {  	s3 =	rddreg [dreg:$0x2];
	[bflag:$0x3] =	sbarrier.arrive $0xFFFF;
	s2 =	simm.s32 @!p0 $0x1C03  }
0x64: {  	[timem:s3], [sflag:s2] =	dma.local @!p0 [hbm:s0], s1  }
0x65: {  	s0 =	simm.s32 @!p0 $0x3  }
0x66: {  	_ =	swait.ge @!p0 [sflag:s0], s1  }
0x67: {  	s1 =	ssub.s32 @!p0 $0x0, s1;
	[sflag:s0] =	ssyncset.done @!p0 $0x0  }
0x68: {  	[sflag:s0] =	ssyncadd.s32 @!p0 s1  }
0x69: {  	[bflag:$0x3] =	sbarrier.arrive $0xFFFF  }
0x6a: {  	_ =	shalt  }

// kernel: kernel.21.cloned.1.call-start
scs
__scs_entry_jumppad:
0x0: {  	(pc) =	sbr.rel $0x88, $3  }
0x1: {  	(tag) =	ssettag $0x0;
	lr =	simm.s32 $0x1  }
0x2: {  	[smem:$0x3F74] =	sst lr;
	_ =	strace $0xD0000000  }
0x3: {  	_ = 	snop  }
0x4: {  	_ = 	snop  }
0x5: {  	_ = 	snop  }
0x6: {  	_ = 	snop  }
0x7: {  	_ = 	snop  }
__scs_overlays_trampoline_lowered:
0x8: {  	[smem:$0x3F83] =	sst s0  }
0x9: {  	[smem:$0x3F84] =	sst s1  }
0xa: {  	[smem:$0x3F85] =	sst s2  }
0xb: {  	[smem:$0x3F86] =	sst s3  }
0xc: {  	[smem:$0x3F87] =	sst s4  }
0xd: {  	[smem:$0x3F88] =	sst s5  }
0xe: {  	[smem:$0x3F89] =	sst s6  }
0xf: {  	[smem:$0x3F8A] =	sst s7  }
0x10: {  	[smem:$0x3F8B] =	sst s8  }
0x11: {  	[smem:$0x3F8C] =	sst s9;
	s0 =	simm.s32 @!p0 $0x0  }
0x12: {  	s1 =	sld [smem:$0x3F72];
	s0 =	simm.s32 @p0 $0x1  }
0x13: {  	[smem:$0x3F8D] =	sst s0;
	s0 =	simm.s32 @!p1 $0x0  }
0x14: {  	s2 =	sld [smem:$0x3F71];
	s0 =	simm.s32 @p1 $0x1  }
0x15: {  	[smem:$0x3F8E] =	sst s0;
	s0 =	simm.s32 @!p2 $0x0  }
0x16: {  	s3 =	sld [smem:$0x3FDB];
	s0 =	simm.s32 @p2 $0x1  }
0x17: {  	s4 =	simm.s32 $0x1BF5;
	[smem:$0x3F90] =	sst s0  }
0x18: {  	s0 =	sld [smem:$0x3F73];
	_ =	swait.ge [sflag:s4], $0x0  }
0x19: {  	s7 =	sld [smem:$0x3F74]  }
0x1a: {  	s8 =	sadd.s32 $0xFFFFE003, lr  }
0x1b: {  	s9 =	sadd.s32 $0xFFFFFEF7, lr;
	s5 =	simm.s32 $0xFFFFFFFF;
	p2 =	slt.u32 s8, $0xFFFFF086  }
0x1c: {  	p1 =	slt.u32 s9, $0xF7A;
	s5 =	simm.s32 @!p2 $0x0  }
0x1d: {  	s5 =	simm.s32 @p1 $0x1;
	p0 =	seq.s32 s7, s2  }
0x1e: {  	s7 =	smul.u32 @!p0 $0xF7A, s2;
	p2 =	seq.s32 @!p0 s5, $0x0  }
0x1f: {  	s9 =	smul.u32 $0xF7A, s1;
	s8 =	simm.s32 @!p0 $0x1BF5;
	p2 =	por !p2, p0  }
0x20: {  	[sflag:s8] =	ssyncset.s32 @!p0 $0xFFFFF086;
	s6 =	sadd.s32 @!p0 s3, s7;
	s7 =	simm.s32 @!p0 $0x108  }
0x21: {  	s3 =	sadd.s32 s3, s9;
	s6 =	sadd.s32 @!p0 $0x88, s6;
	s7 =	simm.s32 @p2 $0x1082  }
0x22: {  	[simem:s7], [sflag:s8] =	dma.local @!p0 [hbm:s6], $0xF7A  }
0x23: {  	s9 =	sor.u32 $0xD0000000, s2;
	s6 =	simm.s32 $0x108;
	_ =	swait.ge @!p0 [sflag:s8], $0x0  }
0x24: {  	s3 =	sadd.s32 $0x88, s3;
	s6 =	simm.s32 @!p1 $0x1082;
	[sflag:s4] =	ssyncset.s32 $0xFFFFF086  }
0x25: {  	[simem:s6], [sflag:s4] =	dma.local [hbm:s3], $0xF7A  }
0x26: {  	[smem:$0x3F74] =	sst s1;
	(tag) =	ssettag s2;
	_ =	strace s9  }
0x27: {  	s1 =	sld [smem:$0x3F84]  }
0x28: {  	s2 =	sld [smem:$0x3F85]  }
0x29: {  	s4 =	sld [smem:$0x3F87]  }
0x2a: {  	p0 =	seq.s32 s5, $0x0;
	s5 =	sld [smem:$0x3F88]  }
0x2b: {  	s6 =	sld [smem:$0x3F89]  }
0x2c: {  	s7 =	sld [smem:$0x3F8A]  }
0x2d: {  	s3 =	simm.s32 $0x108;
	s8 =	sld [smem:$0x3F8B]  }
0x2e: {  	s3 =	simm.s32 @!p0 $0x1082;
	s9 =	sld [smem:$0x3F8C]  }
0x2f: {  	lr =	sadd.s32 s0, s3;
	s0 =	sld [smem:$0x3F83]  }
0x30: {  	s3 =	sld [smem:$0x3F86]  }
0x31: {  	[smem:$0x3F8F] =	sst s10  }
0x32: {  	s10 =	sld [smem:$0x3F8D];
	_ =	sdelay $0x3  }
0x33: {  	p0 =	seq.s32 s10, $0x1;
	s10 =	sld [smem:$0x3F8F];
	_ =	sdelay $0x3  }
0x34: {  	[smem:$0x3F8F] =	sst s10  }
0x35: {  	s10 =	sld [smem:$0x3F8E];
	_ =	sdelay $0x3  }
0x36: {  	p1 =	seq.s32 s10, $0x1;
	s10 =	sld [smem:$0x3F8F];
	_ =	sdelay $0x3  }
0x37: {  	[smem:$0x3F8F] =	sst s10  }
0x38: {  	s10 =	sld [smem:$0x3F90]  }
0x39: {  	_ = 	snop;
	(pc) =	sbr.ind lr, $3  }
0x3a: {  	_ = 	snop  }
0x3b: {  	_ = 	snop  }
0x3c: {  	p2 =	seq.s32 s10, $0x1;
	s10 =	sld [smem:$0x3F8F]  }
0x3d: {  	_ =	shalt  }
0x3e: {  	_ =	shalt  }
0x3f: {  	_ =	shalt  }
0x40: {  	_ =	shalt  }
0x41: {  	_ =	shalt  }
0x42: {  	_ =	shalt  }
0x43: {  	_ =	shalt  }
0x44: {  	_ =	shalt  }
0x45: {  	_ =	shalt  }
0x46: {  	_ =	shalt  }
0x47: {  	_ =	shalt  }
0x48: {  	_ =	shalt  }
0x49: {  	_ =	shalt  }
0x4a: {  	_ =	shalt  }
0x4b: {  	_ =	shalt  }
0x4c: {  	_ =	shalt  }
0x4d: {  	_ =	shalt  }
0x4e: {  	_ =	shalt  }
0x4f: {  	_ =	shalt  }
0x50: {  	_ =	shalt  }
0x51: {  	_ =	shalt  }
0x52: {  	_ =	shalt  }
0x53: {  	_ =	shalt  }
0x54: {  	_ =	shalt  }
0x55: {  	_ =	shalt  }
0x56: {  	_ =	shalt  }
0x57: {  	_ =	shalt  }
0x58: {  	_ =	shalt  }
0x59: {  	_ =	shalt  }
0x5a: {  	_ =	shalt  }
0x5b: {  	_ =	shalt  }
0x5c: {  	_ =	shalt  }
0x5d: {  	_ =	shalt  }
0x5e: {  	_ =	shalt  }
0x5f: {  	_ =	shalt  }
0x60: {  	_ =	shalt  }
0x61: {  	_ =	shalt  }
0x62: {  	_ =	shalt  }
0x63: {  	_ =	shalt  }
0x64: {  	_ =	shalt  }
0x65: {  	_ =	shalt  }
0x66: {  	_ =	shalt  }
0x67: {  	_ =	shalt  }
0x68: {  	_ =	shalt  }
0x69: {  	_ =	shalt  }
0x6a: {  	_ =	shalt  }
0x6b: {  	_ =	shalt  }
0x6c: {  	_ =	shalt  }
0x6d: {  	_ =	shalt  }
0x6e: {  	_ =	shalt  }
0x6f: {  	_ =	shalt  }
0x70: {  	_ =	shalt  }
0x71: {  	_ =	shalt  }
0x72: {  	_ =	shalt  }
0x73: {  	_ =	shalt  }
0x74: {  	_ =	shalt  }
0x75: {  	_ =	shalt  }
0x76: {  	_ =	shalt  }
0x77: {  	_ =	shalt  }
0x78: {  	_ =	shalt  }
0x79: {  	_ =	shalt  }
0x7a: {  	_ =	shalt  }
0x7b: {  	_ =	shalt  }
0x7c: {  	_ =	shalt  }
0x7d: {  	_ =	shalt  }
0x7e: {  	_ =	shalt  }
0x7f: {  	_ =	shalt  }
0x80: {  	_ =	shalt  }
0x81: {  	_ =	shalt  }
0x82: {  	_ =	shalt  }
0x83: {  	_ =	shalt  }
0x84: {  	_ =	shalt  }
0x85: {  	_ =	shalt  }
0x86: {  	_ =	shalt  }
0x87: {  	_ =	shalt  }
.Lfunc_end0:
.L_simem_size_0:
called_computation.5_lowered:
.L_overlay_start_0:
0x88: {  	s2 =	sld [smem:$0x3FD9]  }
0x89: {  	s3 =	sld [smem:$0x3FFE];
	_ =	sdelay $0x1  }
0x8a: {  	s1 =	srdreg.scid  }
0x8b: {  	s0 =	sand.u32 $0x1, s1  }
0x8c: {  	s16 =	sshll.u32 s0, $0xA;
	s2 =	sadd.s32 s3, s2  }
0x8d: {  	s2 =	sadd.s32 s2, s16  }
0x8e: {  	[smem:$0x3F9B] =	sst s2  }
0x8f: {  	_ = 	snop  }
0x90: {  	(tm) =	ssettm $0x1  }
0x91: {  	s17 =	sld [smem:$0x3FFB];
	_ =	sdelay $0x3  }
0x92: {  	_ =	strace s17  }
0x93: {  	s2 =	sld [smem:$0x3FFC];
	_ =	sdelay $0x3  }
0x94: {  	_ =	strace s2  }
0x95: {  	s2 =	sld [smem:$0x3FFD];
	_ =	sdelay $0x3  }
0x96: {  	_ =	strace s2  }
0x97: {  	_ =	strace $0x8FFFFFFF  }
0x98: {  	s18 =	sld [smem:$0x3FDB];
	_ =	sdelay $0x1  }
0x99: {  	s19 =	simm.s32 $_scs_section_size  }
0x9a: {  	s4 =	simm.s32 $_size__tile_overlayer_lowered;
	s5 =	simm.s32 $_tile_overlayer_lowered  }
0x9b: {  	s22 =	simm.s32 $0x1BFF;
	s21 =	sshll.u32 s5, $0x1;
	s2 =	sadd.s32 s19, s18  }
0x9c: {  	s6 =	simm.s32 $0x0;
	s20 =	sshll.u32 s4, $0x1;
	s4 =	sadd.s32 s21, s2  }
0x9d: {  	[timem:s6], [sflag:s22] =	dma.local [hbm:s4], s20  }
0x9e: {  	_ =	swait.ge [sflag:s22], s20  }
0x9f: {  	s3 =	ssub.s32 $0x0, s20;
	[sflag:s22] =	ssyncset.done $0x0  }
0xa0: {  	[sflag:s22] =	ssyncadd.s32 s3;
	_ =	sdelay $0x1  }
0xa1: {  	s23 =	simm.s32 $0x1B8B  }
0xa2: {  	_ =	swait.ge [sflag:s23], $0x1  }
0xa3: {  	[sflag:s23] =	ssyncset.done $0x0  }
0xa4: {  	s25 =	simm.s32 $0x1B8E;
	s24 =	sld [smem:$0x3FFE];
	[sflag:s23] =	ssyncadd.s32 $0xFFFFFFFF  }
0xa5: {  	s26 =	simm.s32 $execute0_lowered;
	[smem:$0x3FD2] =	sst s25  }
0xa6: {  	s4 =	sshll.u32 s26, $0x1;
	_ =	strace $0x80000055;
	[dreg:$0x1] =	wrdreg $0xFFFFFFFF  }
0xa7: {  	s28 =	simm.s32 $_size_execute0_lowered;
	s2 =	sadd.s32 s2, s4;
	[dreg:$0x0] =	wrdreg $0x0  }
0xa8: {  	s4 =	sshll.u32 s28, $0x1;
	[dreg:$0x2] =	wrdreg s2  }
0xa9: {  	[dreg:$0x3] =	wrdreg s4  }
0xaa: {  	[dreg:$0x4] =	wrdreg $0xC0  }
0xab: {  	_ =	task [dreg:s6], $0x5FFFF  }
0xac: {  	[dreg:$0x1] =	wrdreg $0xFFFFFFFF  }
0xad: {  	[dreg:$0x0] =	wrdreg $0x60  }
0xae: {  	[dreg:$0x2] =	wrdreg s24  }
0xaf: {  	[dreg:$0x3] =	wrdreg $0x9  }
0xb0: {  	_ =	task.clear_ibuf [dreg:s6], $0x4FFFF;
	_ =	strace $0x90000055  }
0xb1: {  	s29 =	simm.s32 $0x9;
	_ =	strace $0x80000057  }
0xb2: {  	_ =	swait.ge [sflag:s29], $0x1  }
0xb3: {  	[sflag:s29] =	ssyncadd.s32 $0xFFFFFFFF  }
0xb4: {  	_ =	strace $0x90000057  }
0xb5: {  	_ =	sfence  }
0xb6: {  	s30 =	sld [smem:$0x0];
	_ =	sdelay $0x2  }
0xb7: {  	s31 =	sshll.u32 s1, $0xD;
	s1 =	sshrl.u32 s1, $0x2  }
0xb8: {  	s3 =	sand.u32 $0x4000, s31;
	s1 =	sadd.s32 s1, s30  }
0xb9: {  	s0 =	sor.u32 s3, s0;
	s1 =	sshll.u32 s1, $0x11  }
0xba: {  	s0 =	sor.u32 s1, s0  }
0xbb: {  	s0 =	sadd.s32 $0x8F2B, s0  }
0xbc: {  	[sflag:s0] =	ssyncadd.remote.s32 $0x1  }
0xbd: {  	_ =	sfence.sel $0xFFFF  }
0xbe: {  	[dreg:$0x0] =	wrdreg $0xFFFFFFFF;
	(pc) =	sbr.abs _section_cstart, $3  }
0xbf: {  	[dreg:$0x1] =	wrdreg $0xFFFFFFFF  }
0xc0: {  	_ =	task.clear_ibuf [dreg:s6], $0x2FFFF;
	_ =	strace $0x9FFFFFFF  }
0xc1: {  	(tm) =	ssettm $0x7FFFFFFF  }
tec
execute0_lowered:
.L_overlay_start_1:
0x0: {  	(tag) =	ssettag $0x1  }
0x1: {  	s4 =	rddreg [dreg:$0x0]  }
0x2: {  	s0 =	rddreg [dreg:$0x1];
	s2 =	simm.s32 $0x0  }
0x3: {  	s3 =	srdreg.scid;
	s1 =	stileid.u32;
	s11 =	simm.s32 $0x100  }
0x4: {  	s12 =	simm.s32 $0x4100;
	s13 =	simm.s32 $0x1;
	s6 =	smul.u32 $0xC400, s1  }
0x5: {  	s14 =	simm.s32 $0x2;
	s5 =	sand.u32 $0x1, s3;
	s8 =	smul.u32 $0xC4000, s1  }
0x6: {  	s15 =	simm.s32 $0x0;
	[smem:$0x7FF] =	sst s2;
	s7 =	smul.u32 $0x6200, s5  }
0x7: {  	s3 =	sadd.s32 $0x293B800, s4;
	s29 =	ssub.s32 $0x2, s5;
	s5 =	smul.u32 $0x62000, s5  }
0x8: {  	_ =	strace $0x80000056;
	s8 =	sadd.s32 s8, s4;
	s9 =	sshrl.u32 s29, $0x1  }
0x9: {  	s6 =	sadd.s32 s7, s6;
	s30 =	ssub.s32 s29, s9;
	s31 =	sadd.s32 s5, s8  }
0xa: {  	s9 =	simm.s32 $0x3;
	s6 =	sshrl.u32 s6, $0x3;
	s5 =	sadd.s32 $0x9B800, s31  }
0xb: {  	s10 =	sadd.s32 s6, s4;
	s4 =	smax.u32 s30, $0x1;
	s6 =	sadd.s32 $0xCDB800, s31  }
0xc: {  	s7 =	sadd.s32 $0x52000, s10;
	s8 =	sadd.s32 $0x83000, s10;
	s10 =	simm.s32 $0x80  }
.LBB2_1:
0xd: {  	s16 =	sadd.s32 $0x0, s8  }
0xe: {  	[tilespmem:s2], [sflag:$0x3] =	stream.linear.gather [hbm4b:s16+s2], $0x80, $0x38;
	[tilespmem:$0x8100] =	vst v63  }
0xf: {  	_ =	swait.ge [sflag:s9], $0x80  }
0x10: {  	[sflag:s9] =	ssyncset.done $0x0  }
0x11: {  	s31 =	sadd.s32 $0x0, s7;
	[sflag:s9] =	ssyncadd.s32 $0xFFFFFF80  }
0x12: {  	[tilespmem:s10], [sflag:$0x3] =	stream.linear.gather [hbm4b:s31+s2], $0x80, $0x38;
	[tilespmem:$0x8100] =	vst v63  }
0x13: {  	_ =	swait.ge [sflag:s9], $0x80  }
0x14: {  	[sflag:s9] =	ssyncset.done $0x0  }
0x15: {  	[sflag:s9] =	ssyncadd.s32 $0xFFFFFF80  }
0x16: {  	[tilespmem:s11], [sflag:$0x1] =	stream.indirect.gather [hbm4b:s3+s10], $0x80, s2, s10, $0xb8;
	[tilespmem:$0x8100] =	vst v63  }
0x17: {  	_ = 	snop  }
0x18: {  	[tilespmem:s12], [sflag:$0x2] =	stream.indirect.gather [hbm4b:s3+s10], $0x80, s10, s10, $0xb8;
	[tilespmem:$0x8100] =	vst v63  }
0x19: {  	_ =	swait.ge [sflag:s13], $0x4000  }
0x1a: {  	[sflag:s13] =	ssyncset.done $0x0  }
0x1b: {  	[sflag:s13] =	ssyncadd.s32 $0xFFFFC000  }
0x1c: {  	_ =	swait.ge [sflag:s14], $0x4000  }
0x1d: {  	[sflag:s14] =	ssyncset.done $0x0  }
0x1e: {  	[sflag:s14] =	ssyncadd.s32 $0xFFFFC000  }
0x1f: {  	[hbm4b:s5+s2] =	stream.linear.scatter [tilespmem:s11], [sflag:$0x3], $0x4000, $0x38;
	[tilespmem:$0x8100] =	vst v63  }
0x20: {  	_ =	swait.ge [sflag:s9], $0x4000  }
0x21: {  	[sflag:s9] =	ssyncset.done $0x0  }
0x22: {  	[sflag:s9] =	ssyncadd.s32 $0xFFFFC000  }
0x23: {  	[hbm4b:s6+s2] =	stream.linear.scatter [tilespmem:s12], [sflag:$0x3], $0x4000, $0x38;
	[tilespmem:$0x8100] =	vst v63  }
0x24: {  	s18 =	simm.s32 $0x10;
	s19 =	simm.s32 $0x20;
	_ =	swait.ge [sflag:s9], $0x4000  }
0x25: {  	s17 =	sadd.s32 $0x800, s5;
	s16 =	sadd.s32 $0x800, s6;
	[sflag:s9] =	ssyncset.done $0x0  }
.LBB2_2:
0x26: {  	s20 =	sadd.s32 s18, s8  }
0x27: {  	[sflag:s9] =	ssyncadd.s32 $0xFFFFC000;
	s21 =	smov.u32 s19;
	s22 =	sadd.s32 $0x10, s19  }
0x28: {  	[tilespmem:s2], [sflag:$0x3] =	stream.linear.gather [hbm4b:s20+s2], $0x80, $0x38;
	[tilespmem:$0x8100] =	vst v63  }
0x29: {  	p0 =	sne.s32 s19, $0xC30;
	_ =	swait.ge [sflag:s9], $0x80  }
0x2a: {  	[sflag:s9] =	ssyncset.done $0x0  }
0x2b: {  	s19 =	sadd.s32 s18, s7;
	s18 =	smov.u32 s21;
	[sflag:s9] =	ssyncadd.s32 $0xFFFFFF80  }
0x2c: {  	[tilespmem:s10], [sflag:$0x3] =	stream.linear.gather [hbm4b:s19+s2], $0x80, $0x38;
	[tilespmem:$0x8100] =	vst v63  }
0x2d: {  	_ =	swait.ge [sflag:s9], $0x80  }
0x2e: {  	[sflag:s9] =	ssyncset.done $0x0  }
0x2f: {  	[sflag:s9] =	ssyncadd.s32 $0xFFFFFF80  }
0x30: {  	[tilespmem:s11], [sflag:$0x1] =	stream.indirect.gather [hbm4b:s3+s10], $0x80, s2, s10, $0xb8;
	[tilespmem:$0x8100] =	vst v63  }
0x31: {  	_ = 	snop  }
0x32: {  	[tilespmem:s12], [sflag:$0x2] =	stream.indirect.gather [hbm4b:s3+s10], $0x80, s10, s10, $0xb8;
	[tilespmem:$0x8100] =	vst v63  }
0x33: {  	_ =	swait.ge [sflag:s13], $0x4000  }
0x34: {  	[sflag:s13] =	ssyncset.done $0x0  }
0x35: {  	[sflag:s13] =	ssyncadd.s32 $0xFFFFC000  }
0x36: {  	_ =	swait.ge [sflag:s14], $0x4000  }
0x37: {  	[sflag:s14] =	ssyncset.done $0x0  }
0x38: {  	[sflag:s14] =	ssyncadd.s32 $0xFFFFC000  }
0x39: {  	[hbm4b:s17+s2] =	stream.linear.scatter [tilespmem:s11], [sflag:$0x3], $0x4000, $0x38;
	[tilespmem:$0x8100] =	vst v63  }
0x3a: {  	_ =	swait.ge [sflag:s9], $0x4000  }
.Ltmp0:
0x3b: {  	[sflag:s9] =	ssyncset.done $0x0;
	(pc) =	sbr.rel @p0 .LBB2_2-.Ltmp0, $4  }
0x3c: {  	[sflag:s9] =	ssyncadd.s32 $0xFFFFC000  }
0x3d: {  	[hbm4b:s16+s2] =	stream.linear.scatter [tilespmem:s12], [sflag:$0x3], $0x4000, $0x38;
	[tilespmem:$0x8100] =	vst v63  }
0x3e: {  	s19 =	smov.u32 s22;
	_ =	swait.ge [sflag:s9], $0x4000  }
0x3f: {  	s17 =	sadd.s32 $0x800, s17;
	s16 =	sadd.s32 $0x800, s16;
	[sflag:s9] =	ssyncset.done $0x0  }
0x40: {  	s19 =	sadd.s32 s18, s8;
	[sflag:s9] =	ssyncadd.s32 $0xFFFFC000  }
0x41: {  	[tilespmem:s2], [sflag:$0x3] =	stream.linear.gather [hbm4b:s19+s2], $0x80, $0x38;
	[tilespmem:$0x8100] =	vst v63  }
0x42: {  	_ =	swait.ge [sflag:s9], $0x80  }
0x43: {  	[sflag:s9] =	ssyncset.done $0x0  }
0x44: {  	s31 =	sadd.s32 s18, s7;
	[sflag:s9] =	ssyncadd.s32 $0xFFFFFF80  }
0x45: {  	[tilespmem:s10], [sflag:$0x3] =	stream.linear.gather [hbm4b:s31+s2], $0x80, $0x38;
	[tilespmem:$0x8100] =	vst v63  }
0x46: {  	_ =	swait.ge [sflag:s9], $0x80  }
0x47: {  	[sflag:s9] =	ssyncset.done $0x0  }
0x48: {  	[sflag:s9] =	ssyncadd.s32 $0xFFFFFF80  }
0x49: {  	[tilespmem:s11], [sflag:$0x1] =	stream.indirect.gather [hbm4b:s3+s10], $0x80, s2, s10, $0xb8;
	[tilespmem:$0x8100] =	vst v63  }
0x4a: {  	_ = 	snop  }
0x4b: {  	[tilespmem:s12], [sflag:$0x2] =	stream.indirect.gather [hbm4b:s3+s10], $0x80, s10, s10, $0xb8;
	[tilespmem:$0x8100] =	vst v63  }
0x4c: {  	_ =	swait.ge [sflag:s13], $0x4000  }
0x4d: {  	[sflag:s13] =	ssyncset.done $0x0  }
0x4e: {  	[sflag:s13] =	ssyncadd.s32 $0xFFFFC000  }
0x4f: {  	_ =	swait.ge [sflag:s14], $0x4000  }
0x50: {  	[sflag:s14] =	ssyncset.done $0x0  }
0x51: {  	[sflag:s14] =	ssyncadd.s32 $0xFFFFC000  }
0x52: {  	[hbm4b:s17+s2] =	stream.linear.scatter [tilespmem:s11], [sflag:$0x3], $0x4000, $0x38;
	[tilespmem:$0x8100] =	vst v63  }
0x53: {  	s15 =	sadd.s32 $0x1, s15;
	_ =	swait.ge [sflag:s9], $0x4000  }
0x54: {  	p0 =	sne.s32 s15, s4;
	[sflag:s9] =	ssyncset.done $0x0  }
.Ltmp1:
0x55: {  	[sflag:s9] =	ssyncadd.s32 $0xFFFFC000;
	(pc) =	sbr.rel @p0 .LBB2_1-.Ltmp1, $4  }
0x56: {  	[hbm4b:s16+s2] =	stream.linear.scatter [tilespmem:s12], [sflag:$0x3], $0x4000, $0x38;
	[tilespmem:$0x8100] =	vst v63  }
0x57: {  	_ =	swait.ge [sflag:s9], $0x4000  }
0x58: {  	[sflag:s9] =	ssyncset.done $0x0  }
0x59: {  	[sflag:s9] =	ssyncadd.s32 $0xFFFFC000  }
0x5a: {  	_ =	sfence.sel $0x180000  }
0x5b: {  	[bflag:$0x0] =	sbarrier.arrive $0xFFFF  }
0x5c: {  	p0 =	sne.s32 s1, $0x0;
	_ =	strace $0x90000056  }
0x5d: {  	s0 =	sadd.s32 @!p0 $0x100000, s0;
	[bflag:$0x2] =	sbarrier.arrive $0xFFFF  }
0x5e: {  	[sflag:s0] =	ssyncadd.tile.s32 @!p0 $0x1;
	_ =	shalt  }
.Lfunc_end2:
_tile_overlayer_lowered:
.L_overlay_start_2:
0x5f: {  	(tag) =	ssettag $0x2  }
0x60: {  	s0 =	rddreg [dreg:$0x0];
	s2 =	stileid.u32  }
0x61: {  	s1 =	rddreg [dreg:$0x1];
	p0 =	sne.s32 s2, $0x0  }
0x62: {  	s3 =	rddreg [dreg:$0x2];
	[bflag:$0x3] =	sbarrier.arrive $0xFFFF;
	s2 =	simm.s32 @!p0 $0x1C03  }
0x63: {  	[timem:s3], [sflag:s2] =	dma.local @!p0 [hbm:s0], s1  }
0x64: {  	s0 =	simm.s32 @!p0 $0x3  }
0x65: {  	_ =	swait.ge @!p0 [sflag:s0], s1  }
0x66: {  	s1 =	ssub.s32 @!p0 $0x0, s1;
	[sflag:s0] =	ssyncset.done @!p0 $0x0  }
0x67: {  	[sflag:s0] =	ssyncadd.s32 @!p0 s1  }
0x68: {  	[bflag:$0x3] =	sbarrier.arrive $0xFFFF  }
0x69: {  	_ =	shalt  }

// kernel: kernel.24.cloned.1.call-start
scs
__scs_entry_jumppad:
0x0: {  	(pc) =	sbr.rel $0x88, $3  }
0x1: {  	(tag) =	ssettag $0x0;
	lr =	simm.s32 $0x1  }
0x2: {  	[smem:$0x3F74] =	sst lr;
	_ =	strace $0xD0000000  }
0x3: {  	_ = 	snop  }
0x4: {  	_ = 	snop  }
0x5: {  	_ = 	snop  }
0x6: {  	_ = 	snop  }
0x7: {  	_ = 	snop  }
__scs_overlays_trampoline_lowered:
0x8: {  	[smem:$0x3F83] =	sst s0  }
0x9: {  	[smem:$0x3F84] =	sst s1  }
0xa: {  	[smem:$0x3F85] =	sst s2  }
0xb: {  	[smem:$0x3F86] =	sst s3  }
0xc: {  	[smem:$0x3F87] =	sst s4  }
0xd: {  	[smem:$0x3F88] =	sst s5  }
0xe: {  	[smem:$0x3F89] =	sst s6  }
0xf: {  	[smem:$0x3F8A] =	sst s7  }
0x10: {  	[smem:$0x3F8B] =	sst s8  }
0x11: {  	[smem:$0x3F8C] =	sst s9;
	s0 =	simm.s32 @!p0 $0x0  }
0x12: {  	s1 =	sld [smem:$0x3F72];
	s0 =	simm.s32 @p0 $0x1  }
0x13: {  	[smem:$0x3F8D] =	sst s0;
	s0 =	simm.s32 @!p1 $0x0  }
0x14: {  	s2 =	sld [smem:$0x3F71];
	s0 =	simm.s32 @p1 $0x1  }
0x15: {  	[smem:$0x3F8E] =	sst s0;
	s0 =	simm.s32 @!p2 $0x0  }
0x16: {  	s3 =	sld [smem:$0x3FDB];
	s0 =	simm.s32 @p2 $0x1  }
0x17: {  	s4 =	simm.s32 $0x1BF5;
	[smem:$0x3F90] =	sst s0  }
0x18: {  	s0 =	sld [smem:$0x3F73];
	_ =	swait.ge [sflag:s4], $0x0  }
0x19: {  	s7 =	sld [smem:$0x3F74]  }
0x1a: {  	s8 =	sadd.s32 $0xFFFFE003, lr  }
0x1b: {  	s9 =	sadd.s32 $0xFFFFFEF7, lr;
	s5 =	simm.s32 $0xFFFFFFFF;
	p2 =	slt.u32 s8, $0xFFFFF086  }
0x1c: {  	p1 =	slt.u32 s9, $0xF7A;
	s5 =	simm.s32 @!p2 $0x0  }
0x1d: {  	s5 =	simm.s32 @p1 $0x1;
	p0 =	seq.s32 s7, s2  }
0x1e: {  	s7 =	smul.u32 @!p0 $0xF7A, s2;
	p2 =	seq.s32 @!p0 s5, $0x0  }
0x1f: {  	s9 =	smul.u32 $0xF7A, s1;
	s8 =	simm.s32 @!p0 $0x1BF5;
	p2 =	por !p2, p0  }
0x20: {  	[sflag:s8] =	ssyncset.s32 @!p0 $0xFFFFF086;
	s6 =	sadd.s32 @!p0 s3, s7;
	s7 =	simm.s32 @!p0 $0x108  }
0x21: {  	s3 =	sadd.s32 s3, s9;
	s6 =	sadd.s32 @!p0 $0x88, s6;
	s7 =	simm.s32 @p2 $0x1082  }
0x22: {  	[simem:s7], [sflag:s8] =	dma.local @!p0 [hbm:s6], $0xF7A  }
0x23: {  	s9 =	sor.u32 $0xD0000000, s2;
	s6 =	simm.s32 $0x108;
	_ =	swait.ge @!p0 [sflag:s8], $0x0  }
0x24: {  	s3 =	sadd.s32 $0x88, s3;
	s6 =	simm.s32 @!p1 $0x1082;
	[sflag:s4] =	ssyncset.s32 $0xFFFFF086  }
0x25: {  	[simem:s6], [sflag:s4] =	dma.local [hbm:s3], $0xF7A  }
0x26: {  	[smem:$0x3F74] =	sst s1;
	(tag) =	ssettag s2;
	_ =	strace s9  }
0x27: {  	s1 =	sld [smem:$0x3F84]  }
0x28: {  	s2 =	sld [smem:$0x3F85]  }
0x29: {  	s4 =	sld [smem:$0x3F87]  }
0x2a: {  	p0 =	seq.s32 s5, $0x0;
	s5 =	sld [smem:$0x3F88]  }
0x2b: {  	s6 =	sld [smem:$0x3F89]  }
0x2c: {  	s7 =	sld [smem:$0x3F8A]  }
0x2d: {  	s3 =	simm.s32 $0x108;
	s8 =	sld [smem:$0x3F8B]  }
0x2e: {  	s3 =	simm.s32 @!p0 $0x1082;
	s9 =	sld [smem:$0x3F8C]  }
0x2f: {  	lr =	sadd.s32 s0, s3;
	s0 =	sld [smem:$0x3F83]  }
0x30: {  	s3 =	sld [smem:$0x3F86]  }
0x31: {  	[smem:$0x3F8F] =	sst s10  }
0x32: {  	s10 =	sld [smem:$0x3F8D];
	_ =	sdelay $0x3  }
0x33: {  	p0 =	seq.s32 s10, $0x1;
	s10 =	sld [smem:$0x3F8F];
	_ =	sdelay $0x3  }
0x34: {  	[smem:$0x3F8F] =	sst s10  }
0x35: {  	s10 =	sld [smem:$0x3F8E];
	_ =	sdelay $0x3  }
0x36: {  	p1 =	seq.s32 s10, $0x1;
	s10 =	sld [smem:$0x3F8F];
	_ =	sdelay $0x3  }
0x37: {  	[smem:$0x3F8F] =	sst s10  }
0x38: {  	s10 =	sld [smem:$0x3F90]  }
0x39: {  	_ = 	snop;
	(pc) =	sbr.ind lr, $3  }
0x3a: {  	_ = 	snop  }
0x3b: {  	_ = 	snop  }
0x3c: {  	p2 =	seq.s32 s10, $0x1;
	s10 =	sld [smem:$0x3F8F]  }
0x3d: {  	_ =	shalt  }
0x3e: {  	_ =	shalt  }
0x3f: {  	_ =	shalt  }
0x40: {  	_ =	shalt  }
0x41: {  	_ =	shalt  }
0x42: {  	_ =	shalt  }
0x43: {  	_ =	shalt  }
0x44: {  	_ =	shalt  }
0x45: {  	_ =	shalt  }
0x46: {  	_ =	shalt  }
0x47: {  	_ =	shalt  }
0x48: {  	_ =	shalt  }
0x49: {  	_ =	shalt  }
0x4a: {  	_ =	shalt  }
0x4b: {  	_ =	shalt  }
0x4c: {  	_ =	shalt  }
0x4d: {  	_ =	shalt  }
0x4e: {  	_ =	shalt  }
0x4f: {  	_ =	shalt  }
0x50: {  	_ =	shalt  }
0x51: {  	_ =	shalt  }
0x52: {  	_ =	shalt  }
0x53: {  	_ =	shalt  }
0x54: {  	_ =	shalt  }
0x55: {  	_ =	shalt  }
0x56: {  	_ =	shalt  }
0x57: {  	_ =	shalt  }
0x58: {  	_ =	shalt  }
0x59: {  	_ =	shalt  }
0x5a: {  	_ =	shalt  }
0x5b: {  	_ =	shalt  }
0x5c: {  	_ =	shalt  }
0x5d: {  	_ =	shalt  }
0x5e: {  	_ =	shalt  }
0x5f: {  	_ =	shalt  }
0x60: {  	_ =	shalt  }
0x61: {  	_ =	shalt  }
0x62: {  	_ =	shalt  }
0x63: {  	_ =	shalt  }
0x64: {  	_ =	shalt  }
0x65: {  	_ =	shalt  }
0x66: {  	_ =	shalt  }
0x67: {  	_ =	shalt  }
0x68: {  	_ =	shalt  }
0x69: {  	_ =	shalt  }
0x6a: {  	_ =	shalt  }
0x6b: {  	_ =	shalt  }
0x6c: {  	_ =	shalt  }
0x6d: {  	_ =	shalt  }
0x6e: {  	_ =	shalt  }
0x6f: {  	_ =	shalt  }
0x70: {  	_ =	shalt  }
0x71: {  	_ =	shalt  }
0x72: {  	_ =	shalt  }
0x73: {  	_ =	shalt  }
0x74: {  	_ =	shalt  }
0x75: {  	_ =	shalt  }
0x76: {  	_ =	shalt  }
0x77: {  	_ =	shalt  }
0x78: {  	_ =	shalt  }
0x79: {  	_ =	shalt  }
0x7a: {  	_ =	shalt  }
0x7b: {  	_ =	shalt  }
0x7c: {  	_ =	shalt  }
0x7d: {  	_ =	shalt  }
0x7e: {  	_ =	shalt  }
0x7f: {  	_ =	shalt  }
0x80: {  	_ =	shalt  }
0x81: {  	_ =	shalt  }
0x82: {  	_ =	shalt  }
0x83: {  	_ =	shalt  }
0x84: {  	_ =	shalt  }
0x85: {  	_ =	shalt  }
0x86: {  	_ =	shalt  }
0x87: {  	_ =	shalt  }
.Lfunc_end0:
.L_simem_size_0:
called_computation.6_lowered:
.L_overlay_start_0:
0x88: {  	s2 =	sld [smem:$0x3FD9]  }
0x89: {  	s3 =	sld [smem:$0x3FFE];
	_ =	sdelay $0x1  }
0x8a: {  	s1 =	srdreg.scid  }
0x8b: {  	s0 =	sand.u32 $0x1, s1  }
0x8c: {  	s17 =	sshll.u32 s0, $0xA;
	s2 =	sadd.s32 s3, s2  }
0x8d: {  	s2 =	sadd.s32 s2, s17  }
0x8e: {  	[smem:$0x3F9B] =	sst s2  }
0x8f: {  	_ = 	snop  }
0x90: {  	s2 =	sld [smem:$0x3FD0];
	(tm) =	ssettm $0x1  }
0x91: {  	s18 =	sld [smem:$0x3FFB];
	_ =	sdelay $0x3  }
0x92: {  	_ =	strace s18  }
0x93: {  	s3 =	sld [smem:$0x3FFC];
	_ =	sdelay $0x3  }
0x94: {  	_ =	strace s3  }
0x95: {  	s3 =	sld [smem:$0x3FFD];
	_ =	sdelay $0x3  }
0x96: {  	_ =	strace s3  }
0x97: {  	_ =	strace $0x8FFFFFFF  }
0x98: {  	s19 =	sld [smem:$0x3FDB];
	_ =	sdelay $0x1  }
0x99: {  	s4 =	simm.s32 $_scs_section_size  }
0x9a: {  	s5 =	simm.s32 $_size__tile_overlayer_lowered;
	s6 =	simm.s32 $_tile_overlayer_lowered  }
0x9b: {  	s22 =	simm.s32 $0x1BFF;
	s21 =	sshll.u32 s6, $0x1;
	s3 =	sadd.s32 s4, s19  }
0x9c: {  	s7 =	simm.s32 $0x0;
	s20 =	sshll.u32 s5, $0x1;
	s5 =	sadd.s32 s21, s3  }
0x9d: {  	[timem:s7], [sflag:s22] =	dma.local [hbm:s5], s20  }
0x9e: {  	_ =	swait.ge [sflag:s22], s20  }
0x9f: {  	s4 =	ssub.s32 $0x0, s20;
	[sflag:s22] =	ssyncset.done $0x0  }
0xa0: {  	[sflag:s22] =	ssyncadd.s32 s4;
	_ =	sdelay $0x1  }
0xa1: {  	s23 =	simm.s32 $0x1B8B  }
0xa2: {  	_ =	swait.ge [sflag:s23], $0x1  }
0xa3: {  	[sflag:s23] =	ssyncset.done $0x0  }
0xa4: {  	s25 =	simm.s32 $0x1B8E;
	s24 =	sld [smem:$0x3FFE];
	[sflag:s23] =	ssyncadd.s32 $0xFFFFFFFF  }
0xa5: {  	s26 =	simm.s32 $execute0_lowered;
	[smem:$0x3FD2] =	sst s25  }
0xa6: {  	s5 =	sshll.u32 s26, $0x1;
	_ =	strace $0x80000058;
	[dreg:$0x1] =	wrdreg $0xFFFFFFFF  }
0xa7: {  	s28 =	simm.s32 $_size_execute0_lowered;
	s3 =	sadd.s32 s3, s5;
	[dreg:$0x0] =	wrdreg $0x0  }
0xa8: {  	s5 =	sshll.u32 s28, $0x1;
	[dreg:$0x2] =	wrdreg s3  }
0xa9: {  	[dreg:$0x3] =	wrdreg s5  }
0xaa: {  	[dreg:$0x4] =	wrdreg $0xC0  }
0xab: {  	_ =	task [dreg:s7], $0x5FFFF  }
0xac: {  	[dreg:$0x1] =	wrdreg $0xFFFFFFFF  }
0xad: {  	[dreg:$0x0] =	wrdreg $0x60  }
0xae: {  	[dreg:$0x2] =	wrdreg s24  }
0xaf: {  	[dreg:$0x3] =	wrdreg s2  }
0xb0: {  	[dreg:$0x4] =	wrdreg $0x9  }
0xb1: {  	_ =	task.clear_ibuf [dreg:s7], $0x5FFFF;
	_ =	strace $0x90000058  }
0xb2: {  	s29 =	simm.s32 $0x9;
	_ =	strace $0x8000005A  }
0xb3: {  	_ =	swait.ge [sflag:s29], $0x1  }
0xb4: {  	[sflag:s29] =	ssyncadd.s32 $0xFFFFFFFF  }
0xb5: {  	_ =	strace $0x9000005A  }
0xb6: {  	_ =	sfence  }
0xb7: {  	s30 =	sld [smem:$0x0];
	_ =	sdelay $0x2  }
0xb8: {  	s31 =	sshll.u32 s1, $0xD;
	s1 =	sshrl.u32 s1, $0x2  }
0xb9: {  	s3 =	sand.u32 $0x4000, s31;
	s1 =	sadd.s32 s1, s30  }
0xba: {  	s0 =	sor.u32 s3, s0;
	s1 =	sshll.u32 s1, $0x11  }
0xbb: {  	s0 =	sor.u32 s1, s0  }
0xbc: {  	s0 =	sadd.s32 $0x8F2B, s0  }
0xbd: {  	[sflag:s0] =	ssyncadd.remote.s32 $0x1  }
0xbe: {  	_ =	sfence.sel $0xFFFF  }
0xbf: {  	[dreg:$0x0] =	wrdreg $0xFFFFFFFF;
	(pc) =	sbr.abs _section_cstart, $3  }
0xc0: {  	[dreg:$0x1] =	wrdreg $0xFFFFFFFF  }
0xc1: {  	_ =	task.clear_ibuf [dreg:s7], $0x2FFFF;
	_ =	strace $0x9FFFFFFF  }
0xc2: {  	(tm) =	ssettm $0x7FFFFFFF  }
0xc3: {  	_ =	shalt  }
tec
execute0_lowered:
.L_overlay_start_1:
0x0: {  	(tag) =	ssettag $0x1  }
0x1: {  	s4 =	rddreg [dreg:$0x0]  }
0x2: {  	s8 =	rddreg [dreg:$0x1]  }
0x3: {  	s0 =	rddreg [dreg:$0x2];
	s2 =	simm.s32 $0x0  }
0x4: {  	s3 =	srdreg.scid;
	s1 =	stileid.u32;
	s12 =	simm.s32 $0x4100  }
0x5: {  	s13 =	simm.s32 $0x1;
	s14 =	simm.s32 $0x2;
	s6 =	smul.u32 $0xD00, s1  }
0x6: {  	s15 =	simm.s32 $0x0;
	s5 =	sand.u32 $0x1, s3;
	s9 =	smul.u32 $0xD000, s1  }
0x7: {  	[smem:$0x7FF] =	sst s2;
	s3 =	sadd.s32 $0x4027800, s4;
	s7 =	smul.u32 $0x680, s5  }
0x8: {  	_ =	strace $0x80000059;
	s28 =	ssub.s32 $0x2, s5;
	s5 =	smul.u32 $0x6800, s5  }
0x9: {  	s29 =	sadd.s32 s9, s4;
	s30 =	sshrl.u32 s28, $0x1;
	s6 =	sadd.s32 s7, s6  }
0xa: {  	s9 =	simm.s32 $0x3;
	s31 =	ssub.s32 s28, s30;
	s10 =	sshrl.u32 s6, $0x3  }
0xb: {  	s6 =	sadd.s32 s5, s29;
	s11 =	sadd.s32 s10, s4;
	s4 =	smax.u32 s31, $0x1  }
0xc: {  	s5 =	sadd.s32 $0x293B800, s6;
	s6 =	sadd.s32 $0x2A0B800, s6;
	s8 =	sadd.s32 s10, s8  }
0xd: {  	s10 =	simm.s32 $0x80;
	s7 =	sadd.s32 $0x6AC00, s11;
	s11 =	simm.s32 $0x100  }
.LBB2_1:
0xe: {  	s16 =	sadd.s32 $0x0, s8  }
0xf: {  	[tilespmem:s2], [sflag:$0x3] =	stream.linear.gather [hbm4b:s16+s2], $0x80, $0x38;
	[tilespmem:$0x8100] =	vst v63  }
0x10: {  	_ =	swait.ge [sflag:s9], $0x80  }
0x11: {  	[sflag:s9] =	ssyncset.done $0x0  }
0x12: {  	s31 =	sadd.s32 $0x0, s7;
	[sflag:s9] =	ssyncadd.s32 $0xFFFFFF80  }
0x13: {  	[tilespmem:s10], [sflag:$0x3] =	stream.linear.gather [hbm4b:s31+s2], $0x80, $0x38;
	[tilespmem:$0x8100] =	vst v63  }
0x14: {  	_ =	swait.ge [sflag:s9], $0x80  }
0x15: {  	[sflag:s9] =	ssyncset.done $0x0  }
0x16: {  	[sflag:s9] =	ssyncadd.s32 $0xFFFFFF80  }
0x17: {  	[tilespmem:s11], [sflag:$0x1] =	stream.indirect.gather [hbm4b:s3+s10], $0x80, s2, s10, $0xb8;
	[tilespmem:$0x8100] =	vst v63  }
0x18: {  	_ = 	snop  }
0x19: {  	[tilespmem:s12], [sflag:$0x2] =	stream.indirect.gather [hbm4b:s3+s10], $0x80, s10, s10, $0xb8;
	[tilespmem:$0x8100] =	vst v63  }
0x1a: {  	_ =	swait.ge [sflag:s13], $0x4000  }
0x1b: {  	[sflag:s13] =	ssyncset.done $0x0  }
0x1c: {  	[sflag:s13] =	ssyncadd.s32 $0xFFFFC000  }
0x1d: {  	_ =	swait.ge [sflag:s14], $0x4000  }
0x1e: {  	[sflag:s14] =	ssyncset.done $0x0  }
0x1f: {  	[sflag:s14] =	ssyncadd.s32 $0xFFFFC000  }
0x20: {  	[hbm4b:s5+s2] =	stream.linear.scatter [tilespmem:s11], [sflag:$0x3], $0x4000, $0x38;
	[tilespmem:$0x8100] =	vst v63  }
0x21: {  	_ =	swait.ge [sflag:s9], $0x4000  }
0x22: {  	[sflag:s9] =	ssyncset.done $0x0  }
0x23: {  	[sflag:s9] =	ssyncadd.s32 $0xFFFFC000  }
0x24: {  	[hbm4b:s6+s2] =	stream.linear.scatter [tilespmem:s12], [sflag:$0x3], $0x4000, $0x38;
	[tilespmem:$0x8100] =	vst v63  }
0x25: {  	s18 =	simm.s32 $0x10;
	s19 =	simm.s32 $0x20;
	_ =	swait.ge [sflag:s9], $0x4000  }
0x26: {  	s17 =	sadd.s32 $0x800, s5;
	s16 =	sadd.s32 $0x800, s6;
	[sflag:s9] =	ssyncset.done $0x0  }
.LBB2_2:
0x27: {  	s20 =	sadd.s32 s18, s8  }
0x28: {  	[sflag:s9] =	ssyncadd.s32 $0xFFFFC000;
	s21 =	smov.u32 s19;
	s22 =	sadd.s32 $0x10, s19  }
0x29: {  	[tilespmem:s2], [sflag:$0x3] =	stream.linear.gather [hbm4b:s20+s2], $0x80, $0x38;
	[tilespmem:$0x8100] =	vst v63  }
0x2a: {  	p0 =	sne.s32 s19, $0xC0;
	_ =	swait.ge [sflag:s9], $0x80  }
0x2b: {  	[sflag:s9] =	ssyncset.done $0x0  }
0x2c: {  	s19 =	sadd.s32 s18, s7;
	s18 =	smov.u32 s21;
	[sflag:s9] =	ssyncadd.s32 $0xFFFFFF80  }
0x2d: {  	[tilespmem:s10], [sflag:$0x3] =	stream.linear.gather [hbm4b:s19+s2], $0x80, $0x38;
	[tilespmem:$0x8100] =	vst v63  }
0x2e: {  	_ =	swait.ge [sflag:s9], $0x80  }
0x2f: {  	[sflag:s9] =	ssyncset.done $0x0  }
0x30: {  	[sflag:s9] =	ssyncadd.s32 $0xFFFFFF80  }
0x31: {  	[tilespmem:s11], [sflag:$0x1] =	stream.indirect.gather [hbm4b:s3+s10], $0x80, s2, s10, $0xb8;
	[tilespmem:$0x8100] =	vst v63  }
0x32: {  	_ = 	snop  }
0x33: {  	[tilespmem:s12], [sflag:$0x2] =	stream.indirect.gather [hbm4b:s3+s10], $0x80, s10, s10, $0xb8;
	[tilespmem:$0x8100] =	vst v63  }
0x34: {  	_ =	swait.ge [sflag:s13], $0x4000  }
0x35: {  	[sflag:s13] =	ssyncset.done $0x0  }
0x36: {  	[sflag:s13] =	ssyncadd.s32 $0xFFFFC000  }
0x37: {  	_ =	swait.ge [sflag:s14], $0x4000  }
0x38: {  	[sflag:s14] =	ssyncset.done $0x0  }
0x39: {  	[sflag:s14] =	ssyncadd.s32 $0xFFFFC000  }
0x3a: {  	[hbm4b:s17+s2] =	stream.linear.scatter [tilespmem:s11], [sflag:$0x3], $0x4000, $0x38;
	[tilespmem:$0x8100] =	vst v63  }
0x3b: {  	_ =	swait.ge [sflag:s9], $0x4000  }
.Ltmp0:
0x3c: {  	[sflag:s9] =	ssyncset.done $0x0;
	(pc) =	sbr.rel @p0 .LBB2_2-.Ltmp0, $4  }
0x3d: {  	[sflag:s9] =	ssyncadd.s32 $0xFFFFC000  }
0x3e: {  	[hbm4b:s16+s2] =	stream.linear.scatter [tilespmem:s12], [sflag:$0x3], $0x4000, $0x38;
	[tilespmem:$0x8100] =	vst v63  }
0x3f: {  	s19 =	smov.u32 s22;
	_ =	swait.ge [sflag:s9], $0x4000  }
0x40: {  	s17 =	sadd.s32 $0x800, s17;
	s16 =	sadd.s32 $0x800, s16;
	[sflag:s9] =	ssyncset.done $0x0  }
0x41: {  	s19 =	sadd.s32 s18, s8;
	[sflag:s9] =	ssyncadd.s32 $0xFFFFC000  }
0x42: {  	[tilespmem:s2], [sflag:$0x3] =	stream.linear.gather [hbm4b:s19+s2], $0x80, $0x38;
	[tilespmem:$0x8100] =	vst v63  }
0x43: {  	_ =	swait.ge [sflag:s9], $0x80  }
0x44: {  	[sflag:s9] =	ssyncset.done $0x0  }
0x45: {  	s31 =	sadd.s32 s18, s7;
	[sflag:s9] =	ssyncadd.s32 $0xFFFFFF80  }
0x46: {  	[tilespmem:s10], [sflag:$0x3] =	stream.linear.gather [hbm4b:s31+s2], $0x80, $0x38;
	[tilespmem:$0x8100] =	vst v63  }
0x47: {  	_ =	swait.ge [sflag:s9], $0x80  }
0x48: {  	[sflag:s9] =	ssyncset.done $0x0  }
0x49: {  	[sflag:s9] =	ssyncadd.s32 $0xFFFFFF80  }
0x4a: {  	[tilespmem:s11], [sflag:$0x1] =	stream.indirect.gather [hbm4b:s3+s10], $0x80, s2, s10, $0xb8;
	[tilespmem:$0x8100] =	vst v63  }
0x4b: {  	_ = 	snop  }
0x4c: {  	[tilespmem:s12], [sflag:$0x2] =	stream.indirect.gather [hbm4b:s3+s10], $0x80, s10, s10, $0xb8;
	[tilespmem:$0x8100] =	vst v63  }
0x4d: {  	_ =	swait.ge [sflag:s13], $0x4000  }
0x4e: {  	[sflag:s13] =	ssyncset.done $0x0  }
0x4f: {  	[sflag:s13] =	ssyncadd.s32 $0xFFFFC000  }
0x50: {  	_ =	swait.ge [sflag:s14], $0x4000  }
0x51: {  	[sflag:s14] =	ssyncset.done $0x0  }
0x52: {  	[sflag:s14] =	ssyncadd.s32 $0xFFFFC000  }
0x53: {  	[hbm4b:s17+s2] =	stream.linear.scatter [tilespmem:s11], [sflag:$0x3], $0x4000, $0x38;
	[tilespmem:$0x8100] =	vst v63  }
0x54: {  	s15 =	sadd.s32 $0x1, s15;
	_ =	swait.ge [sflag:s9], $0x4000  }
0x55: {  	p0 =	sne.s32 s15, s4;
	[sflag:s9] =	ssyncset.done $0x0  }
.Ltmp1:
0x56: {  	[sflag:s9] =	ssyncadd.s32 $0xFFFFC000;
	(pc) =	sbr.rel @p0 .LBB2_1-.Ltmp1, $4  }
0x57: {  	[hbm4b:s16+s2] =	stream.linear.scatter [tilespmem:s12], [sflag:$0x3], $0x4000, $0x38;
	[tilespmem:$0x8100] =	vst v63  }
0x58: {  	_ =	swait.ge [sflag:s9], $0x4000  }
0x59: {  	[sflag:s9] =	ssyncset.done $0x0  }
0x5a: {  	[sflag:s9] =	ssyncadd.s32 $0xFFFFC000  }
0x5b: {  	_ =	sfence.sel $0x180000  }
0x5c: {  	[bflag:$0x0] =	sbarrier.arrive $0xFFFF  }
0x5d: {  	p0 =	sne.s32 s1, $0x0;
	_ =	strace $0x90000059  }
0x5e: {  	s0 =	sadd.s32 @!p0 $0x100000, s0;
	[bflag:$0x2] =	sbarrier.arrive $0xFFFF  }
0x5f: {  	[sflag:s0] =	ssyncadd.tile.s32 @!p0 $0x1;
	_ =	shalt  }
.Lfunc_end2:
_tile_overlayer_lowered:
.L_overlay_start_2:
0x60: {  	(tag) =	ssettag $0x2  }
0x61: {  	s0 =	rddreg [dreg:$0x0];
	s2 =	stileid.u32  }
0x62: {  	s1 =	rddreg [dreg:$0x1];
	p0 =	sne.s32 s2, $0x0  }
0x63: {  	s3 =	rddreg [dreg:$0x2];
	[bflag:$0x3] =	sbarrier.arrive $0xFFFF;
	s2 =	simm.s32 @!p0 $0x1C03  }
0x64: {  	[timem:s3], [sflag:s2] =	dma.local @!p0 [hbm:s0], s1  }
0x65: {  	s0 =	simm.s32 @!p0 $0x3  }
0x66: {  	_ =	swait.ge @!p0 [sflag:s0], s1  }
0x67: {  	s1 =	ssub.s32 @!p0 $0x0, s1;
	[sflag:s0] =	ssyncset.done @!p0 $0x0  }
0x68: {  	[sflag:s0] =	ssyncadd.s32 @!p0 s1  }
0x69: {  	[bflag:$0x3] =	sbarrier.arrive $0xFFFF  }
0x6a: {  	_ =	shalt  }

</sc_bundles>
